<compile_context>
chip_gen: v7x
topology: tpu7x:2x2x1
jax: 0.10.2.dev20260603
libtpu: 0.0.44.dev20260713+nightly
codegen_flags: <defaults>
</compile_context>

<pallas_src>
import functools

import jax
import jax.numpy as jnp
from jax import lax
from jax.experimental import pallas as pl
from jax.experimental.pallas import tpu as pltpu
from jax.experimental.pallas import tpu_sc as plsc

_NW = 16
_CH = 16384
_L = 16
_U = 16


def _sc_body(sc_base, per_w, yp_hbm, s_hbm, g_hbm, out_hbm,
             ypA, sA, gA, ypB, sB, gB, outb, semA, semB):
    wid = lax.axis_index("s")
    base = sc_base + wid * per_w
    n_chunks = per_w // _CH
    n_pairs = n_chunks // 2

    def start(bufs, sem, off):
        pltpu.async_copy(yp_hbm.at[pl.ds(off, _CH)], bufs[0], sem)
        pltpu.async_copy(s_hbm.at[pl.ds(off, _CH)], bufs[1], sem)
        pltpu.async_copy(g_hbm.at[pl.ds(off, _CH)], bufs[2], sem)

    def drain(bufs, sem):
        pltpu.make_async_copy(yp_hbm.at[pl.ds(0, _CH)], bufs[0], sem).wait()
        pltpu.make_async_copy(s_hbm.at[pl.ds(0, _CH)], bufs[1], sem).wait()
        pltpu.make_async_copy(g_hbm.at[pl.ds(0, _CH)], bufs[2], sem).wait()

    bufA = (ypA, sA, gA)
    bufB = (ypB, sB, gB)

    def process(bufs, accs):
        ypb, sb, gb = bufs

        def inner(j, acc):
            acc = list(acc)
            jb = j * (_U * _L)
            for k in range(_U):
                o = jb + k * _L
                yp = ypb[pl.ds(o, _L)]
                sv = sb[pl.ds(o, _L)]
                gv = gb[pl.ds(o, _L)]
                gs = gv & sv
                gf = gv.astype(jnp.float32)
                gsf = gs.astype(jnp.float32)
                t = 4 * (k % 2)
                acc[t + 0] = acc[t + 0] + gf * yp
                acc[t + 1] = acc[t + 1] + gsf * yp
                acc[t + 2] = acc[t + 2] + gv
                acc[t + 3] = acc[t + 3] + gs
            return tuple(acc)

        return lax.fori_loop(0, _CH // (_U * _L), inner, accs)

    zf = jnp.zeros((_L,), jnp.float32)
    zi = jnp.zeros((_L,), jnp.int32)
    accs = (zf, zf, zi, zi, zf, zf, zi, zi)

    start(bufA, semA, base)

    def pair_body(cp, accs):
        c0 = 2 * cp
        start(bufB, semB, base + (c0 + 1) * _CH)
        drain(bufA, semA)
        accs = process(bufA, accs)

        @pl.when(c0 + 2 < n_chunks)
        def _():
            start(bufA, semA, base + (c0 + 2) * _CH)

        drain(bufB, semB)
        return process(bufB, accs)

    accs = lax.fori_loop(0, n_pairs, pair_body, accs)

    sp = accs[0] + accs[4]
    s1 = accs[1] + accs[5]
    npos = (accs[2] + accs[6]).astype(jnp.float32)
    n1 = (accs[3] + accs[7]).astype(jnp.float32)
    outb[pl.ds(0, _L)] = sp
    outb[pl.ds(_L, _L)] = s1
    outb[pl.ds(2 * _L, _L)] = npos
    outb[pl.ds(3 * _L, _L)] = n1
    pltpu.sync_copy(outb, out_hbm.at[wid])


def _sc_partials_1core(yp, sv, gv, sc_base, sc_elems):
    per_w = sc_elems // _NW
    mesh = plsc.VectorSubcoreMesh(
        core_axis_name="c", subcore_axis_name="s", num_cores=1)
    k = functools.partial(
        pl.kernel,
        mesh=mesh,
        out_type=jax.ShapeDtypeStruct((_NW, 4 * _L), jnp.float32),
        scratch_types=[
            pltpu.VMEM((_CH,), jnp.float32),
            pltpu.VMEM((_CH,), jnp.int32),
            pltpu.VMEM((_CH,), jnp.int32),
            pltpu.VMEM((_CH,), jnp.float32),
            pltpu.VMEM((_CH,), jnp.int32),
            pltpu.VMEM((_CH,), jnp.int32),
            pltpu.VMEM((4 * _L,), jnp.float32),
            pltpu.SemaphoreType.DMA,
            pltpu.SemaphoreType.DMA,
        ],
    )(functools.partial(_sc_body, sc_base, per_w))
    return k(yp, sv, gv)


def kernel(y_pred, s, y_gt):
    yp = y_pred.reshape(-1)
    sv = s.astype(jnp.int32).reshape(-1)
    gv = y_gt.astype(jnp.int32).reshape(-1)
    n = yp.size
    half = n // 2

    pa = _sc_partials_1core(yp, sv, gv, 0, half)
    pb = _sc_partials_1core(yp, sv, gv, half, half)

    p = (jnp.sum(pa.reshape(_NW, 4, _L), axis=(0, 2))
         + jnp.sum(pb.reshape(_NW, 4, _L), axis=(0, 2)))
    sumpos, sum1, npos, n1 = p[0], p[1], p[2], p[3]
    sum0 = sumpos - sum1
    n0 = npos - n1
    mean0 = sum0 / jnp.maximum(n0, jnp.float32(1.0))
    mean1 = sum1 / jnp.maximum(n1, jnp.float32(1.0))
    loss = jnp.abs(mean0 - mean1)
    return jnp.where((n0 == 0.0) | (n1 == 0.0), jnp.float32(0.0), loss)

# --- scband reference (transcript-rebuilt; emitter-appended) ---
"""Pipeline reference for scband-diff-eopp-50637664419927 (READ-ONLY COPY).

The authoritative reference and input builder live on the scoring server;
editing this copy changes nothing except your own understanding.
"""

import jax, jax.numpy as jnp
import numpy as np

N = 4194304

def setup_inputs(seed: int = 0) -> dict:
    key = jax.random.key(seed)
    k1, k2, k3 = jax.random.split(key, 3)
    y_pred = jax.random.normal(k1, (N,), dtype=jnp.float32)
    s = jax.random.randint(k2, (N,), 0, 2, dtype=jnp.int64)
    y_gt = jax.random.randint(k3, (N,), 0, 2, dtype=jnp.int64)
    return {"y_pred": y_pred, "s": s, "y_gt": y_gt}

def reference(y_pred, s, y_gt):
    # Faithful DiffEOpp (Equal Opportunity) loss:
    # |mean(y_pred | y_gt==1, s==0) - mean(y_pred | y_gt==1, s==1)|
    # Implemented with masked sums/counts (mathematically identical to
    # boolean-index + mean, but shape-static).
    y_pred = y_pred.reshape(-1)
    s = s.reshape(-1)
    y_gt = y_gt.reshape(-1)
    pos = (y_gt == 1)
    m0 = pos & (s == 0)
    m1 = pos & (s == 1)
    n0 = jnp.sum(m0.astype(jnp.float32))
    n1 = jnp.sum(m1.astype(jnp.float32))
    sum0 = jnp.sum(jnp.where(m0, y_pred, jnp.float32(0.0)))
    sum1 = jnp.sum(jnp.where(m1, y_pred, jnp.float32(0.0)))
    mean0 = sum0 / jnp.maximum(n0, jnp.float32(1.0))
    mean1 = sum1 / jnp.maximum(n1, jnp.float32(1.0))
    loss = jnp.abs(mean0 - mean1)
    # Torch returns 0.0 if either group is empty
    return jnp.where((n0 == 0) | (n1 == 0), jnp.float32(0.0), loss)

if __name__ == "__main__":
    import jax
    _d = setup_inputs()
    print(jax.jit(kernel)(*tuple(_d.values())))

</pallas_src>

<mosaic_0001>
#map = affine_map<(d0, d1) -> (0)>
#map1 = affine_map<(d0, d1) -> (0, 0)>
module attributes {stable_mosaic.version = 14 : i64} {
  func.func @_sc_body(%arg0: i32, %arg1: i32, %arg2: memref<4194304xf32, #tpu.memory_space<hbm>>, %arg3: memref<4194304xi32, #tpu.memory_space<hbm>>, %arg4: memref<4194304xi32, #tpu.memory_space<hbm>>, %arg5: memref<16x64xf32, #tpu.memory_space<hbm>>, %arg6: memref<16384xf32, #tpu.memory_space<vmem>>, %arg7: memref<16384xi32, #tpu.memory_space<vmem>>, %arg8: memref<16384xi32, #tpu.memory_space<vmem>>, %arg9: memref<16384xf32, #tpu.memory_space<vmem>>, %arg10: memref<16384xi32, #tpu.memory_space<vmem>>, %arg11: memref<16384xi32, #tpu.memory_space<vmem>>, %arg12: memref<64xf32, #tpu.memory_space<vmem>>, %arg13: memref<!tpu.dma_semaphore, #tpu.memory_space<semaphore_mem>>, %arg14: memref<!tpu.dma_semaphore, #tpu.memory_space<semaphore_mem>>) attributes {dimension_semantics = [#tpu.dimension_semantics<core_parallel>, #tpu.dimension_semantics<subcore_parallel>], iteration_bounds = array<i64: 1, 16>, scalar_prefetch = 0 : i64, scratch_operands = 9 : i64, tpu.core_type = #tpu.core_type<sc_vector_subcore>, window_params = [{transform_indices = #map}, {transform_indices = #map}, {transform_indices = #map}, {transform_indices = #map1}]} {
    %mul3A = arith.constant 131072 : i32
    %mul3A_0 = arith.muli %arg1, %mul3A : i32
    %add3A = arith.constant 2097152 : i32
    %add3A_1 = arith.addi %add3A, %mul3A_0 : i32
    %broadcast_in_dim3A = arith.constant 0.000000e+00 : f32
    %broadcast_in_dim3A_2 = vector.broadcast %broadcast_in_dim3A : f32 to vector<16xf32>
    %broadcast_in_dim3A_3 = arith.constant 0 : i32
    %broadcast_in_dim3A_4 = vector.broadcast %broadcast_in_dim3A_3 : i32 to vector<16xi32>
    %dma_start3A = tpu.memref_slice %arg2[%add3A_1] : memref<4194304xf32, #tpu.memory_space<hbm>> -> memref<16384xf32, #tpu.memory_space<hbm>>
    %dma_start3A_5 = tpu.memref_slice %arg2[%add3A_1] : memref<4194304xf32, #tpu.memory_space<hbm>> -> memref<16384xf32, #tpu.memory_space<hbm>>
    tpu.enqueue_dma source(%dma_start3A_5 : memref<16384xf32, #tpu.memory_space<hbm>>) target(%arg6 : memref<16384xf32, #tpu.memory_space<vmem>>) target_semaphore(%arg13 : memref<!tpu.dma_semaphore, #tpu.memory_space<semaphore_mem>>)
    %dma_start3A_6 = tpu.memref_slice %arg3[%add3A_1] : memref<4194304xi32, #tpu.memory_space<hbm>> -> memref<16384xi32, #tpu.memory_space<hbm>>
    %dma_start3A_7 = tpu.memref_slice %arg3[%add3A_1] : memref<4194304xi32, #tpu.memory_space<hbm>> -> memref<16384xi32, #tpu.memory_space<hbm>>
    tpu.enqueue_dma source(%dma_start3A_7 : memref<16384xi32, #tpu.memory_space<hbm>>) target(%arg7 : memref<16384xi32, #tpu.memory_space<vmem>>) target_semaphore(%arg13 : memref<!tpu.dma_semaphore, #tpu.memory_space<semaphore_mem>>)
    %dma_start3A_8 = tpu.memref_slice %arg4[%add3A_1] : memref<4194304xi32, #tpu.memory_space<hbm>> -> memref<16384xi32, #tpu.memory_space<hbm>>
    %dma_start3A_9 = tpu.memref_slice %arg4[%add3A_1] : memref<4194304xi32, #tpu.memory_space<hbm>> -> memref<16384xi32, #tpu.memory_space<hbm>>
    tpu.enqueue_dma source(%dma_start3A_9 : memref<16384xi32, #tpu.memory_space<hbm>>) target(%arg8 : memref<16384xi32, #tpu.memory_space<vmem>>) target_semaphore(%arg13 : memref<!tpu.dma_semaphore, #tpu.memory_space<semaphore_mem>>)
    %scan3A = arith.constant 0 : i32
    %scan3A_10 = arith.constant 4 : i32
    %scan3A_11 = arith.addi %scan3A, %scan3A_10 : i32
    %scan3A_12 = arith.constant 1 : i32
    %scan3A_13:8 = scf.for %scan3A_35 = %scan3A to %scan3A_11 step %scan3A_12 iter_args(%scan3A_36 = %broadcast_in_dim3A_2, %scan3A_37 = %broadcast_in_dim3A_2, %scan3A_38 = %broadcast_in_dim3A_4, %scan3A_39 = %broadcast_in_dim3A_4, %scan3A_40 = %broadcast_in_dim3A_2, %scan3A_41 = %broadcast_in_dim3A_2, %scan3A_42 = %broadcast_in_dim3A_4, %scan3A_43 = %broadcast_in_dim3A_4) -> (vector<16xf32>, vector<16xf32>, vector<16xi32>, vector<16xi32>, vector<16xf32>, vector<16xf32>, vector<16xi32>, vector<16xi32>)  : i32 {
      %mul3A_44 = arith.constant 2 : i32
      %mul3A_45 = arith.muli %mul3A_44, %scan3A_35 : i32
      %add3A_46 = arith.constant 1 : i32
      %add3A_47 = arith.addi %mul3A_45, %add3A_46 : i32
      %mul3A_48 = arith.constant 16384 : i32
      %mul3A_49 = arith.muli %add3A_47, %mul3A_48 : i32
      %add3A_50 = arith.addi %add3A_1, %mul3A_49 : i32
      %dma_start3A_51 = tpu.memref_slice %arg2[%add3A_50] : memref<4194304xf32, #tpu.memory_space<hbm>> -> memref<16384xf32, #tpu.memory_space<hbm>>
      %dma_start3A_52 = tpu.memref_slice %arg2[%add3A_50] : memref<4194304xf32, #tpu.memory_space<hbm>> -> memref<16384xf32, #tpu.memory_space<hbm>>
      tpu.enqueue_dma source(%dma_start3A_52 : memref<16384xf32, #tpu.memory_space<hbm>>) target(%arg9 : memref<16384xf32, #tpu.memory_space<vmem>>) target_semaphore(%arg14 : memref<!tpu.dma_semaphore, #tpu.memory_space<semaphore_mem>>)
      %dma_start3A_53 = tpu.memref_slice %arg3[%add3A_50] : memref<4194304xi32, #tpu.memory_space<hbm>> -> memref<16384xi32, #tpu.memory_space<hbm>>
      %dma_start3A_54 = tpu.memref_slice %arg3[%add3A_50] : memref<4194304xi32, #tpu.memory_space<hbm>> -> memref<16384xi32, #tpu.memory_space<hbm>>
      tpu.enqueue_dma source(%dma_start3A_54 : memref<16384xi32, #tpu.memory_space<hbm>>) target(%arg10 : memref<16384xi32, #tpu.memory_space<vmem>>) target_semaphore(%arg14 : memref<!tpu.dma_semaphore, #tpu.memory_space<semaphore_mem>>)
      %dma_start3A_55 = tpu.memref_slice %arg4[%add3A_50] : memref<4194304xi32, #tpu.memory_space<hbm>> -> memref<16384xi32, #tpu.memory_space<hbm>>
      %dma_start3A_56 = tpu.memref_slice %arg4[%add3A_50] : memref<4194304xi32, #tpu.memory_space<hbm>> -> memref<16384xi32, #tpu.memory_space<hbm>>
      tpu.enqueue_dma source(%dma_start3A_56 : memref<16384xi32, #tpu.memory_space<hbm>>) target(%arg11 : memref<16384xi32, #tpu.memory_space<vmem>>) target_semaphore(%arg14 : memref<!tpu.dma_semaphore, #tpu.memory_space<semaphore_mem>>)
      %dma_wait3A = arith.constant 0 : i32
      %dma_wait3A_57 = tpu.memref_slice %arg2[%dma_wait3A] : memref<4194304xf32, #tpu.memory_space<hbm>> -> memref<16384xf32, #tpu.memory_space<hbm>>
      %dma_wait3A_58 = arith.constant 0 : i32
      %dma_wait3A_59 = tpu.memref_slice %arg2[%dma_wait3A_58] : memref<4194304xf32, #tpu.memory_space<hbm>> -> memref<16384xf32, #tpu.memory_space<hbm>>
      tpu.wait_dma2 semaphore(%arg13 : memref<!tpu.dma_semaphore, #tpu.memory_space<semaphore_mem>>) src(%dma_wait3A_59 : memref<16384xf32, #tpu.memory_space<hbm>>) dst(%arg6 : memref<16384xf32, #tpu.memory_space<vmem>>)
      %dma_wait3A_60 = arith.constant 0 : i32
      %dma_wait3A_61 = tpu.memref_slice %arg3[%dma_wait3A_60] : memref<4194304xi32, #tpu.memory_space<hbm>> -> memref<16384xi32, #tpu.memory_space<hbm>>
      %dma_wait3A_62 = arith.constant 0 : i32
      %dma_wait3A_63 = tpu.memref_slice %arg3[%dma_wait3A_62] : memref<4194304xi32, #tpu.memory_space<hbm>> -> memref<16384xi32, #tpu.memory_space<hbm>>
      tpu.wait_dma2 semaphore(%arg13 : memref<!tpu.dma_semaphore, #tpu.memory_space<semaphore_mem>>) src(%dma_wait3A_63 : memref<16384xi32, #tpu.memory_space<hbm>>) dst(%arg7 : memref<16384xi32, #tpu.memory_space<vmem>>)
      %dma_wait3A_64 = arith.constant 0 : i32
      %dma_wait3A_65 = tpu.memref_slice %arg4[%dma_wait3A_64] : memref<4194304xi32, #tpu.memory_space<hbm>> -> memref<16384xi32, #tpu.memory_space<hbm>>
      %dma_wait3A_66 = arith.constant 0 : i32
      %dma_wait3A_67 = tpu.memref_slice %arg4[%dma_wait3A_66] : memref<4194304xi32, #tpu.memory_space<hbm>> -> memref<16384xi32, #tpu.memory_space<hbm>>
      tpu.wait_dma2 semaphore(%arg13 : memref<!tpu.dma_semaphore, #tpu.memory_space<semaphore_mem>>) src(%dma_wait3A_67 : memref<16384xi32, #tpu.memory_space<hbm>>) dst(%arg8 : memref<16384xi32, #tpu.memory_space<vmem>>)
      %scan3A_68 = arith.constant 0 : i32
      %scan3A_69 = arith.constant 64 : i32
      %scan3A_70 = arith.addi %scan3A_68, %scan3A_69 : i32
      %scan3A_71 = arith.constant 1 : i32
      %scan3A_72:8 = scf.for %scan3A_97 = %scan3A_68 to %scan3A_70 step %scan3A_71 iter_args(%scan3A_98 = %scan3A_36, %scan3A_99 = %scan3A_37, %scan3A_100 = %scan3A_38, %scan3A_101 = %scan3A_39, %scan3A_102 = %scan3A_40, %scan3A_103 = %scan3A_41, %scan3A_104 = %scan3A_42, %scan3A_105 = %scan3A_43) -> (vector<16xf32>, vector<16xf32>, vector<16xi32>, vector<16xi32>, vector<16xf32>, vector<16xf32>, vector<16xi32>, vector<16xi32>)  : i32 {
        %mul3A_106 = arith.constant 256 : i32
        %mul3A_107 = arith.muli %scan3A_97, %mul3A_106 : i32
        %add3A_108 = arith.constant 0 : i32
        %add3A_109 = arith.addi %mul3A_107, %add3A_108 : i32
        %get3A = arith.index_cast %add3A_109 : i32 to index
        %get3A_110 = tpu.vector_load %arg6[%get3A] {strides = array<i32>} : memref<16384xf32, #tpu.memory_space<vmem>>, vector<16xf32>,
        %get3A_111 = vector.shape_cast %get3A_110 : vector<16xf32> to vector<16xf32>
        %get3A_112 = arith.index_cast %add3A_109 : i32 to index
        %get3A_113 = tpu.vector_load %arg7[%get3A_112] {strides = array<i32>} : memref<16384xi32, #tpu.memory_space<vmem>>, vector<16xi32>,
        %get3A_114 = vector.shape_cast %get3A_113 : vector<16xi32> to vector<16xi32>
        %get3A_115 = arith.index_cast %add3A_109 : i32 to index
        %get3A_116 = tpu.vector_load %arg8[%get3A_115] {strides = array<i32>} : memref<16384xi32, #tpu.memory_space<vmem>>, vector<16xi32>,
        %get3A_117 = vector.shape_cast %get3A_116 : vector<16xi32> to vector<16xi32>
        %and3A = arith.andi %get3A_117, %get3A_114 : vector<16xi32>
        %convert_element_type3A_118 = arith.sitofp %get3A_117 : vector<16xi32> to vector<16xf32>
        %convert_element_type3A_119 = arith.sitofp %and3A : vector<16xi32> to vector<16xf32>
        %mul3A_120 = arith.mulf %convert_element_type3A_118, %get3A_111 : vector<16xf32>
        %add3A_121 = arith.addf %scan3A_98, %mul3A_120 : vector<16xf32>
        %mul3A_122 = arith.mulf %convert_element_type3A_119, %get3A_111 : vector<16xf32>
        %add3A_123 = arith.addf %scan3A_99, %mul3A_122 : vector<16xf32>
        %add3A_124 = arith.addi %scan3A_100, %get3A_117 : vector<16xi32>
        %add3A_125 = arith.addi %scan3A_101, %and3A : vector<16xi32>
        %add3A_126 = arith.constant 16 : i32
        %add3A_127 = arith.addi %mul3A_107, %add3A_126 : i32
        %get3A_128 = arith.index_cast %add3A_127 : i32 to index
        %get3A_129 = tpu.vector_load %arg6[%get3A_128] {strides = array<i32>} : memref<16384xf32, #tpu.memory_space<vmem>>, vector<16xf32>,
        %get3A_130 = vector.shape_cast %get3A_129 : vector<16xf32> to vector<16xf32>
        %get3A_131 = arith.index_cast %add3A_127 : i32 to index
        %get3A_132 = tpu.vector_load %arg7[%get3A_131] {strides = array<i32>} : memref<16384xi32, #tpu.memory_space<vmem>>, vector<16xi32>,
        %get3A_133 = vector.shape_cast %get3A_132 : vector<16xi32> to vector<16xi32>
        %get3A_134 = arith.index_cast %add3A_127 : i32 to index
        %get3A_135 = tpu.vector_load %arg8[%get3A_134] {strides = array<i32>} : memref<16384xi32, #tpu.memory_space<vmem>>, vector<16xi32>,
        %get3A_136 = vector.shape_cast %get3A_135 : vector<16xi32> to vector<16xi32>
        %and3A_137 = arith.andi %get3A_136, %get3A_133 : vector<16xi32>
        %convert_element_type3A_138 = arith.sitofp %get3A_136 : vector<16xi32> to vector<16xf32>
        %convert_element_type3A_139 = arith.sitofp %and3A_137 : vector<16xi32> to vector<16xf32>
        %mul3A_140 = arith.mulf %convert_element_type3A_138, %get3A_130 : vector<16xf32>
        %add3A_141 = arith.addf %scan3A_102, %mul3A_140 : vector<16xf32>
        %mul3A_142 = arith.mulf %convert_element_type3A_139, %get3A_130 : vector<16xf32>
        %add3A_143 = arith.addf %scan3A_103, %mul3A_142 : vector<16xf32>
        %add3A_144 = arith.addi %scan3A_104, %get3A_136 : vector<16xi32>
        %add3A_145 = arith.addi %scan3A_105, %and3A_137 : vector<16xi32>
        %add3A_146 = arith.constant 32 : i32
        %add3A_147 = arith.addi %mul3A_107, %add3A_146 : i32
        %get3A_148 = arith.index_cast %add3A_147 : i32 to index
        %get3A_149 = tpu.vector_load %arg6[%get3A_148] {strides = array<i32>} : memref<16384xf32, #tpu.memory_space<vmem>>, vector<16xf32>,
        %get3A_150 = vector.shape_cast %get3A_149 : vector<16xf32> to vector<16xf32>
        %get3A_151 = arith.index_cast %add3A_147 : i32 to index
        %get3A_152 = tpu.vector_load %arg7[%get3A_151] {strides = array<i32>} : memref<16384xi32, #tpu.memory_space<vmem>>, vector<16xi32>,
        %get3A_153 = vector.shape_cast %get3A_152 : vector<16xi32> to vector<16xi32>
        %get3A_154 = arith.index_cast %add3A_147 : i32 to index
        %get3A_155 = tpu.vector_load %arg8[%get3A_154] {strides = array<i32>} : memref<16384xi32, #tpu.memory_space<vmem>>, vector<16xi32>,
        %get3A_156 = vector.shape_cast %get3A_155 : vector<16xi32> to vector<16xi32>
        %and3A_157 = arith.andi %get3A_156, %get3A_153 : vector<16xi32>
        %convert_element_type3A_158 = arith.sitofp %get3A_156 : vector<16xi32> to vector<16xf32>
        %convert_element_type3A_159 = arith.sitofp %and3A_157 : vector<16xi32> to vector<16xf32>
        %mul3A_160 = arith.mulf %convert_element_type3A_158, %get3A_150 : vector<16xf32>
        %add3A_161 = arith.addf %add3A_121, %mul3A_160 : vector<16xf32>
        %mul3A_162 = arith.mulf %convert_element_type3A_159, %get3A_150 : vector<16xf32>
        %add3A_163 = arith.addf %add3A_123, %mul3A_162 : vector<16xf32>
        %add3A_164 = arith.addi %add3A_124, %get3A_156 : vector<16xi32>
        %add3A_165 = arith.addi %add3A_125, %and3A_157 : vector<16xi32>
        %add3A_166 = arith.constant 48 : i32
        %add3A_167 = arith.addi %mul3A_107, %add3A_166 : i32
        %get3A_168 = arith.index_cast %add3A_167 : i32 to index
        %get3A_169 = tpu.vector_load %arg6[%get3A_168] {strides = array<i32>} : memref<16384xf32, #tpu.memory_space<vmem>>, vector<16xf32>,
        %get3A_170 = vector.shape_cast %get3A_169 : vector<16xf32> to vector<16xf32>
        %get3A_171 = arith.index_cast %add3A_167 : i32 to index
        %get3A_172 = tpu.vector_load %arg7[%get3A_171] {strides = array<i32>} : memref<16384xi32, #tpu.memory_space<vmem>>, vector<16xi32>,
        %get3A_173 = vector.shape_cast %get3A_172 : vector<16xi32> to vector<16xi32>
        %get3A_174 = arith.index_cast %add3A_167 : i32 to index
        %get3A_175 = tpu.vector_load %arg8[%get3A_174] {strides = array<i32>} : memref<16384xi32, #tpu.memory_space<vmem>>, vector<16xi32>,
        %get3A_176 = vector.shape_cast %get3A_175 : vector<16xi32> to vector<16xi32>
        %and3A_177 = arith.andi %get3A_176, %get3A_173 : vector<16xi32>
        %convert_element_type3A_178 = arith.sitofp %get3A_176 : vector<16xi32> to vector<16xf32>
        %convert_element_type3A_179 = arith.sitofp %and3A_177 : vector<16xi32> to vector<16xf32>
        %mul3A_180 = arith.mulf %convert_element_type3A_178, %get3A_170 : vector<16xf32>
        %add3A_181 = arith.addf %add3A_141, %mul3A_180 : vector<16xf32>
        %mul3A_182 = arith.mulf %convert_element_type3A_179, %get3A_170 : vector<16xf32>
        %add3A_183 = arith.addf %add3A_143, %mul3A_182 : vector<16xf32>
        %add3A_184 = arith.addi %add3A_144, %get3A_176 : vector<16xi32>
        %add3A_185 = arith.addi %add3A_145, %and3A_177 : vector<16xi32>
        %add3A_186 = arith.constant 64 : i32
        %add3A_187 = arith.addi %mul3A_107, %add3A_186 : i32
        %get3A_188 = arith.index_cast %add3A_187 : i32 to index
        %get3A_189 = tpu.vector_load %arg6[%get3A_188] {strides = array<i32>} : memref<16384xf32, #tpu.memory_space<vmem>>, vector<16xf32>,
        %get3A_190 = vector.shape_cast %get3A_189 : vector<16xf32> to vector<16xf32>
        %get3A_191 = arith.index_cast %add3A_187 : i32 to index
        %get3A_192 = tpu.vector_load %arg7[%get3A_191] {strides = array<i32>} : memref<16384xi32, #tpu.memory_space<vmem>>, vector<16xi32>,
        %get3A_193 = vector.shape_cast %get3A_192 : vector<16xi32> to vector<16xi32>
        %get3A_194 = arith.index_cast %add3A_187 : i32 to index
        %get3A_195 = tpu.vector_load %arg8[%get3A_194] {strides = array<i32>} : memref<16384xi32, #tpu.memory_space<vmem>>, vector<16xi32>,
        %get3A_196 = vector.shape_cast %get3A_195 : vector<16xi32> to vector<16xi32>
        %and3A_197 = arith.andi %get3A_196, %get3A_193 : vector<16xi32>
        %convert_element_type3A_198 = arith.sitofp %get3A_196 : vector<16xi32> to vector<16xf32>
        %convert_element_type3A_199 = arith.sitofp %and3A_197 : vector<16xi32> to vector<16xf32>
        %mul3A_200 = arith.mulf %convert_element_type3A_198, %get3A_190 : vector<16xf32>
        %add3A_201 = arith.addf %add3A_161, %mul3A_200 : vector<16xf32>
        %mul3A_202 = arith.mulf %convert_element_type3A_199, %get3A_190 : vector<16xf32>
        %add3A_203 = arith.addf %add3A_163, %mul3A_202 : vector<16xf32>
        %add3A_204 = arith.addi %add3A_164, %get3A_196 : vector<16xi32>
        %add3A_205 = arith.addi %add3A_165, %and3A_197 : vector<16xi32>
        %add3A_206 = arith.constant 80 : i32
        %add3A_207 = arith.addi %mul3A_107, %add3A_206 : i32
        %get3A_208 = arith.index_cast %add3A_207 : i32 to index
        %get3A_209 = tpu.vector_load %arg6[%get3A_208] {strides = array<i32>} : memref<16384xf32, #tpu.memory_space<vmem>>, vector<16xf32>,
        %get3A_210 = vector.shape_cast %get3A_209 : vector<16xf32> to vector<16xf32>
        %get3A_211 = arith.index_cast %add3A_207 : i32 to index
        %get3A_212 = tpu.vector_load %arg7[%get3A_211] {strides = array<i32>} : memref<16384xi32, #tpu.memory_space<vmem>>, vector<16xi32>,
        %get3A_213 = vector.shape_cast %get3A_212 : vector<16xi32> to vector<16xi32>
        %get3A_214 = arith.index_cast %add3A_207 : i32 to index
        %get3A_215 = tpu.vector_load %arg8[%get3A_214] {strides = array<i32>} : memref<16384xi32, #tpu.memory_space<vmem>>, vector<16xi32>,
        %get3A_216 = vector.shape_cast %get3A_215 : vector<16xi32> to vector<16xi32>
        %and3A_217 = arith.andi %get3A_216, %get3A_213 : vector<16xi32>
        %convert_element_type3A_218 = arith.sitofp %get3A_216 : vector<16xi32> to vector<16xf32>
        %convert_element_type3A_219 = arith.sitofp %and3A_217 : vector<16xi32> to vector<16xf32>
        %mul3A_220 = arith.mulf %convert_element_type3A_218, %get3A_210 : vector<16xf32>
        %add3A_221 = arith.addf %add3A_181, %mul3A_220 : vector<16xf32>
        %mul3A_222 = arith.mulf %convert_element_type3A_219, %get3A_210 : vector<16xf32>
        %add3A_223 = arith.addf %add3A_183, %mul3A_222 : vector<16xf32>
        %add3A_224 = arith.addi %add3A_184, %get3A_216 : vector<16xi32>
        %add3A_225 = arith.addi %add3A_185, %and3A_217 : vector<16xi32>
        %add3A_226 = arith.constant 96 : i32
        %add3A_227 = arith.addi %mul3A_107, %add3A_226 : i32
        %get3A_228 = arith.index_cast %add3A_227 : i32 to index
        %get3A_229 = tpu.vector_load %arg6[%get3A_228] {strides = array<i32>} : memref<16384xf32, #tpu.memory_space<vmem>>, vector<16xf32>,
        %get3A_230 = vector.shape_cast %get3A_229 : vector<16xf32> to vector<16xf32>
        %get3A_231 = arith.index_cast %add3A_227 : i32 to index
        %get3A_232 = tpu.vector_load %arg7[%get3A_231] {strides = array<i32>} : memref<16384xi32, #tpu.memory_space<vmem>>, vector<16xi32>,
        %get3A_233 = vector.shape_cast %get3A_232 : vector<16xi32> to vector<16xi32>
        %get3A_234 = arith.index_cast %add3A_227 : i32 to index
        %get3A_235 = tpu.vector_load %arg8[%get3A_234] {strides = array<i32>} : memref<16384xi32, #tpu.memory_space<vmem>>, vector<16xi32>,
        %get3A_236 = vector.shape_cast %get3A_235 : vector<16xi32> to vector<16xi32>
        %and3A_237 = arith.andi %get3A_236, %get3A_233 : vector<16xi32>
        %convert_element_type3A_238 = arith.sitofp %get3A_236 : vector<16xi32> to vector<16xf32>
        %convert_element_type3A_239 = arith.sitofp %and3A_237 : vector<16xi32> to vector<16xf32>
        %mul3A_240 = arith.mulf %convert_element_type3A_238, %get3A_230 : vector<16xf32>
        %add3A_241 = arith.addf %add3A_201, %mul3A_240 : vector<16xf32>
        %mul3A_242 = arith.mulf %convert_element_type3A_239, %get3A_230 : vector<16xf32>
        %add3A_243 = arith.addf %add3A_203, %mul3A_242 : vector<16xf32>
        %add3A_244 = arith.addi %add3A_204, %get3A_236 : vector<16xi32>
        %add3A_245 = arith.addi %add3A_205, %and3A_237 : vector<16xi32>
        %add3A_246 = arith.constant 112 : i32
        %add3A_247 = arith.addi %mul3A_107, %add3A_246 : i32
        %get3A_248 = arith.index_cast %add3A_247 : i32 to index
        %get3A_249 = tpu.vector_load %arg6[%get3A_248] {strides = array<i32>} : memref<16384xf32, #tpu.memory_space<vmem>>, vector<16xf32>,
        %get3A_250 = vector.shape_cast %get3A_249 : vector<16xf32> to vector<16xf32>
        %get3A_251 = arith.index_cast %add3A_247 : i32 to index
        %get3A_252 = tpu.vector_load %arg7[%get3A_251] {strides = array<i32>} : memref<16384xi32, #tpu.memory_space<vmem>>, vector<16xi32>,
        %get3A_253 = vector.shape_cast %get3A_252 : vector<16xi32> to vector<16xi32>
        %get3A_254 = arith.index_cast %add3A_247 : i32 to index
        %get3A_255 = tpu.vector_load %arg8[%get3A_254] {strides = array<i32>} : memref<16384xi32, #tpu.memory_space<vmem>>, vector<16xi32>,
        %get3A_256 = vector.shape_cast %get3A_255 : vector<16xi32> to vector<16xi32>
        %and3A_257 = arith.andi %get3A_256, %get3A_253 : vector<16xi32>
        %convert_element_type3A_258 = arith.sitofp %get3A_256 : vector<16xi32> to vector<16xf32>
        %convert_element_type3A_259 = arith.sitofp %and3A_257 : vector<16xi32> to vector<16xf32>
        %mul3A_260 = arith.mulf %convert_element_type3A_258, %get3A_250 : vector<16xf32>
        %add3A_261 = arith.addf %add3A_221, %mul3A_260 : vector<16xf32>
        %mul3A_262 = arith.mulf %convert_element_type3A_259, %get3A_250 : vector<16xf32>
        %add3A_263 = arith.addf %add3A_223, %mul3A_262 : vector<16xf32>
        %add3A_264 = arith.addi %add3A_224, %get3A_256 : vector<16xi32>
        %add3A_265 = arith.addi %add3A_225, %and3A_257 : vector<16xi32>
        %add3A_266 = arith.constant 128 : i32
        %add3A_267 = arith.addi %mul3A_107, %add3A_266 : i32
        %get3A_268 = arith.index_cast %add3A_267 : i32 to index
        %get3A_269 = tpu.vector_load %arg6[%get3A_268] {strides = array<i32>} : memref<16384xf32, #tpu.memory_space<vmem>>, vector<16xf32>,
        %get3A_270 = vector.shape_cast %get3A_269 : vector<16xf32> to vector<16xf32>
        %get3A_271 = arith.index_cast %add3A_267 : i32 to index
        %get3A_272 = tpu.vector_load %arg7[%get3A_271] {strides = array<i32>} : memref<16384xi32, #tpu.memory_space<vmem>>, vector<16xi32>,
        %get3A_273 = vector.shape_cast %get3A_272 : vector<16xi32> to vector<16xi32>
        %get3A_274 = arith.index_cast %add3A_267 : i32 to index
        %get3A_275 = tpu.vector_load %arg8[%get3A_274] {strides = array<i32>} : memref<16384xi32, #tpu.memory_space<vmem>>, vector<16xi32>,
        %get3A_276 = vector.shape_cast %get3A_275 : vector<16xi32> to vector<16xi32>
        %and3A_277 = arith.andi %get3A_276, %get3A_273 : vector<16xi32>
        %convert_element_type3A_278 = arith.sitofp %get3A_276 : vector<16xi32> to vector<16xf32>
        %convert_element_type3A_279 = arith.sitofp %and3A_277 : vector<16xi32> to vector<16xf32>
        %mul3A_280 = arith.mulf %convert_element_type3A_278, %get3A_270 : vector<16xf32>
        %add3A_281 = arith.addf %add3A_241, %mul3A_280 : vector<16xf32>
        %mul3A_282 = arith.mulf %convert_element_type3A_279, %get3A_270 : vector<16xf32>
        %add3A_283 = arith.addf %add3A_243, %mul3A_282 : vector<16xf32>
        %add3A_284 = arith.addi %add3A_244, %get3A_276 : vector<16xi32>
        %add3A_285 = arith.addi %add3A_245, %and3A_277 : vector<16xi32>
        %add3A_286 = arith.constant 144 : i32
        %add3A_287 = arith.addi %mul3A_107, %add3A_286 : i32
        %get3A_288 = arith.index_cast %add3A_287 : i32 to index
        %get3A_289 = tpu.vector_load %arg6[%get3A_288] {strides = array<i32>} : memref<16384xf32, #tpu.memory_space<vmem>>, vector<16xf32>,
        %get3A_290 = vector.shape_cast %get3A_289 : vector<16xf32> to vector<16xf32>
        %get3A_291 = arith.index_cast %add3A_287 : i32 to index
        %get3A_292 = tpu.vector_load %arg7[%get3A_291] {strides = array<i32>} : memref<16384xi32, #tpu.memory_space<vmem>>, vector<16xi32>,
        %get3A_293 = vector.shape_cast %get3A_292 : vector<16xi32> to vector<16xi32>
        %get3A_294 = arith.index_cast %add3A_287 : i32 to index
        %get3A_295 = tpu.vector_load %arg8[%get3A_294] {strides = array<i32>} : memref<16384xi32, #tpu.memory_space<vmem>>, vector<16xi32>,
        %get3A_296 = vector.shape_cast %get3A_295 : vector<16xi32> to vector<16xi32>
        %and3A_297 = arith.andi %get3A_296, %get3A_293 : vector<16xi32>
        %convert_element_type3A_298 = arith.sitofp %get3A_296 : vector<16xi32> to vector<16xf32>
        %convert_element_type3A_299 = arith.sitofp %and3A_297 : vector<16xi32> to vector<16xf32>
        %mul3A_300 = arith.mulf %convert_element_type3A_298, %get3A_290 : vector<16xf32>
        %add3A_301 = arith.addf %add3A_261, %mul3A_300 : vector<16xf32>
        %mul3A_302 = arith.mulf %convert_element_type3A_299, %get3A_290 : vector<16xf32>
        %add3A_303 = arith.addf %add3A_263, %mul3A_302 : vector<16xf32>
        %add3A_304 = arith.addi %add3A_264, %get3A_296 : vector<16xi32>
        %add3A_305 = arith.addi %add3A_265, %and3A_297 : vector<16xi32>
        %add3A_306 = arith.constant 160 : i32
        %add3A_307 = arith.addi %mul3A_107, %add3A_306 : i32
        %get3A_308 = arith.index_cast %add3A_307 : i32 to index
        %get3A_309 = tpu.vector_load %arg6[%get3A_308] {strides = array<i32>} : memref<16384xf32, #tpu.memory_space<vmem>>, vector<16xf32>,
        %get3A_310 = vector.shape_cast %get3A_309 : vector<16xf32> to vector<16xf32>
        %get3A_311 = arith.index_cast %add3A_307 : i32 to index
        %get3A_312 = tpu.vector_load %arg7[%get3A_311] {strides = array<i32>} : memref<16384xi32, #tpu.memory_space<vmem>>, vector<16xi32>,
        %get3A_313 = vector.shape_cast %get3A_312 : vector<16xi32> to vector<16xi32>
        %get3A_314 = arith.index_cast %add3A_307 : i32 to index
        %get3A_315 = tpu.vector_load %arg8[%get3A_314] {strides = array<i32>} : memref<16384xi32, #tpu.memory_space<vmem>>, vector<16xi32>,
        %get3A_316 = vector.shape_cast %get3A_315 : vector<16xi32> to vector<16xi32>
        %and3A_317 = arith.andi %get3A_316, %get3A_313 : vector<16xi32>
        %convert_element_type3A_318 = arith.sitofp %get3A_316 : vector<16xi32> to vector<16xf32>
        %convert_element_type3A_319 = arith.sitofp %and3A_317 : vector<16xi32> to vector<16xf32>
        %mul3A_320 = arith.mulf %convert_element_type3A_318, %get3A_310 : vector<16xf32>
        %add3A_321 = arith.addf %add3A_281, %mul3A_320 : vector<16xf32>
        %mul3A_322 = arith.mulf %convert_element_type3A_319, %get3A_310 : vector<16xf32>
        %add3A_323 = arith.addf %add3A_283, %mul3A_322 : vector<16xf32>
        %add3A_324 = arith.addi %add3A_284, %get3A_316 : vector<16xi32>
        %add3A_325 = arith.addi %add3A_285, %and3A_317 : vector<16xi32>
        %add3A_326 = arith.constant 176 : i32
        %add3A_327 = arith.addi %mul3A_107, %add3A_326 : i32
        %get3A_328 = arith.index_cast %add3A_327 : i32 to index
        %get3A_329 = tpu.vector_load %arg6[%get3A_328] {strides = array<i32>} : memref<16384xf32, #tpu.memory_space<vmem>>, vector<16xf32>,
        %get3A_330 = vector.shape_cast %get3A_329 : vector<16xf32> to vector<16xf32>
        %get3A_331 = arith.index_cast %add3A_327 : i32 to index
        %get3A_332 = tpu.vector_load %arg7[%get3A_331] {strides = array<i32>} : memref<16384xi32, #tpu.memory_space<vmem>>, vector<16xi32>,
        %get3A_333 = vector.shape_cast %get3A_332 : vector<16xi32> to vector<16xi32>
        %get3A_334 = arith.index_cast %add3A_327 : i32 to index
        %get3A_335 = tpu.vector_load %arg8[%get3A_334] {strides = array<i32>} : memref<16384xi32, #tpu.memory_space<vmem>>, vector<16xi32>,
        %get3A_336 = vector.shape_cast %get3A_335 : vector<16xi32> to vector<16xi32>
        %and3A_337 = arith.andi %get3A_336, %get3A_333 : vector<16xi32>
        %convert_element_type3A_338 = arith.sitofp %get3A_336 : vector<16xi32> to vector<16xf32>
        %convert_element_type3A_339 = arith.sitofp %and3A_337 : vector<16xi32> to vector<16xf32>
        %mul3A_340 = arith.mulf %convert_element_type3A_338, %get3A_330 : vector<16xf32>
        %add3A_341 = arith.addf %add3A_301, %mul3A_340 : vector<16xf32>
        %mul3A_342 = arith.mulf %convert_element_type3A_339, %get3A_330 : vector<16xf32>
        %add3A_343 = arith.addf %add3A_303, %mul3A_342 : vector<16xf32>
        %add3A_344 = arith.addi %add3A_304, %get3A_336 : vector<16xi32>
        %add3A_345 = arith.addi %add3A_305, %and3A_337 : vector<16xi32>
        %add3A_346 = arith.constant 192 : i32
        %add3A_347 = arith.addi %mul3A_107, %add3A_346 : i32
        %get3A_348 = arith.index_cast %add3A_347 : i32 to index
        %get3A_349 = tpu.vector_load %arg6[%get3A_348] {strides = array<i32>} : memref<16384xf32, #tpu.memory_space<vmem>>, vector<16xf32>,
        %get3A_350 = vector.shape_cast %get3A_349 : vector<16xf32> to vector<16xf32>
        %get3A_351 = arith.index_cast %add3A_347 : i32 to index
        %get3A_352 = tpu.vector_load %arg7[%get3A_351] {strides = array<i32>} : memref<16384xi32, #tpu.memory_space<vmem>>, vector<16xi32>,
        %get3A_353 = vector.shape_cast %get3A_352 : vector<16xi32> to vector<16xi32>
        %get3A_354 = arith.index_cast %add3A_347 : i32 to index
        %get3A_355 = tpu.vector_load %arg8[%get3A_354] {strides = array<i32>} : memref<16384xi32, #tpu.memory_space<vmem>>, vector<16xi32>,
        %get3A_356 = vector.shape_cast %get3A_355 : vector<16xi32> to vector<16xi32>
        %and3A_357 = arith.andi %get3A_356, %get3A_353 : vector<16xi32>
        %convert_element_type3A_358 = arith.sitofp %get3A_356 : vector<16xi32> to vector<16xf32>
        %convert_element_type3A_359 = arith.sitofp %and3A_357 : vector<16xi32> to vector<16xf32>
        %mul3A_360 = arith.mulf %convert_element_type3A_358, %get3A_350 : vector<16xf32>
        %add3A_361 = arith.addf %add3A_321, %mul3A_360 : vector<16xf32>
        %mul3A_362 = arith.mulf %convert_element_type3A_359, %get3A_350 : vector<16xf32>
        %add3A_363 = arith.addf %add3A_323, %mul3A_362 : vector<16xf32>
        %add3A_364 = arith.addi %add3A_324, %get3A_356 : vector<16xi32>
        %add3A_365 = arith.addi %add3A_325, %and3A_357 : vector<16xi32>
        %add3A_366 = arith.constant 208 : i32
        %add3A_367 = arith.addi %mul3A_107, %add3A_366 : i32
        %get3A_368 = arith.index_cast %add3A_367 : i32 to index
        %get3A_369 = tpu.vector_load %arg6[%get3A_368] {strides = array<i32>} : memref<16384xf32, #tpu.memory_space<vmem>>, vector<16xf32>,
        %get3A_370 = vector.shape_cast %get3A_369 : vector<16xf32> to vector<16xf32>
        %get3A_371 = arith.index_cast %add3A_367 : i32 to index
        %get3A_372 = tpu.vector_load %arg7[%get3A_371] {strides = array<i32>} : memref<16384xi32, #tpu.memory_space<vmem>>, vector<16xi32>,
        %get3A_373 = vector.shape_cast %get3A_372 : vector<16xi32> to vector<16xi32>
        %get3A_374 = arith.index_cast %add3A_367 : i32 to index
        %get3A_375 = tpu.vector_load %arg8[%get3A_374] {strides = array<i32>} : memref<16384xi32, #tpu.memory_space<vmem>>, vector<16xi32>,
        %get3A_376 = vector.shape_cast %get3A_375 : vector<16xi32> to vector<16xi32>
        %and3A_377 = arith.andi %get3A_376, %get3A_373 : vector<16xi32>
        %convert_element_type3A_378 = arith.sitofp %get3A_376 : vector<16xi32> to vector<16xf32>
        %convert_element_type3A_379 = arith.sitofp %and3A_377 : vector<16xi32> to vector<16xf32>
        %mul3A_380 = arith.mulf %convert_element_type3A_378, %get3A_370 : vector<16xf32>
        %add3A_381 = arith.addf %add3A_341, %mul3A_380 : vector<16xf32>
        %mul3A_382 = arith.mulf %convert_element_type3A_379, %get3A_370 : vector<16xf32>
        %add3A_383 = arith.addf %add3A_343, %mul3A_382 : vector<16xf32>
        %add3A_384 = arith.addi %add3A_344, %get3A_376 : vector<16xi32>
        %add3A_385 = arith.addi %add3A_345, %and3A_377 : vector<16xi32>
        %add3A_386 = arith.constant 224 : i32
        %add3A_387 = arith.addi %mul3A_107, %add3A_386 : i32
        %get3A_388 = arith.index_cast %add3A_387 : i32 to index
        %get3A_389 = tpu.vector_load %arg6[%get3A_388] {strides = array<i32>} : memref<16384xf32, #tpu.memory_space<vmem>>, vector<16xf32>,
        %get3A_390 = vector.shape_cast %get3A_389 : vector<16xf32> to vector<16xf32>
        %get3A_391 = arith.index_cast %add3A_387 : i32 to index
        %get3A_392 = tpu.vector_load %arg7[%get3A_391] {strides = array<i32>} : memref<16384xi32, #tpu.memory_space<vmem>>, vector<16xi32>,
        %get3A_393 = vector.shape_cast %get3A_392 : vector<16xi32> to vector<16xi32>
        %get3A_394 = arith.index_cast %add3A_387 : i32 to index
        %get3A_395 = tpu.vector_load %arg8[%get3A_394] {strides = array<i32>} : memref<16384xi32, #tpu.memory_space<vmem>>, vector<16xi32>,
        %get3A_396 = vector.shape_cast %get3A_395 : vector<16xi32> to vector<16xi32>
        %and3A_397 = arith.andi %get3A_396, %get3A_393 : vector<16xi32>
        %convert_element_type3A_398 = arith.sitofp %get3A_396 : vector<16xi32> to vector<16xf32>
        %convert_element_type3A_399 = arith.sitofp %and3A_397 : vector<16xi32> to vector<16xf32>
        %mul3A_400 = arith.mulf %convert_element_type3A_398, %get3A_390 : vector<16xf32>
        %add3A_401 = arith.addf %add3A_361, %mul3A_400 : vector<16xf32>
        %mul3A_402 = arith.mulf %convert_element_type3A_399, %get3A_390 : vector<16xf32>
        %add3A_403 = arith.addf %add3A_363, %mul3A_402 : vector<16xf32>
        %add3A_404 = arith.addi %add3A_364, %get3A_396 : vector<16xi32>
        %add3A_405 = arith.addi %add3A_365, %and3A_397 : vector<16xi32>
        %add3A_406 = arith.constant 240 : i32
        %add3A_407 = arith.addi %mul3A_107, %add3A_406 : i32
        %get3A_408 = arith.index_cast %add3A_407 : i32 to index
        %get3A_409 = tpu.vector_load %arg6[%get3A_408] {strides = array<i32>} : memref<16384xf32, #tpu.memory_space<vmem>>, vector<16xf32>,
        %get3A_410 = vector.shape_cast %get3A_409 : vector<16xf32> to vector<16xf32>
        %get3A_411 = arith.index_cast %add3A_407 : i32 to index
        %get3A_412 = tpu.vector_load %arg7[%get3A_411] {strides = array<i32>} : memref<16384xi32, #tpu.memory_space<vmem>>, vector<16xi32>,
        %get3A_413 = vector.shape_cast %get3A_412 : vector<16xi32> to vector<16xi32>
        %get3A_414 = arith.index_cast %add3A_407 : i32 to index
        %get3A_415 = tpu.vector_load %arg8[%get3A_414] {strides = array<i32>} : memref<16384xi32, #tpu.memory_space<vmem>>, vector<16xi32>,
        %get3A_416 = vector.shape_cast %get3A_415 : vector<16xi32> to vector<16xi32>
        %and3A_417 = arith.andi %get3A_416, %get3A_413 : vector<16xi32>
        %convert_element_type3A_418 = arith.sitofp %get3A_416 : vector<16xi32> to vector<16xf32>
        %convert_element_type3A_419 = arith.sitofp %and3A_417 : vector<16xi32> to vector<16xf32>
        %mul3A_420 = arith.mulf %convert_element_type3A_418, %get3A_410 : vector<16xf32>
        %add3A_421 = arith.addf %add3A_381, %mul3A_420 : vector<16xf32>
        %mul3A_422 = arith.mulf %convert_element_type3A_419, %get3A_410 : vector<16xf32>
        %add3A_423 = arith.addf %add3A_383, %mul3A_422 : vector<16xf32>
        %add3A_424 = arith.addi %add3A_384, %get3A_416 : vector<16xi32>
        %add3A_425 = arith.addi %add3A_385, %and3A_417 : vector<16xi32>
        scf.yield %add3A_401, %add3A_403, %add3A_404, %add3A_405, %add3A_421, %add3A_423, %add3A_424, %add3A_425 : vector<16xf32>, vector<16xf32>, vector<16xi32>, vector<16xi32>, vector<16xf32>, vector<16xf32>, vector<16xi32>, vector<16xi32>
      }
      %scan3A_73 = arith.constant 64 : i32
      %add3A_74 = arith.constant 2 : i32
      %add3A_75 = arith.addi %mul3A_45, %add3A_74 : i32
      %lt3A = arith.constant 8 : i32
      %lt3A_76 = arith.cmpi slt, %add3A_75, %lt3A : i32
      %convert_element_type3A_77 = arith.extui %lt3A_76 : i1 to i32
      %cond3A = arith.constant 0 : i32
      %cond3A_78 = arith.cmpi ne, %convert_element_type3A_77, %cond3A : i32
      scf.if %cond3A_78 {
        %add3A_97 = arith.constant 2 : i32
        %add3A_98 = arith.addi %mul3A_45, %add3A_97 : i32
        %mul3A_99 = arith.constant 16384 : i32
        %mul3A_100 = arith.muli %add3A_98, %mul3A_99 : i32
        %add3A_101 = arith.addi %add3A_1, %mul3A_100 : i32
        %dma_start3A_102 = tpu.memref_slice %arg2[%add3A_101] : memref<4194304xf32, #tpu.memory_space<hbm>> -> memref<16384xf32, #tpu.memory_space<hbm>>
        %dma_start3A_103 = tpu.memref_slice %arg2[%add3A_101] : memref<4194304xf32, #tpu.memory_space<hbm>> -> memref<16384xf32, #tpu.memory_space<hbm>>
        tpu.enqueue_dma source(%dma_start3A_103 : memref<16384xf32, #tpu.memory_space<hbm>>) target(%arg6 : memref<16384xf32, #tpu.memory_space<vmem>>) target_semaphore(%arg13 : memref<!tpu.dma_semaphore, #tpu.memory_space<semaphore_mem>>)
        %dma_start3A_104 = tpu.memref_slice %arg3[%add3A_101] : memref<4194304xi32, #tpu.memory_space<hbm>> -> memref<16384xi32, #tpu.memory_space<hbm>>
        %dma_start3A_105 = tpu.memref_slice %arg3[%add3A_101] : memref<4194304xi32, #tpu.memory_space<hbm>> -> memref<16384xi32, #tpu.memory_space<hbm>>
        tpu.enqueue_dma source(%dma_start3A_105 : memref<16384xi32, #tpu.memory_space<hbm>>) target(%arg7 : memref<16384xi32, #tpu.memory_space<vmem>>) target_semaphore(%arg13 : memref<!tpu.dma_semaphore, #tpu.memory_space<semaphore_mem>>)
        %dma_start3A_106 = tpu.memref_slice %arg4[%add3A_101] : memref<4194304xi32, #tpu.memory_space<hbm>> -> memref<16384xi32, #tpu.memory_space<hbm>>
        %dma_start3A_107 = tpu.memref_slice %arg4[%add3A_101] : memref<4194304xi32, #tpu.memory_space<hbm>> -> memref<16384xi32, #tpu.memory_space<hbm>>
        tpu.enqueue_dma source(%dma_start3A_107 : memref<16384xi32, #tpu.memory_space<hbm>>) target(%arg8 : memref<16384xi32, #tpu.memory_space<vmem>>) target_semaphore(%arg13 : memref<!tpu.dma_semaphore, #tpu.memory_space<semaphore_mem>>)
      } else {
      }
      %dma_wait3A_79 = arith.constant 0 : i32
      %dma_wait3A_80 = tpu.memref_slice %arg2[%dma_wait3A_79] : memref<4194304xf32, #tpu.memory_space<hbm>> -> memref<16384xf32, #tpu.memory_space<hbm>>
      %dma_wait3A_81 = arith.constant 0 : i32
      %dma_wait3A_82 = tpu.memref_slice %arg2[%dma_wait3A_81] : memref<4194304xf32, #tpu.memory_space<hbm>> -> memref<16384xf32, #tpu.memory_space<hbm>>
      tpu.wait_dma2 semaphore(%arg14 : memref<!tpu.dma_semaphore, #tpu.memory_space<semaphore_mem>>) src(%dma_wait3A_82 : memref<16384xf32, #tpu.memory_space<hbm>>) dst(%arg9 : memref<16384xf32, #tpu.memory_space<vmem>>)
      %dma_wait3A_83 = arith.constant 0 : i32
      %dma_wait3A_84 = tpu.memref_slice %arg3[%dma_wait3A_83] : memref<4194304xi32, #tpu.memory_space<hbm>> -> memref<16384xi32, #tpu.memory_space<hbm>>
      %dma_wait3A_85 = arith.constant 0 : i32
      %dma_wait3A_86 = tpu.memref_slice %arg3[%dma_wait3A_85] : memref<4194304xi32, #tpu.memory_space<hbm>> -> memref<16384xi32, #tpu.memory_space<hbm>>
      tpu.wait_dma2 semaphore(%arg14 : memref<!tpu.dma_semaphore, #tpu.memory_space<semaphore_mem>>) src(%dma_wait3A_86 : memref<16384xi32, #tpu.memory_space<hbm>>) dst(%arg10 : memref<16384xi32, #tpu.memory_space<vmem>>)
      %dma_wait3A_87 = arith.constant 0 : i32
      %dma_wait3A_88 = tpu.memref_slice %arg4[%dma_wait3A_87] : memref<4194304xi32, #tpu.memory_space<hbm>> -> memref<16384xi32, #tpu.memory_space<hbm>>
      %dma_wait3A_89 = arith.constant 0 : i32
      %dma_wait3A_90 = tpu.memref_slice %arg4[%dma_wait3A_89] : memref<4194304xi32, #tpu.memory_space<hbm>> -> memref<16384xi32, #tpu.memory_space<hbm>>
      tpu.wait_dma2 semaphore(%arg14 : memref<!tpu.dma_semaphore, #tpu.memory_space<semaphore_mem>>) src(%dma_wait3A_90 : memref<16384xi32, #tpu.memory_space<hbm>>) dst(%arg11 : memref<16384xi32, #tpu.memory_space<vmem>>)
      %scan3A_91 = arith.constant 0 : i32
      %scan3A_92 = arith.constant 64 : i32
      %scan3A_93 = arith.addi %scan3A_91, %scan3A_92 : i32
      %scan3A_94 = arith.constant 1 : i32
      %scan3A_95:8 = scf.for %scan3A_97 = %scan3A_91 to %scan3A_93 step %scan3A_94 iter_args(%scan3A_98 = %scan3A_72#0, %scan3A_99 = %scan3A_72#1, %scan3A_100 = %scan3A_72#2, %scan3A_101 = %scan3A_72#3, %scan3A_102 = %scan3A_72#4, %scan3A_103 = %scan3A_72#5, %scan3A_104 = %scan3A_72#6, %scan3A_105 = %scan3A_72#7) -> (vector<16xf32>, vector<16xf32>, vector<16xi32>, vector<16xi32>, vector<16xf32>, vector<16xf32>, vector<16xi32>, vector<16xi32>)  : i32 {
        %mul3A_106 = arith.constant 256 : i32
        %mul3A_107 = arith.muli %scan3A_97, %mul3A_106 : i32
        %add3A_108 = arith.constant 0 : i32
        %add3A_109 = arith.addi %mul3A_107, %add3A_108 : i32
        %get3A = arith.index_cast %add3A_109 : i32 to index
        %get3A_110 = tpu.vector_load %arg9[%get3A] {strides = array<i32>} : memref<16384xf32, #tpu.memory_space<vmem>>, vector<16xf32>,
        %get3A_111 = vector.shape_cast %get3A_110 : vector<16xf32> to vector<16xf32>
        %get3A_112 = arith.index_cast %add3A_109 : i32 to index
        %get3A_113 = tpu.vector_load %arg10[%get3A_112] {strides = array<i32>} : memref<16384xi32, #tpu.memory_space<vmem>>, vector<16xi32>,
        %get3A_114 = vector.shape_cast %get3A_113 : vector<16xi32> to vector<16xi32>
        %get3A_115 = arith.index_cast %add3A_109 : i32 to index
        %get3A_116 = tpu.vector_load %arg11[%get3A_115] {strides = array<i32>} : memref<16384xi32, #tpu.memory_space<vmem>>, vector<16xi32>,
        %get3A_117 = vector.shape_cast %get3A_116 : vector<16xi32> to vector<16xi32>
        %and3A = arith.andi %get3A_117, %get3A_114 : vector<16xi32>
        %convert_element_type3A_118 = arith.sitofp %get3A_117 : vector<16xi32> to vector<16xf32>
        %convert_element_type3A_119 = arith.sitofp %and3A : vector<16xi32> to vector<16xf32>
        %mul3A_120 = arith.mulf %convert_element_type3A_118, %get3A_111 : vector<16xf32>
        %add3A_121 = arith.addf %scan3A_98, %mul3A_120 : vector<16xf32>
        %mul3A_122 = arith.mulf %convert_element_type3A_119, %get3A_111 : vector<16xf32>
        %add3A_123 = arith.addf %scan3A_99, %mul3A_122 : vector<16xf32>
        %add3A_124 = arith.addi %scan3A_100, %get3A_117 : vector<16xi32>
        %add3A_125 = arith.addi %scan3A_101, %and3A : vector<16xi32>
        %add3A_126 = arith.constant 16 : i32
        %add3A_127 = arith.addi %mul3A_107, %add3A_126 : i32
        %get3A_128 = arith.index_cast %add3A_127 : i32 to index
        %get3A_129 = tpu.vector_load %arg9[%get3A_128] {strides = array<i32>} : memref<16384xf32, #tpu.memory_space<vmem>>, vector<16xf32>,
        %get3A_130 = vector.shape_cast %get3A_129 : vector<16xf32> to vector<16xf32>
        %get3A_131 = arith.index_cast %add3A_127 : i32 to index
        %get3A_132 = tpu.vector_load %arg10[%get3A_131] {strides = array<i32>} : memref<16384xi32, #tpu.memory_space<vmem>>, vector<16xi32>,
        %get3A_133 = vector.shape_cast %get3A_132 : vector<16xi32> to vector<16xi32>
        %get3A_134 = arith.index_cast %add3A_127 : i32 to index
        %get3A_135 = tpu.vector_load %arg11[%get3A_134] {strides = array<i32>} : memref<16384xi32, #tpu.memory_space<vmem>>, vector<16xi32>,
        %get3A_136 = vector.shape_cast %get3A_135 : vector<16xi32> to vector<16xi32>
        %and3A_137 = arith.andi %get3A_136, %get3A_133 : vector<16xi32>
        %convert_element_type3A_138 = arith.sitofp %get3A_136 : vector<16xi32> to vector<16xf32>
        %convert_element_type3A_139 = arith.sitofp %and3A_137 : vector<16xi32> to vector<16xf32>
        %mul3A_140 = arith.mulf %convert_element_type3A_138, %get3A_130 : vector<16xf32>
        %add3A_141 = arith.addf %scan3A_102, %mul3A_140 : vector<16xf32>
        %mul3A_142 = arith.mulf %convert_element_type3A_139, %get3A_130 : vector<16xf32>
        %add3A_143 = arith.addf %scan3A_103, %mul3A_142 : vector<16xf32>
        %add3A_144 = arith.addi %scan3A_104, %get3A_136 : vector<16xi32>
        %add3A_145 = arith.addi %scan3A_105, %and3A_137 : vector<16xi32>
        %add3A_146 = arith.constant 32 : i32
        %add3A_147 = arith.addi %mul3A_107, %add3A_146 : i32
        %get3A_148 = arith.index_cast %add3A_147 : i32 to index
        %get3A_149 = tpu.vector_load %arg9[%get3A_148] {strides = array<i32>} : memref<16384xf32, #tpu.memory_space<vmem>>, vector<16xf32>,
        %get3A_150 = vector.shape_cast %get3A_149 : vector<16xf32> to vector<16xf32>
        %get3A_151 = arith.index_cast %add3A_147 : i32 to index
        %get3A_152 = tpu.vector_load %arg10[%get3A_151] {strides = array<i32>} : memref<16384xi32, #tpu.memory_space<vmem>>, vector<16xi32>,
        %get3A_153 = vector.shape_cast %get3A_152 : vector<16xi32> to vector<16xi32>
        %get3A_154 = arith.index_cast %add3A_147 : i32 to index
        %get3A_155 = tpu.vector_load %arg11[%get3A_154] {strides = array<i32>} : memref<16384xi32, #tpu.memory_space<vmem>>, vector<16xi32>,
        %get3A_156 = vector.shape_cast %get3A_155 : vector<16xi32> to vector<16xi32>
        %and3A_157 = arith.andi %get3A_156, %get3A_153 : vector<16xi32>
        %convert_element_type3A_158 = arith.sitofp %get3A_156 : vector<16xi32> to vector<16xf32>
        %convert_element_type3A_159 = arith.sitofp %and3A_157 : vector<16xi32> to vector<16xf32>
        %mul3A_160 = arith.mulf %convert_element_type3A_158, %get3A_150 : vector<16xf32>
        %add3A_161 = arith.addf %add3A_121, %mul3A_160 : vector<16xf32>
        %mul3A_162 = arith.mulf %convert_element_type3A_159, %get3A_150 : vector<16xf32>
        %add3A_163 = arith.addf %add3A_123, %mul3A_162 : vector<16xf32>
        %add3A_164 = arith.addi %add3A_124, %get3A_156 : vector<16xi32>
        %add3A_165 = arith.addi %add3A_125, %and3A_157 : vector<16xi32>
        %add3A_166 = arith.constant 48 : i32
        %add3A_167 = arith.addi %mul3A_107, %add3A_166 : i32
        %get3A_168 = arith.index_cast %add3A_167 : i32 to index
        %get3A_169 = tpu.vector_load %arg9[%get3A_168] {strides = array<i32>} : memref<16384xf32, #tpu.memory_space<vmem>>, vector<16xf32>,
        %get3A_170 = vector.shape_cast %get3A_169 : vector<16xf32> to vector<16xf32>
        %get3A_171 = arith.index_cast %add3A_167 : i32 to index
        %get3A_172 = tpu.vector_load %arg10[%get3A_171] {strides = array<i32>} : memref<16384xi32, #tpu.memory_space<vmem>>, vector<16xi32>,
        %get3A_173 = vector.shape_cast %get3A_172 : vector<16xi32> to vector<16xi32>
        %get3A_174 = arith.index_cast %add3A_167 : i32 to index
        %get3A_175 = tpu.vector_load %arg11[%get3A_174] {strides = array<i32>} : memref<16384xi32, #tpu.memory_space<vmem>>, vector<16xi32>,
        %get3A_176 = vector.shape_cast %get3A_175 : vector<16xi32> to vector<16xi32>
        %and3A_177 = arith.andi %get3A_176, %get3A_173 : vector<16xi32>
        %convert_element_type3A_178 = arith.sitofp %get3A_176 : vector<16xi32> to vector<16xf32>
        %convert_element_type3A_179 = arith.sitofp %and3A_177 : vector<16xi32> to vector<16xf32>
        %mul3A_180 = arith.mulf %convert_element_type3A_178, %get3A_170 : vector<16xf32>
        %add3A_181 = arith.addf %add3A_141, %mul3A_180 : vector<16xf32>
        %mul3A_182 = arith.mulf %convert_element_type3A_179, %get3A_170 : vector<16xf32>
        %add3A_183 = arith.addf %add3A_143, %mul3A_182 : vector<16xf32>
        %add3A_184 = arith.addi %add3A_144, %get3A_176 : vector<16xi32>
        %add3A_185 = arith.addi %add3A_145, %and3A_177 : vector<16xi32>
        %add3A_186 = arith.constant 64 : i32
        %add3A_187 = arith.addi %mul3A_107, %add3A_186 : i32
        %get3A_188 = arith.index_cast %add3A_187 : i32 to index
        %get3A_189 = tpu.vector_load %arg9[%get3A_188] {strides = array<i32>} : memref<16384xf32, #tpu.memory_space<vmem>>, vector<16xf32>,
        %get3A_190 = vector.shape_cast %get3A_189 : vector<16xf32> to vector<16xf32>
        %get3A_191 = arith.index_cast %add3A_187 : i32 to index
        %get3A_192 = tpu.vector_load %arg10[%get3A_191] {strides = array<i32>} : memref<16384xi32, #tpu.memory_space<vmem>>, vector<16xi32>,
        %get3A_193 = vector.shape_cast %get3A_192 : vector<16xi32> to vector<16xi32>
        %get3A_194 = arith.index_cast %add3A_187 : i32 to index
        %get3A_195 = tpu.vector_load %arg11[%get3A_194] {strides = array<i32>} : memref<16384xi32, #tpu.memory_space<vmem>>, vector<16xi32>,
        %get3A_196 = vector.shape_cast %get3A_195 : vector<16xi32> to vector<16xi32>
        %and3A_197 = arith.andi %get3A_196, %get3A_193 : vector<16xi32>
        %convert_element_type3A_198 = arith.sitofp %get3A_196 : vector<16xi32> to vector<16xf32>
        %convert_element_type3A_199 = arith.sitofp %and3A_197 : vector<16xi32> to vector<16xf32>
        %mul3A_200 = arith.mulf %convert_element_type3A_198, %get3A_190 : vector<16xf32>
        %add3A_201 = arith.addf %add3A_161, %mul3A_200 : vector<16xf32>
        %mul3A_202 = arith.mulf %convert_element_type3A_199, %get3A_190 : vector<16xf32>
        %add3A_203 = arith.addf %add3A_163, %mul3A_202 : vector<16xf32>
        %add3A_204 = arith.addi %add3A_164, %get3A_196 : vector<16xi32>
        %add3A_205 = arith.addi %add3A_165, %and3A_197 : vector<16xi32>
        %add3A_206 = arith.constant 80 : i32
        %add3A_207 = arith.addi %mul3A_107, %add3A_206 : i32
        %get3A_208 = arith.index_cast %add3A_207 : i32 to index
        %get3A_209 = tpu.vector_load %arg9[%get3A_208] {strides = array<i32>} : memref<16384xf32, #tpu.memory_space<vmem>>, vector<16xf32>,
        %get3A_210 = vector.shape_cast %get3A_209 : vector<16xf32> to vector<16xf32>
        %get3A_211 = arith.index_cast %add3A_207 : i32 to index
        %get3A_212 = tpu.vector_load %arg10[%get3A_211] {strides = array<i32>} : memref<16384xi32, #tpu.memory_space<vmem>>, vector<16xi32>,
        %get3A_213 = vector.shape_cast %get3A_212 : vector<16xi32> to vector<16xi32>
        %get3A_214 = arith.index_cast %add3A_207 : i32 to index
        %get3A_215 = tpu.vector_load %arg11[%get3A_214] {strides = array<i32>} : memref<16384xi32, #tpu.memory_space<vmem>>, vector<16xi32>,
        %get3A_216 = vector.shape_cast %get3A_215 : vector<16xi32> to vector<16xi32>
        %and3A_217 = arith.andi %get3A_216, %get3A_213 : vector<16xi32>
        %convert_element_type3A_218 = arith.sitofp %get3A_216 : vector<16xi32> to vector<16xf32>
        %convert_element_type3A_219 = arith.sitofp %and3A_217 : vector<16xi32> to vector<16xf32>
        %mul3A_220 = arith.mulf %convert_element_type3A_218, %get3A_210 : vector<16xf32>
        %add3A_221 = arith.addf %add3A_181, %mul3A_220 : vector<16xf32>
        %mul3A_222 = arith.mulf %convert_element_type3A_219, %get3A_210 : vector<16xf32>
        %add3A_223 = arith.addf %add3A_183, %mul3A_222 : vector<16xf32>
        %add3A_224 = arith.addi %add3A_184, %get3A_216 : vector<16xi32>
        %add3A_225 = arith.addi %add3A_185, %and3A_217 : vector<16xi32>
        %add3A_226 = arith.constant 96 : i32
        %add3A_227 = arith.addi %mul3A_107, %add3A_226 : i32
        %get3A_228 = arith.index_cast %add3A_227 : i32 to index
        %get3A_229 = tpu.vector_load %arg9[%get3A_228] {strides = array<i32>} : memref<16384xf32, #tpu.memory_space<vmem>>, vector<16xf32>,
        %get3A_230 = vector.shape_cast %get3A_229 : vector<16xf32> to vector<16xf32>
        %get3A_231 = arith.index_cast %add3A_227 : i32 to index
        %get3A_232 = tpu.vector_load %arg10[%get3A_231] {strides = array<i32>} : memref<16384xi32, #tpu.memory_space<vmem>>, vector<16xi32>,
        %get3A_233 = vector.shape_cast %get3A_232 : vector<16xi32> to vector<16xi32>
        %get3A_234 = arith.index_cast %add3A_227 : i32 to index
        %get3A_235 = tpu.vector_load %arg11[%get3A_234] {strides = array<i32>} : memref<16384xi32, #tpu.memory_space<vmem>>, vector<16xi32>,
        %get3A_236 = vector.shape_cast %get3A_235 : vector<16xi32> to vector<16xi32>
        %and3A_237 = arith.andi %get3A_236, %get3A_233 : vector<16xi32>
        %convert_element_type3A_238 = arith.sitofp %get3A_236 : vector<16xi32> to vector<16xf32>
        %convert_element_type3A_239 = arith.sitofp %and3A_237 : vector<16xi32> to vector<16xf32>
        %mul3A_240 = arith.mulf %convert_element_type3A_238, %get3A_230 : vector<16xf32>
        %add3A_241 = arith.addf %add3A_201, %mul3A_240 : vector<16xf32>
        %mul3A_242 = arith.mulf %convert_element_type3A_239, %get3A_230 : vector<16xf32>
        %add3A_243 = arith.addf %add3A_203, %mul3A_242 : vector<16xf32>
        %add3A_244 = arith.addi %add3A_204, %get3A_236 : vector<16xi32>
        %add3A_245 = arith.addi %add3A_205, %and3A_237 : vector<16xi32>
        %add3A_246 = arith.constant 112 : i32
        %add3A_247 = arith.addi %mul3A_107, %add3A_246 : i32
        %get3A_248 = arith.index_cast %add3A_247 : i32 to index
        %get3A_249 = tpu.vector_load %arg9[%get3A_248] {strides = array<i32>} : memref<16384xf32, #tpu.memory_space<vmem>>, vector<16xf32>,
        %get3A_250 = vector.shape_cast %get3A_249 : vector<16xf32> to vector<16xf32>
        %get3A_251 = arith.index_cast %add3A_247 : i32 to index
        %get3A_252 = tpu.vector_load %arg10[%get3A_251] {strides = array<i32>} : memref<16384xi32, #tpu.memory_space<vmem>>, vector<16xi32>,
        %get3A_253 = vector.shape_cast %get3A_252 : vector<16xi32> to vector<16xi32>
        %get3A_254 = arith.index_cast %add3A_247 : i32 to index
        %get3A_255 = tpu.vector_load %arg11[%get3A_254] {strides = array<i32>} : memref<16384xi32, #tpu.memory_space<vmem>>, vector<16xi32>,
        %get3A_256 = vector.shape_cast %get3A_255 : vector<16xi32> to vector<16xi32>
        %and3A_257 = arith.andi %get3A_256, %get3A_253 : vector<16xi32>
        %convert_element_type3A_258 = arith.sitofp %get3A_256 : vector<16xi32> to vector<16xf32>
        %convert_element_type3A_259 = arith.sitofp %and3A_257 : vector<16xi32> to vector<16xf32>
        %mul3A_260 = arith.mulf %convert_element_type3A_258, %get3A_250 : vector<16xf32>
        %add3A_261 = arith.addf %add3A_221, %mul3A_260 : vector<16xf32>
        %mul3A_262 = arith.mulf %convert_element_type3A_259, %get3A_250 : vector<16xf32>
        %add3A_263 = arith.addf %add3A_223, %mul3A_262 : vector<16xf32>
        %add3A_264 = arith.addi %add3A_224, %get3A_256 : vector<16xi32>
        %add3A_265 = arith.addi %add3A_225, %and3A_257 : vector<16xi32>
        %add3A_266 = arith.constant 128 : i32
        %add3A_267 = arith.addi %mul3A_107, %add3A_266 : i32
        %get3A_268 = arith.index_cast %add3A_267 : i32 to index
        %get3A_269 = tpu.vector_load %arg9[%get3A_268] {strides = array<i32>} : memref<16384xf32, #tpu.memory_space<vmem>>, vector<16xf32>,
        %get3A_270 = vector.shape_cast %get3A_269 : vector<16xf32> to vector<16xf32>
        %get3A_271 = arith.index_cast %add3A_267 : i32 to index
        %get3A_272 = tpu.vector_load %arg10[%get3A_271] {strides = array<i32>} : memref<16384xi32, #tpu.memory_space<vmem>>, vector<16xi32>,
        %get3A_273 = vector.shape_cast %get3A_272 : vector<16xi32> to vector<16xi32>
        %get3A_274 = arith.index_cast %add3A_267 : i32 to index
        %get3A_275 = tpu.vector_load %arg11[%get3A_274] {strides = array<i32>} : memref<16384xi32, #tpu.memory_space<vmem>>, vector<16xi32>,
        %get3A_276 = vector.shape_cast %get3A_275 : vector<16xi32> to vector<16xi32>
        %and3A_277 = arith.andi %get3A_276, %get3A_273 : vector<16xi32>
        %convert_element_type3A_278 = arith.sitofp %get3A_276 : vector<16xi32> to vector<16xf32>
        %convert_element_type3A_279 = arith.sitofp %and3A_277 : vector<16xi32> to vector<16xf32>
        %mul3A_280 = arith.mulf %convert_element_type3A_278, %get3A_270 : vector<16xf32>
        %add3A_281 = arith.addf %add3A_241, %mul3A_280 : vector<16xf32>
        %mul3A_282 = arith.mulf %convert_element_type3A_279, %get3A_270 : vector<16xf32>
        %add3A_283 = arith.addf %add3A_243, %mul3A_282 : vector<16xf32>
        %add3A_284 = arith.addi %add3A_244, %get3A_276 : vector<16xi32>
        %add3A_285 = arith.addi %add3A_245, %and3A_277 : vector<16xi32>
        %add3A_286 = arith.constant 144 : i32
        %add3A_287 = arith.addi %mul3A_107, %add3A_286 : i32
        %get3A_288 = arith.index_cast %add3A_287 : i32 to index
        %get3A_289 = tpu.vector_load %arg9[%get3A_288] {strides = array<i32>} : memref<16384xf32, #tpu.memory_space<vmem>>, vector<16xf32>,
        %get3A_290 = vector.shape_cast %get3A_289 : vector<16xf32> to vector<16xf32>
        %get3A_291 = arith.index_cast %add3A_287 : i32 to index
        %get3A_292 = tpu.vector_load %arg10[%get3A_291] {strides = array<i32>} : memref<16384xi32, #tpu.memory_space<vmem>>, vector<16xi32>,
        %get3A_293 = vector.shape_cast %get3A_292 : vector<16xi32> to vector<16xi32>
        %get3A_294 = arith.index_cast %add3A_287 : i32 to index
        %get3A_295 = tpu.vector_load %arg11[%get3A_294] {strides = array<i32>} : memref<16384xi32, #tpu.memory_space<vmem>>, vector<16xi32>,
        %get3A_296 = vector.shape_cast %get3A_295 : vector<16xi32> to vector<16xi32>
        %and3A_297 = arith.andi %get3A_296, %get3A_293 : vector<16xi32>
        %convert_element_type3A_298 = arith.sitofp %get3A_296 : vector<16xi32> to vector<16xf32>
        %convert_element_type3A_299 = arith.sitofp %and3A_297 : vector<16xi32> to vector<16xf32>
        %mul3A_300 = arith.mulf %convert_element_type3A_298, %get3A_290 : vector<16xf32>
        %add3A_301 = arith.addf %add3A_261, %mul3A_300 : vector<16xf32>
        %mul3A_302 = arith.mulf %convert_element_type3A_299, %get3A_290 : vector<16xf32>
        %add3A_303 = arith.addf %add3A_263, %mul3A_302 : vector<16xf32>
        %add3A_304 = arith.addi %add3A_264, %get3A_296 : vector<16xi32>
        %add3A_305 = arith.addi %add3A_265, %and3A_297 : vector<16xi32>
        %add3A_306 = arith.constant 160 : i32
        %add3A_307 = arith.addi %mul3A_107, %add3A_306 : i32
        %get3A_308 = arith.index_cast %add3A_307 : i32 to index
        %get3A_309 = tpu.vector_load %arg9[%get3A_308] {strides = array<i32>} : memref<16384xf32, #tpu.memory_space<vmem>>, vector<16xf32>,
        %get3A_310 = vector.shape_cast %get3A_309 : vector<16xf32> to vector<16xf32>
        %get3A_311 = arith.index_cast %add3A_307 : i32 to index
        %get3A_312 = tpu.vector_load %arg10[%get3A_311] {strides = array<i32>} : memref<16384xi32, #tpu.memory_space<vmem>>, vector<16xi32>,
        %get3A_313 = vector.shape_cast %get3A_312 : vector<16xi32> to vector<16xi32>
        %get3A_314 = arith.index_cast %add3A_307 : i32 to index
        %get3A_315 = tpu.vector_load %arg11[%get3A_314] {strides = array<i32>} : memref<16384xi32, #tpu.memory_space<vmem>>, vector<16xi32>,
        %get3A_316 = vector.shape_cast %get3A_315 : vector<16xi32> to vector<16xi32>
        %and3A_317 = arith.andi %get3A_316, %get3A_313 : vector<16xi32>
        %convert_element_type3A_318 = arith.sitofp %get3A_316 : vector<16xi32> to vector<16xf32>
        %convert_element_type3A_319 = arith.sitofp %and3A_317 : vector<16xi32> to vector<16xf32>
        %mul3A_320 = arith.mulf %convert_element_type3A_318, %get3A_310 : vector<16xf32>
        %add3A_321 = arith.addf %add3A_281, %mul3A_320 : vector<16xf32>
        %mul3A_322 = arith.mulf %convert_element_type3A_319, %get3A_310 : vector<16xf32>
        %add3A_323 = arith.addf %add3A_283, %mul3A_322 : vector<16xf32>
        %add3A_324 = arith.addi %add3A_284, %get3A_316 : vector<16xi32>
        %add3A_325 = arith.addi %add3A_285, %and3A_317 : vector<16xi32>
        %add3A_326 = arith.constant 176 : i32
        %add3A_327 = arith.addi %mul3A_107, %add3A_326 : i32
        %get3A_328 = arith.index_cast %add3A_327 : i32 to index
        %get3A_329 = tpu.vector_load %arg9[%get3A_328] {strides = array<i32>} : memref<16384xf32, #tpu.memory_space<vmem>>, vector<16xf32>,
        %get3A_330 = vector.shape_cast %get3A_329 : vector<16xf32> to vector<16xf32>
        %get3A_331 = arith.index_cast %add3A_327 : i32 to index
        %get3A_332 = tpu.vector_load %arg10[%get3A_331] {strides = array<i32>} : memref<16384xi32, #tpu.memory_space<vmem>>, vector<16xi32>,
        %get3A_333 = vector.shape_cast %get3A_332 : vector<16xi32> to vector<16xi32>
        %get3A_334 = arith.index_cast %add3A_327 : i32 to index
        %get3A_335 = tpu.vector_load %arg11[%get3A_334] {strides = array<i32>} : memref<16384xi32, #tpu.memory_space<vmem>>, vector<16xi32>,
        %get3A_336 = vector.shape_cast %get3A_335 : vector<16xi32> to vector<16xi32>
        %and3A_337 = arith.andi %get3A_336, %get3A_333 : vector<16xi32>
        %convert_element_type3A_338 = arith.sitofp %get3A_336 : vector<16xi32> to vector<16xf32>
        %convert_element_type3A_339 = arith.sitofp %and3A_337 : vector<16xi32> to vector<16xf32>
        %mul3A_340 = arith.mulf %convert_element_type3A_338, %get3A_330 : vector<16xf32>
        %add3A_341 = arith.addf %add3A_301, %mul3A_340 : vector<16xf32>
        %mul3A_342 = arith.mulf %convert_element_type3A_339, %get3A_330 : vector<16xf32>
        %add3A_343 = arith.addf %add3A_303, %mul3A_342 : vector<16xf32>
        %add3A_344 = arith.addi %add3A_304, %get3A_336 : vector<16xi32>
        %add3A_345 = arith.addi %add3A_305, %and3A_337 : vector<16xi32>
        %add3A_346 = arith.constant 192 : i32
        %add3A_347 = arith.addi %mul3A_107, %add3A_346 : i32
        %get3A_348 = arith.index_cast %add3A_347 : i32 to index
        %get3A_349 = tpu.vector_load %arg9[%get3A_348] {strides = array<i32>} : memref<16384xf32, #tpu.memory_space<vmem>>, vector<16xf32>,
        %get3A_350 = vector.shape_cast %get3A_349 : vector<16xf32> to vector<16xf32>
        %get3A_351 = arith.index_cast %add3A_347 : i32 to index
        %get3A_352 = tpu.vector_load %arg10[%get3A_351] {strides = array<i32>} : memref<16384xi32, #tpu.memory_space<vmem>>, vector<16xi32>,
        %get3A_353 = vector.shape_cast %get3A_352 : vector<16xi32> to vector<16xi32>
        %get3A_354 = arith.index_cast %add3A_347 : i32 to index
        %get3A_355 = tpu.vector_load %arg11[%get3A_354] {strides = array<i32>} : memref<16384xi32, #tpu.memory_space<vmem>>, vector<16xi32>,
        %get3A_356 = vector.shape_cast %get3A_355 : vector<16xi32> to vector<16xi32>
        %and3A_357 = arith.andi %get3A_356, %get3A_353 : vector<16xi32>
        %convert_element_type3A_358 = arith.sitofp %get3A_356 : vector<16xi32> to vector<16xf32>
        %convert_element_type3A_359 = arith.sitofp %and3A_357 : vector<16xi32> to vector<16xf32>
        %mul3A_360 = arith.mulf %convert_element_type3A_358, %get3A_350 : vector<16xf32>
        %add3A_361 = arith.addf %add3A_321, %mul3A_360 : vector<16xf32>
        %mul3A_362 = arith.mulf %convert_element_type3A_359, %get3A_350 : vector<16xf32>
        %add3A_363 = arith.addf %add3A_323, %mul3A_362 : vector<16xf32>
        %add3A_364 = arith.addi %add3A_324, %get3A_356 : vector<16xi32>
        %add3A_365 = arith.addi %add3A_325, %and3A_357 : vector<16xi32>
        %add3A_366 = arith.constant 208 : i32
        %add3A_367 = arith.addi %mul3A_107, %add3A_366 : i32
        %get3A_368 = arith.index_cast %add3A_367 : i32 to index
        %get3A_369 = tpu.vector_load %arg9[%get3A_368] {strides = array<i32>} : memref<16384xf32, #tpu.memory_space<vmem>>, vector<16xf32>,
        %get3A_370 = vector.shape_cast %get3A_369 : vector<16xf32> to vector<16xf32>
        %get3A_371 = arith.index_cast %add3A_367 : i32 to index
        %get3A_372 = tpu.vector_load %arg10[%get3A_371] {strides = array<i32>} : memref<16384xi32, #tpu.memory_space<vmem>>, vector<16xi32>,
        %get3A_373 = vector.shape_cast %get3A_372 : vector<16xi32> to vector<16xi32>
        %get3A_374 = arith.index_cast %add3A_367 : i32 to index
        %get3A_375 = tpu.vector_load %arg11[%get3A_374] {strides = array<i32>} : memref<16384xi32, #tpu.memory_space<vmem>>, vector<16xi32>,
        %get3A_376 = vector.shape_cast %get3A_375 : vector<16xi32> to vector<16xi32>
        %and3A_377 = arith.andi %get3A_376, %get3A_373 : vector<16xi32>
        %convert_element_type3A_378 = arith.sitofp %get3A_376 : vector<16xi32> to vector<16xf32>
        %convert_element_type3A_379 = arith.sitofp %and3A_377 : vector<16xi32> to vector<16xf32>
        %mul3A_380 = arith.mulf %convert_element_type3A_378, %get3A_370 : vector<16xf32>
        %add3A_381 = arith.addf %add3A_341, %mul3A_380 : vector<16xf32>
        %mul3A_382 = arith.mulf %convert_element_type3A_379, %get3A_370 : vector<16xf32>
        %add3A_383 = arith.addf %add3A_343, %mul3A_382 : vector<16xf32>
        %add3A_384 = arith.addi %add3A_344, %get3A_376 : vector<16xi32>
        %add3A_385 = arith.addi %add3A_345, %and3A_377 : vector<16xi32>
        %add3A_386 = arith.constant 224 : i32
        %add3A_387 = arith.addi %mul3A_107, %add3A_386 : i32
        %get3A_388 = arith.index_cast %add3A_387 : i32 to index
        %get3A_389 = tpu.vector_load %arg9[%get3A_388] {strides = array<i32>} : memref<16384xf32, #tpu.memory_space<vmem>>, vector<16xf32>,
        %get3A_390 = vector.shape_cast %get3A_389 : vector<16xf32> to vector<16xf32>
        %get3A_391 = arith.index_cast %add3A_387 : i32 to index
        %get3A_392 = tpu.vector_load %arg10[%get3A_391] {strides = array<i32>} : memref<16384xi32, #tpu.memory_space<vmem>>, vector<16xi32>,
        %get3A_393 = vector.shape_cast %get3A_392 : vector<16xi32> to vector<16xi32>
        %get3A_394 = arith.index_cast %add3A_387 : i32 to index
        %get3A_395 = tpu.vector_load %arg11[%get3A_394] {strides = array<i32>} : memref<16384xi32, #tpu.memory_space<vmem>>, vector<16xi32>,
        %get3A_396 = vector.shape_cast %get3A_395 : vector<16xi32> to vector<16xi32>
        %and3A_397 = arith.andi %get3A_396, %get3A_393 : vector<16xi32>
        %convert_element_type3A_398 = arith.sitofp %get3A_396 : vector<16xi32> to vector<16xf32>
        %convert_element_type3A_399 = arith.sitofp %and3A_397 : vector<16xi32> to vector<16xf32>
        %mul3A_400 = arith.mulf %convert_element_type3A_398, %get3A_390 : vector<16xf32>
        %add3A_401 = arith.addf %add3A_361, %mul3A_400 : vector<16xf32>
        %mul3A_402 = arith.mulf %convert_element_type3A_399, %get3A_390 : vector<16xf32>
        %add3A_403 = arith.addf %add3A_363, %mul3A_402 : vector<16xf32>
        %add3A_404 = arith.addi %add3A_364, %get3A_396 : vector<16xi32>
        %add3A_405 = arith.addi %add3A_365, %and3A_397 : vector<16xi32>
        %add3A_406 = arith.constant 240 : i32
        %add3A_407 = arith.addi %mul3A_107, %add3A_406 : i32
        %get3A_408 = arith.index_cast %add3A_407 : i32 to index
        %get3A_409 = tpu.vector_load %arg9[%get3A_408] {strides = array<i32>} : memref<16384xf32, #tpu.memory_space<vmem>>, vector<16xf32>,
        %get3A_410 = vector.shape_cast %get3A_409 : vector<16xf32> to vector<16xf32>
        %get3A_411 = arith.index_cast %add3A_407 : i32 to index
        %get3A_412 = tpu.vector_load %arg10[%get3A_411] {strides = array<i32>} : memref<16384xi32, #tpu.memory_space<vmem>>, vector<16xi32>,
        %get3A_413 = vector.shape_cast %get3A_412 : vector<16xi32> to vector<16xi32>
        %get3A_414 = arith.index_cast %add3A_407 : i32 to index
        %get3A_415 = tpu.vector_load %arg11[%get3A_414] {strides = array<i32>} : memref<16384xi32, #tpu.memory_space<vmem>>, vector<16xi32>,
        %get3A_416 = vector.shape_cast %get3A_415 : vector<16xi32> to vector<16xi32>
        %and3A_417 = arith.andi %get3A_416, %get3A_413 : vector<16xi32>
        %convert_element_type3A_418 = arith.sitofp %get3A_416 : vector<16xi32> to vector<16xf32>
        %convert_element_type3A_419 = arith.sitofp %and3A_417 : vector<16xi32> to vector<16xf32>
        %mul3A_420 = arith.mulf %convert_element_type3A_418, %get3A_410 : vector<16xf32>
        %add3A_421 = arith.addf %add3A_381, %mul3A_420 : vector<16xf32>
        %mul3A_422 = arith.mulf %convert_element_type3A_419, %get3A_410 : vector<16xf32>
        %add3A_423 = arith.addf %add3A_383, %mul3A_422 : vector<16xf32>
        %add3A_424 = arith.addi %add3A_384, %get3A_416 : vector<16xi32>
        %add3A_425 = arith.addi %add3A_385, %and3A_417 : vector<16xi32>
        scf.yield %add3A_401, %add3A_403, %add3A_404, %add3A_405, %add3A_421, %add3A_423, %add3A_424, %add3A_425 : vector<16xf32>, vector<16xf32>, vector<16xi32>, vector<16xi32>, vector<16xf32>, vector<16xf32>, vector<16xi32>, vector<16xi32>
      }
      %scan3A_96 = arith.constant 64 : i32
      scf.yield %scan3A_95#0, %scan3A_95#1, %scan3A_95#2, %scan3A_95#3, %scan3A_95#4, %scan3A_95#5, %scan3A_95#6, %scan3A_95#7 : vector<16xf32>, vector<16xf32>, vector<16xi32>, vector<16xi32>, vector<16xf32>, vector<16xf32>, vector<16xi32>, vector<16xi32>
    }
    %scan3A_14 = arith.constant 4 : i32
    %add3A_15 = arith.addf %scan3A_13#0, %scan3A_13#4 : vector<16xf32>
    %add3A_16 = arith.addf %scan3A_13#1, %scan3A_13#5 : vector<16xf32>
    %add3A_17 = arith.addi %scan3A_13#2, %scan3A_13#6 : vector<16xi32>
    %convert_element_type3A = arith.sitofp %add3A_17 : vector<16xi32> to vector<16xf32>
    %add3A_18 = arith.addi %scan3A_13#3, %scan3A_13#7 : vector<16xi32>
    %convert_element_type3A_19 = arith.sitofp %add3A_18 : vector<16xi32> to vector<16xf32>
    %swap3A = arith.constant 0 : index
    %swap3A_20 = tpu.vector_load %arg12[%swap3A] {strides = array<i32>} : memref<64xf32, #tpu.memory_space<vmem>>, vector<16xf32>,
    %swap3A_21 = vector.shape_cast %swap3A_20 : vector<16xf32> to vector<16xf32>
    %swap3A_22 = vector.shape_cast %add3A_15 : vector<16xf32> to vector<16xf32>
    tpu.vector_store %arg12[%swap3A], %swap3A_22 {strides = array<i32>} : memref<64xf32, #tpu.memory_space<vmem>>, vector<16xf32>,
    %swap3A_23 = arith.constant 16 : index
    %swap3A_24 = tpu.vector_load %arg12[%swap3A_23] {strides = array<i32>} : memref<64xf32, #tpu.memory_space<vmem>>, vector<16xf32>,
    %swap3A_25 = vector.shape_cast %swap3A_24 : vector<16xf32> to vector<16xf32>
    %swap3A_26 = vector.shape_cast %add3A_16 : vector<16xf32> to vector<16xf32>
    tpu.vector_store %arg12[%swap3A_23], %swap3A_26 {strides = array<i32>} : memref<64xf32, #tpu.memory_space<vmem>>, vector<16xf32>,
    %swap3A_27 = arith.constant 32 : index
    %swap3A_28 = tpu.vector_load %arg12[%swap3A_27] {strides = array<i32>} : memref<64xf32, #tpu.memory_space<vmem>>, vector<16xf32>,
    %swap3A_29 = vector.shape_cast %swap3A_28 : vector<16xf32> to vector<16xf32>
    %swap3A_30 = vector.shape_cast %convert_element_type3A : vector<16xf32> to vector<16xf32>
    tpu.vector_store %arg12[%swap3A_27], %swap3A_30 {strides = array<i32>} : memref<64xf32, #tpu.memory_space<vmem>>, vector<16xf32>,
    %swap3A_31 = arith.constant 48 : index
    %swap3A_32 = tpu.vector_load %arg12[%swap3A_31] {strides = array<i32>} : memref<64xf32, #tpu.memory_space<vmem>>, vector<16xf32>,
    %swap3A_33 = vector.shape_cast %swap3A_32 : vector<16xf32> to vector<16xf32>
    %swap3A_34 = vector.shape_cast %convert_element_type3A_19 : vector<16xf32> to vector<16xf32>
    tpu.vector_store %arg12[%swap3A_31], %swap3A_34 {strides = array<i32>} : memref<64xf32, #tpu.memory_space<vmem>>, vector<16xf32>,
    "tpu.region"() ({
      %run_scoped3A = tpu.sem_alloc : memref<!tpu.dma_semaphore, #tpu.memory_space<semaphore_mem>>
      %dma_start3A_35 = arith.constant 0 : i32
      %dma_start3A_36 = tpu.memref_slice %arg5[%arg1, %dma_start3A_35] : memref<16x64xf32, #tpu.memory_space<hbm>> -> memref<1x64xf32, #tpu.memory_space<hbm>>
      %dma_start3A_37 = tpu.memref_squeeze %dma_start3A_36 : memref<1x64xf32, #tpu.memory_space<hbm>> -> memref<64xf32, #tpu.memory_space<hbm>>
      %dma_start3A_38 = arith.constant 0 : i32
      %dma_start3A_39 = tpu.memref_slice %arg5[%arg1, %dma_start3A_38] : memref<16x64xf32, #tpu.memory_space<hbm>> -> memref<1x64xf32, #tpu.memory_space<hbm>>
      %dma_start3A_40 = tpu.memref_squeeze %dma_start3A_39 : memref<1x64xf32, #tpu.memory_space<hbm>> -> memref<64xf32, #tpu.memory_space<hbm>>
      tpu.enqueue_dma source(%arg12 : memref<64xf32, #tpu.memory_space<vmem>>) target(%dma_start3A_40 : memref<64xf32, #tpu.memory_space<hbm>>) target_semaphore(%run_scoped3A : memref<!tpu.dma_semaphore, #tpu.memory_space<semaphore_mem>>)
      %dma_wait3A = arith.constant 0 : i32
      %dma_wait3A_41 = tpu.memref_slice %arg5[%arg1, %dma_wait3A] : memref<16x64xf32, #tpu.memory_space<hbm>> -> memref<1x64xf32, #tpu.memory_space<hbm>>
      %dma_wait3A_42 = tpu.memref_squeeze %dma_wait3A_41 : memref<1x64xf32, #tpu.memory_space<hbm>> -> memref<64xf32, #tpu.memory_space<hbm>>
      %dma_wait3A_43 = arith.constant 0 : i32
      %dma_wait3A_44 = tpu.memref_slice %arg5[%arg1, %dma_wait3A_43] : memref<16x64xf32, #tpu.memory_space<hbm>> -> memref<1x64xf32, #tpu.memory_space<hbm>>
      %dma_wait3A_45 = tpu.memref_squeeze %dma_wait3A_44 : memref<1x64xf32, #tpu.memory_space<hbm>> -> memref<64xf32, #tpu.memory_space<hbm>>
      tpu.wait_dma2 semaphore(%run_scoped3A : memref<!tpu.dma_semaphore, #tpu.memory_space<semaphore_mem>>) src(%arg12 : memref<64xf32, #tpu.memory_space<vmem>>) dst(%dma_wait3A_45 : memref<64xf32, #tpu.memory_space<hbm>>)
      tpu.yield
    }) : () -> ()
    return
  }
}

#map = affine_map<(d0, d1) -> (0)>
#map1 = affine_map<(d0, d1) -> (0, 0)>
module attributes {stable_mosaic.version = 14 : i64} {
  func.func @_sc_body(%arg0: i32, %arg1: i32, %arg2: memref<4194304xf32, #tpu.memory_space<hbm>>, %arg3: memref<4194304xi32, #tpu.memory_space<hbm>>, %arg4: memref<4194304xi32, #tpu.memory_space<hbm>>, %arg5: memref<16x64xf32, #tpu.memory_space<hbm>>, %arg6: memref<16384xf32, #tpu.memory_space<vmem>>, %arg7: memref<16384xi32, #tpu.memory_space<vmem>>, %arg8: memref<16384xi32, #tpu.memory_space<vmem>>, %arg9: memref<16384xf32, #tpu.memory_space<vmem>>, %arg10: memref<16384xi32, #tpu.memory_space<vmem>>, %arg11: memref<16384xi32, #tpu.memory_space<vmem>>, %arg12: memref<64xf32, #tpu.memory_space<vmem>>, %arg13: memref<!tpu.dma_semaphore, #tpu.memory_space<semaphore_mem>>, %arg14: memref<!tpu.dma_semaphore, #tpu.memory_space<semaphore_mem>>) attributes {dimension_semantics = [#tpu.dimension_semantics<core_parallel>, #tpu.dimension_semantics<subcore_parallel>], iteration_bounds = array<i64: 1, 16>, scalar_prefetch = 0 : i64, scratch_operands = 9 : i64, tpu.core_type = #tpu.core_type<sc_vector_subcore>, window_params = [{transform_indices = #map}, {transform_indices = #map}, {transform_indices = #map}, {transform_indices = #map1}]} {
    %mul3A = arith.constant 131072 : i32
    %mul3A_0 = arith.muli %arg1, %mul3A : i32
    %add3A = arith.constant 0 : i32
    %add3A_1 = arith.addi %add3A, %mul3A_0 : i32
    %broadcast_in_dim3A = arith.constant 0.000000e+00 : f32
    %broadcast_in_dim3A_2 = vector.broadcast %broadcast_in_dim3A : f32 to vector<16xf32>
    %broadcast_in_dim3A_3 = arith.constant 0 : i32
    %broadcast_in_dim3A_4 = vector.broadcast %broadcast_in_dim3A_3 : i32 to vector<16xi32>
    %dma_start3A = tpu.memref_slice %arg2[%add3A_1] : memref<4194304xf32, #tpu.memory_space<hbm>> -> memref<16384xf32, #tpu.memory_space<hbm>>
    %dma_start3A_5 = tpu.memref_slice %arg2[%add3A_1] : memref<4194304xf32, #tpu.memory_space<hbm>> -> memref<16384xf32, #tpu.memory_space<hbm>>
    tpu.enqueue_dma source(%dma_start3A_5 : memref<16384xf32, #tpu.memory_space<hbm>>) target(%arg6 : memref<16384xf32, #tpu.memory_space<vmem>>) target_semaphore(%arg13 : memref<!tpu.dma_semaphore, #tpu.memory_space<semaphore_mem>>)
    %dma_start3A_6 = tpu.memref_slice %arg3[%add3A_1] : memref<4194304xi32, #tpu.memory_space<hbm>> -> memref<16384xi32, #tpu.memory_space<hbm>>
    %dma_start3A_7 = tpu.memref_slice %arg3[%add3A_1] : memref<4194304xi32, #tpu.memory_space<hbm>> -> memref<16384xi32, #tpu.memory_space<hbm>>
    tpu.enqueue_dma source(%dma_start3A_7 : memref<16384xi32, #tpu.memory_space<hbm>>) target(%arg7 : memref<16384xi32, #tpu.memory_space<vmem>>) target_semaphore(%arg13 : memref<!tpu.dma_semaphore, #tpu.memory_space<semaphore_mem>>)
    %dma_start3A_8 = tpu.memref_slice %arg4[%add3A_1] : memref<4194304xi32, #tpu.memory_space<hbm>> -> memref<16384xi32, #tpu.memory_space<hbm>>
    %dma_start3A_9 = tpu.memref_slice %arg4[%add3A_1] : memref<4194304xi32, #tpu.memory_space<hbm>> -> memref<16384xi32, #tpu.memory_space<hbm>>
    tpu.enqueue_dma source(%dma_start3A_9 : memref<16384xi32, #tpu.memory_space<hbm>>) target(%arg8 : memref<16384xi32, #tpu.memory_space<vmem>>) target_semaphore(%arg13 : memref<!tpu.dma_semaphore, #tpu.memory_space<semaphore_mem>>)
    %scan3A = arith.constant 0 : i32
    %scan3A_10 = arith.constant 4 : i32
    %scan3A_11 = arith.addi %scan3A, %scan3A_10 : i32
    %scan3A_12 = arith.constant 1 : i32
    %scan3A_13:8 = scf.for %scan3A_35 = %scan3A to %scan3A_11 step %scan3A_12 iter_args(%scan3A_36 = %broadcast_in_dim3A_2, %scan3A_37 = %broadcast_in_dim3A_2, %scan3A_38 = %broadcast_in_dim3A_4, %scan3A_39 = %broadcast_in_dim3A_4, %scan3A_40 = %broadcast_in_dim3A_2, %scan3A_41 = %broadcast_in_dim3A_2, %scan3A_42 = %broadcast_in_dim3A_4, %scan3A_43 = %broadcast_in_dim3A_4) -> (vector<16xf32>, vector<16xf32>, vector<16xi32>, vector<16xi32>, vector<16xf32>, vector<16xf32>, vector<16xi32>, vector<16xi32>)  : i32 {
      %mul3A_44 = arith.constant 2 : i32
      %mul3A_45 = arith.muli %mul3A_44, %scan3A_35 : i32
      %add3A_46 = arith.constant 1 : i32
      %add3A_47 = arith.addi %mul3A_45, %add3A_46 : i32
      %mul3A_48 = arith.constant 16384 : i32
      %mul3A_49 = arith.muli %add3A_47, %mul3A_48 : i32
      %add3A_50 = arith.addi %add3A_1, %mul3A_49 : i32
      %dma_start3A_51 = tpu.memref_slice %arg2[%add3A_50] : memref<4194304xf32, #tpu.memory_space<hbm>> -> memref<16384xf32, #tpu.memory_space<hbm>>
      %dma_start3A_52 = tpu.memref_slice %arg2[%add3A_50] : memref<4194304xf32, #tpu.memory_space<hbm>> -> memref<16384xf32, #tpu.memory_space<hbm>>
      tpu.enqueue_dma source(%dma_start3A_52 : memref<16384xf32, #tpu.memory_space<hbm>>) target(%arg9 : memref<16384xf32, #tpu.memory_space<vmem>>) target_semaphore(%arg14 : memref<!tpu.dma_semaphore, #tpu.memory_space<semaphore_mem>>)
      %dma_start3A_53 = tpu.memref_slice %arg3[%add3A_50] : memref<4194304xi32, #tpu.memory_space<hbm>> -> memref<16384xi32, #tpu.memory_space<hbm>>
      %dma_start3A_54 = tpu.memref_slice %arg3[%add3A_50] : memref<4194304xi32, #tpu.memory_space<hbm>> -> memref<16384xi32, #tpu.memory_space<hbm>>
      tpu.enqueue_dma source(%dma_start3A_54 : memref<16384xi32, #tpu.memory_space<hbm>>) target(%arg10 : memref<16384xi32, #tpu.memory_space<vmem>>) target_semaphore(%arg14 : memref<!tpu.dma_semaphore, #tpu.memory_space<semaphore_mem>>)
      %dma_start3A_55 = tpu.memref_slice %arg4[%add3A_50] : memref<4194304xi32, #tpu.memory_space<hbm>> -> memref<16384xi32, #tpu.memory_space<hbm>>
      %dma_start3A_56 = tpu.memref_slice %arg4[%add3A_50] : memref<4194304xi32, #tpu.memory_space<hbm>> -> memref<16384xi32, #tpu.memory_space<hbm>>
      tpu.enqueue_dma source(%dma_start3A_56 : memref<16384xi32, #tpu.memory_space<hbm>>) target(%arg11 : memref<16384xi32, #tpu.memory_space<vmem>>) target_semaphore(%arg14 : memref<!tpu.dma_semaphore, #tpu.memory_space<semaphore_mem>>)
      %dma_wait3A = arith.constant 0 : i32
      %dma_wait3A_57 = tpu.memref_slice %arg2[%dma_wait3A] : memref<4194304xf32, #tpu.memory_space<hbm>> -> memref<16384xf32, #tpu.memory_space<hbm>>
      %dma_wait3A_58 = arith.constant 0 : i32
      %dma_wait3A_59 = tpu.memref_slice %arg2[%dma_wait3A_58] : memref<4194304xf32, #tpu.memory_space<hbm>> -> memref<16384xf32, #tpu.memory_space<hbm>>
      tpu.wait_dma2 semaphore(%arg13 : memref<!tpu.dma_semaphore, #tpu.memory_space<semaphore_mem>>) src(%dma_wait3A_59 : memref<16384xf32, #tpu.memory_space<hbm>>) dst(%arg6 : memref<16384xf32, #tpu.memory_space<vmem>>)
      %dma_wait3A_60 = arith.constant 0 : i32
      %dma_wait3A_61 = tpu.memref_slice %arg3[%dma_wait3A_60] : memref<4194304xi32, #tpu.memory_space<hbm>> -> memref<16384xi32, #tpu.memory_space<hbm>>
      %dma_wait3A_62 = arith.constant 0 : i32
      %dma_wait3A_63 = tpu.memref_slice %arg3[%dma_wait3A_62] : memref<4194304xi32, #tpu.memory_space<hbm>> -> memref<16384xi32, #tpu.memory_space<hbm>>
      tpu.wait_dma2 semaphore(%arg13 : memref<!tpu.dma_semaphore, #tpu.memory_space<semaphore_mem>>) src(%dma_wait3A_63 : memref<16384xi32, #tpu.memory_space<hbm>>) dst(%arg7 : memref<16384xi32, #tpu.memory_space<vmem>>)
      %dma_wait3A_64 = arith.constant 0 : i32
      %dma_wait3A_65 = tpu.memref_slice %arg4[%dma_wait3A_64] : memref<4194304xi32, #tpu.memory_space<hbm>> -> memref<16384xi32, #tpu.memory_space<hbm>>
      %dma_wait3A_66 = arith.constant 0 : i32
      %dma_wait3A_67 = tpu.memref_slice %arg4[%dma_wait3A_66] : memref<4194304xi32, #tpu.memory_space<hbm>> -> memref<16384xi32, #tpu.memory_space<hbm>>
      tpu.wait_dma2 semaphore(%arg13 : memref<!tpu.dma_semaphore, #tpu.memory_space<semaphore_mem>>) src(%dma_wait3A_67 : memref<16384xi32, #tpu.memory_space<hbm>>) dst(%arg8 : memref<16384xi32, #tpu.memory_space<vmem>>)
      %scan3A_68 = arith.constant 0 : i32
      %scan3A_69 = arith.constant 64 : i32
      %scan3A_70 = arith.addi %scan3A_68, %scan3A_69 : i32
      %scan3A_71 = arith.constant 1 : i32
      %scan3A_72:8 = scf.for %scan3A_97 = %scan3A_68 to %scan3A_70 step %scan3A_71 iter_args(%scan3A_98 = %scan3A_36, %scan3A_99 = %scan3A_37, %scan3A_100 = %scan3A_38, %scan3A_101 = %scan3A_39, %scan3A_102 = %scan3A_40, %scan3A_103 = %scan3A_41, %scan3A_104 = %scan3A_42, %scan3A_105 = %scan3A_43) -> (vector<16xf32>, vector<16xf32>, vector<16xi32>, vector<16xi32>, vector<16xf32>, vector<16xf32>, vector<16xi32>, vector<16xi32>)  : i32 {
        %mul3A_106 = arith.constant 256 : i32
        %mul3A_107 = arith.muli %scan3A_97, %mul3A_106 : i32
        %add3A_108 = arith.constant 0 : i32
        %add3A_109 = arith.addi %mul3A_107, %add3A_108 : i32
        %get3A = arith.index_cast %add3A_109 : i32 to index
        %get3A_110 = tpu.vector_load %arg6[%get3A] {strides = array<i32>} : memref<16384xf32, #tpu.memory_space<vmem>>, vector<16xf32>,
        %get3A_111 = vector.shape_cast %get3A_110 : vector<16xf32> to vector<16xf32>
        %get3A_112 = arith.index_cast %add3A_109 : i32 to index
        %get3A_113 = tpu.vector_load %arg7[%get3A_112] {strides = array<i32>} : memref<16384xi32, #tpu.memory_space<vmem>>, vector<16xi32>,
        %get3A_114 = vector.shape_cast %get3A_113 : vector<16xi32> to vector<16xi32>
        %get3A_115 = arith.index_cast %add3A_109 : i32 to index
        %get3A_116 = tpu.vector_load %arg8[%get3A_115] {strides = array<i32>} : memref<16384xi32, #tpu.memory_space<vmem>>, vector<16xi32>,
        %get3A_117 = vector.shape_cast %get3A_116 : vector<16xi32> to vector<16xi32>
        %and3A = arith.andi %get3A_117, %get3A_114 : vector<16xi32>
        %convert_element_type3A_118 = arith.sitofp %get3A_117 : vector<16xi32> to vector<16xf32>
        %convert_element_type3A_119 = arith.sitofp %and3A : vector<16xi32> to vector<16xf32>
        %mul3A_120 = arith.mulf %convert_element_type3A_118, %get3A_111 : vector<16xf32>
        %add3A_121 = arith.addf %scan3A_98, %mul3A_120 : vector<16xf32>
        %mul3A_122 = arith.mulf %convert_element_type3A_119, %get3A_111 : vector<16xf32>
        %add3A_123 = arith.addf %scan3A_99, %mul3A_122 : vector<16xf32>
        %add3A_124 = arith.addi %scan3A_100, %get3A_117 : vector<16xi32>
        %add3A_125 = arith.addi %scan3A_101, %and3A : vector<16xi32>
        %add3A_126 = arith.constant 16 : i32
        %add3A_127 = arith.addi %mul3A_107, %add3A_126 : i32
        %get3A_128 = arith.index_cast %add3A_127 : i32 to index
        %get3A_129 = tpu.vector_load %arg6[%get3A_128] {strides = array<i32>} : memref<16384xf32, #tpu.memory_space<vmem>>, vector<16xf32>,
        %get3A_130 = vector.shape_cast %get3A_129 : vector<16xf32> to vector<16xf32>
        %get3A_131 = arith.index_cast %add3A_127 : i32 to index
        %get3A_132 = tpu.vector_load %arg7[%get3A_131] {strides = array<i32>} : memref<16384xi32, #tpu.memory_space<vmem>>, vector<16xi32>,
        %get3A_133 = vector.shape_cast %get3A_132 : vector<16xi32> to vector<16xi32>
        %get3A_134 = arith.index_cast %add3A_127 : i32 to index
        %get3A_135 = tpu.vector_load %arg8[%get3A_134] {strides = array<i32>} : memref<16384xi32, #tpu.memory_space<vmem>>, vector<16xi32>,
        %get3A_136 = vector.shape_cast %get3A_135 : vector<16xi32> to vector<16xi32>
        %and3A_137 = arith.andi %get3A_136, %get3A_133 : vector<16xi32>
        %convert_element_type3A_138 = arith.sitofp %get3A_136 : vector<16xi32> to vector<16xf32>
        %convert_element_type3A_139 = arith.sitofp %and3A_137 : vector<16xi32> to vector<16xf32>
        %mul3A_140 = arith.mulf %convert_element_type3A_138, %get3A_130 : vector<16xf32>
        %add3A_141 = arith.addf %scan3A_102, %mul3A_140 : vector<16xf32>
        %mul3A_142 = arith.mulf %convert_element_type3A_139, %get3A_130 : vector<16xf32>
        %add3A_143 = arith.addf %scan3A_103, %mul3A_142 : vector<16xf32>
        %add3A_144 = arith.addi %scan3A_104, %get3A_136 : vector<16xi32>
        %add3A_145 = arith.addi %scan3A_105, %and3A_137 : vector<16xi32>
        %add3A_146 = arith.constant 32 : i32
        %add3A_147 = arith.addi %mul3A_107, %add3A_146 : i32
        %get3A_148 = arith.index_cast %add3A_147 : i32 to index
        %get3A_149 = tpu.vector_load %arg6[%get3A_148] {strides = array<i32>} : memref<16384xf32, #tpu.memory_space<vmem>>, vector<16xf32>,
        %get3A_150 = vector.shape_cast %get3A_149 : vector<16xf32> to vector<16xf32>
        %get3A_151 = arith.index_cast %add3A_147 : i32 to index
        %get3A_152 = tpu.vector_load %arg7[%get3A_151] {strides = array<i32>} : memref<16384xi32, #tpu.memory_space<vmem>>, vector<16xi32>,
        %get3A_153 = vector.shape_cast %get3A_152 : vector<16xi32> to vector<16xi32>
        %get3A_154 = arith.index_cast %add3A_147 : i32 to index
        %get3A_155 = tpu.vector_load %arg8[%get3A_154] {strides = array<i32>} : memref<16384xi32, #tpu.memory_space<vmem>>, vector<16xi32>,
        %get3A_156 = vector.shape_cast %get3A_155 : vector<16xi32> to vector<16xi32>
        %and3A_157 = arith.andi %get3A_156, %get3A_153 : vector<16xi32>
        %convert_element_type3A_158 = arith.sitofp %get3A_156 : vector<16xi32> to vector<16xf32>
        %convert_element_type3A_159 = arith.sitofp %and3A_157 : vector<16xi32> to vector<16xf32>
        %mul3A_160 = arith.mulf %convert_element_type3A_158, %get3A_150 : vector<16xf32>
        %add3A_161 = arith.addf %add3A_121, %mul3A_160 : vector<16xf32>
        %mul3A_162 = arith.mulf %convert_element_type3A_159, %get3A_150 : vector<16xf32>
        %add3A_163 = arith.addf %add3A_123, %mul3A_162 : vector<16xf32>
        %add3A_164 = arith.addi %add3A_124, %get3A_156 : vector<16xi32>
        %add3A_165 = arith.addi %add3A_125, %and3A_157 : vector<16xi32>
        %add3A_166 = arith.constant 48 : i32
        %add3A_167 = arith.addi %mul3A_107, %add3A_166 : i32
        %get3A_168 = arith.index_cast %add3A_167 : i32 to index
        %get3A_169 = tpu.vector_load %arg6[%get3A_168] {strides = array<i32>} : memref<16384xf32, #tpu.memory_space<vmem>>, vector<16xf32>,
        %get3A_170 = vector.shape_cast %get3A_169 : vector<16xf32> to vector<16xf32>
        %get3A_171 = arith.index_cast %add3A_167 : i32 to index
        %get3A_172 = tpu.vector_load %arg7[%get3A_171] {strides = array<i32>} : memref<16384xi32, #tpu.memory_space<vmem>>, vector<16xi32>,
        %get3A_173 = vector.shape_cast %get3A_172 : vector<16xi32> to vector<16xi32>
        %get3A_174 = arith.index_cast %add3A_167 : i32 to index
        %get3A_175 = tpu.vector_load %arg8[%get3A_174] {strides = array<i32>} : memref<16384xi32, #tpu.memory_space<vmem>>, vector<16xi32>,
        %get3A_176 = vector.shape_cast %get3A_175 : vector<16xi32> to vector<16xi32>
        %and3A_177 = arith.andi %get3A_176, %get3A_173 : vector<16xi32>
        %convert_element_type3A_178 = arith.sitofp %get3A_176 : vector<16xi32> to vector<16xf32>
        %convert_element_type3A_179 = arith.sitofp %and3A_177 : vector<16xi32> to vector<16xf32>
        %mul3A_180 = arith.mulf %convert_element_type3A_178, %get3A_170 : vector<16xf32>
        %add3A_181 = arith.addf %add3A_141, %mul3A_180 : vector<16xf32>
        %mul3A_182 = arith.mulf %convert_element_type3A_179, %get3A_170 : vector<16xf32>
        %add3A_183 = arith.addf %add3A_143, %mul3A_182 : vector<16xf32>
        %add3A_184 = arith.addi %add3A_144, %get3A_176 : vector<16xi32>
        %add3A_185 = arith.addi %add3A_145, %and3A_177 : vector<16xi32>
        %add3A_186 = arith.constant 64 : i32
        %add3A_187 = arith.addi %mul3A_107, %add3A_186 : i32
        %get3A_188 = arith.index_cast %add3A_187 : i32 to index
        %get3A_189 = tpu.vector_load %arg6[%get3A_188] {strides = array<i32>} : memref<16384xf32, #tpu.memory_space<vmem>>, vector<16xf32>,
        %get3A_190 = vector.shape_cast %get3A_189 : vector<16xf32> to vector<16xf32>
        %get3A_191 = arith.index_cast %add3A_187 : i32 to index
        %get3A_192 = tpu.vector_load %arg7[%get3A_191] {strides = array<i32>} : memref<16384xi32, #tpu.memory_space<vmem>>, vector<16xi32>,
        %get3A_193 = vector.shape_cast %get3A_192 : vector<16xi32> to vector<16xi32>
        %get3A_194 = arith.index_cast %add3A_187 : i32 to index
        %get3A_195 = tpu.vector_load %arg8[%get3A_194] {strides = array<i32>} : memref<16384xi32, #tpu.memory_space<vmem>>, vector<16xi32>,
        %get3A_196 = vector.shape_cast %get3A_195 : vector<16xi32> to vector<16xi32>
        %and3A_197 = arith.andi %get3A_196, %get3A_193 : vector<16xi32>
        %convert_element_type3A_198 = arith.sitofp %get3A_196 : vector<16xi32> to vector<16xf32>
        %convert_element_type3A_199 = arith.sitofp %and3A_197 : vector<16xi32> to vector<16xf32>
        %mul3A_200 = arith.mulf %convert_element_type3A_198, %get3A_190 : vector<16xf32>
        %add3A_201 = arith.addf %add3A_161, %mul3A_200 : vector<16xf32>
        %mul3A_202 = arith.mulf %convert_element_type3A_199, %get3A_190 : vector<16xf32>
        %add3A_203 = arith.addf %add3A_163, %mul3A_202 : vector<16xf32>
        %add3A_204 = arith.addi %add3A_164, %get3A_196 : vector<16xi32>
        %add3A_205 = arith.addi %add3A_165, %and3A_197 : vector<16xi32>
        %add3A_206 = arith.constant 80 : i32
        %add3A_207 = arith.addi %mul3A_107, %add3A_206 : i32
        %get3A_208 = arith.index_cast %add3A_207 : i32 to index
        %get3A_209 = tpu.vector_load %arg6[%get3A_208] {strides = array<i32>} : memref<16384xf32, #tpu.memory_space<vmem>>, vector<16xf32>,
        %get3A_210 = vector.shape_cast %get3A_209 : vector<16xf32> to vector<16xf32>
        %get3A_211 = arith.index_cast %add3A_207 : i32 to index
        %get3A_212 = tpu.vector_load %arg7[%get3A_211] {strides = array<i32>} : memref<16384xi32, #tpu.memory_space<vmem>>, vector<16xi32>,
        %get3A_213 = vector.shape_cast %get3A_212 : vector<16xi32> to vector<16xi32>
        %get3A_214 = arith.index_cast %add3A_207 : i32 to index
        %get3A_215 = tpu.vector_load %arg8[%get3A_214] {strides = array<i32>} : memref<16384xi32, #tpu.memory_space<vmem>>, vector<16xi32>,
        %get3A_216 = vector.shape_cast %get3A_215 : vector<16xi32> to vector<16xi32>
        %and3A_217 = arith.andi %get3A_216, %get3A_213 : vector<16xi32>
        %convert_element_type3A_218 = arith.sitofp %get3A_216 : vector<16xi32> to vector<16xf32>
        %convert_element_type3A_219 = arith.sitofp %and3A_217 : vector<16xi32> to vector<16xf32>
        %mul3A_220 = arith.mulf %convert_element_type3A_218, %get3A_210 : vector<16xf32>
        %add3A_221 = arith.addf %add3A_181, %mul3A_220 : vector<16xf32>
        %mul3A_222 = arith.mulf %convert_element_type3A_219, %get3A_210 : vector<16xf32>
        %add3A_223 = arith.addf %add3A_183, %mul3A_222 : vector<16xf32>
        %add3A_224 = arith.addi %add3A_184, %get3A_216 : vector<16xi32>
        %add3A_225 = arith.addi %add3A_185, %and3A_217 : vector<16xi32>
        %add3A_226 = arith.constant 96 : i32
        %add3A_227 = arith.addi %mul3A_107, %add3A_226 : i32
        %get3A_228 = arith.index_cast %add3A_227 : i32 to index
        %get3A_229 = tpu.vector_load %arg6[%get3A_228] {strides = array<i32>} : memref<16384xf32, #tpu.memory_space<vmem>>, vector<16xf32>,
        %get3A_230 = vector.shape_cast %get3A_229 : vector<16xf32> to vector<16xf32>
        %get3A_231 = arith.index_cast %add3A_227 : i32 to index
        %get3A_232 = tpu.vector_load %arg7[%get3A_231] {strides = array<i32>} : memref<16384xi32, #tpu.memory_space<vmem>>, vector<16xi32>,
        %get3A_233 = vector.shape_cast %get3A_232 : vector<16xi32> to vector<16xi32>
        %get3A_234 = arith.index_cast %add3A_227 : i32 to index
        %get3A_235 = tpu.vector_load %arg8[%get3A_234] {strides = array<i32>} : memref<16384xi32, #tpu.memory_space<vmem>>, vector<16xi32>,
        %get3A_236 = vector.shape_cast %get3A_235 : vector<16xi32> to vector<16xi32>
        %and3A_237 = arith.andi %get3A_236, %get3A_233 : vector<16xi32>
        %convert_element_type3A_238 = arith.sitofp %get3A_236 : vector<16xi32> to vector<16xf32>
        %convert_element_type3A_239 = arith.sitofp %and3A_237 : vector<16xi32> to vector<16xf32>
        %mul3A_240 = arith.mulf %convert_element_type3A_238, %get3A_230 : vector<16xf32>
        %add3A_241 = arith.addf %add3A_201, %mul3A_240 : vector<16xf32>
        %mul3A_242 = arith.mulf %convert_element_type3A_239, %get3A_230 : vector<16xf32>
        %add3A_243 = arith.addf %add3A_203, %mul3A_242 : vector<16xf32>
        %add3A_244 = arith.addi %add3A_204, %get3A_236 : vector<16xi32>
        %add3A_245 = arith.addi %add3A_205, %and3A_237 : vector<16xi32>
        %add3A_246 = arith.constant 112 : i32
        %add3A_247 = arith.addi %mul3A_107, %add3A_246 : i32
        %get3A_248 = arith.index_cast %add3A_247 : i32 to index
        %get3A_249 = tpu.vector_load %arg6[%get3A_248] {strides = array<i32>} : memref<16384xf32, #tpu.memory_space<vmem>>, vector<16xf32>,
        %get3A_250 = vector.shape_cast %get3A_249 : vector<16xf32> to vector<16xf32>
        %get3A_251 = arith.index_cast %add3A_247 : i32 to index
        %get3A_252 = tpu.vector_load %arg7[%get3A_251] {strides = array<i32>} : memref<16384xi32, #tpu.memory_space<vmem>>, vector<16xi32>,
        %get3A_253 = vector.shape_cast %get3A_252 : vector<16xi32> to vector<16xi32>
        %get3A_254 = arith.index_cast %add3A_247 : i32 to index
        %get3A_255 = tpu.vector_load %arg8[%get3A_254] {strides = array<i32>} : memref<16384xi32, #tpu.memory_space<vmem>>, vector<16xi32>,
        %get3A_256 = vector.shape_cast %get3A_255 : vector<16xi32> to vector<16xi32>
        %and3A_257 = arith.andi %get3A_256, %get3A_253 : vector<16xi32>
        %convert_element_type3A_258 = arith.sitofp %get3A_256 : vector<16xi32> to vector<16xf32>
        %convert_element_type3A_259 = arith.sitofp %and3A_257 : vector<16xi32> to vector<16xf32>
        %mul3A_260 = arith.mulf %convert_element_type3A_258, %get3A_250 : vector<16xf32>
        %add3A_261 = arith.addf %add3A_221, %mul3A_260 : vector<16xf32>
        %mul3A_262 = arith.mulf %convert_element_type3A_259, %get3A_250 : vector<16xf32>
        %add3A_263 = arith.addf %add3A_223, %mul3A_262 : vector<16xf32>
        %add3A_264 = arith.addi %add3A_224, %get3A_256 : vector<16xi32>
        %add3A_265 = arith.addi %add3A_225, %and3A_257 : vector<16xi32>
        %add3A_266 = arith.constant 128 : i32
        %add3A_267 = arith.addi %mul3A_107, %add3A_266 : i32
        %get3A_268 = arith.index_cast %add3A_267 : i32 to index
        %get3A_269 = tpu.vector_load %arg6[%get3A_268] {strides = array<i32>} : memref<16384xf32, #tpu.memory_space<vmem>>, vector<16xf32>,
        %get3A_270 = vector.shape_cast %get3A_269 : vector<16xf32> to vector<16xf32>
        %get3A_271 = arith.index_cast %add3A_267 : i32 to index
        %get3A_272 = tpu.vector_load %arg7[%get3A_271] {strides = array<i32>} : memref<16384xi32, #tpu.memory_space<vmem>>, vector<16xi32>,
        %get3A_273 = vector.shape_cast %get3A_272 : vector<16xi32> to vector<16xi32>
        %get3A_274 = arith.index_cast %add3A_267 : i32 to index
        %get3A_275 = tpu.vector_load %arg8[%get3A_274] {strides = array<i32>} : memref<16384xi32, #tpu.memory_space<vmem>>, vector<16xi32>,
        %get3A_276 = vector.shape_cast %get3A_275 : vector<16xi32> to vector<16xi32>
        %and3A_277 = arith.andi %get3A_276, %get3A_273 : vector<16xi32>
        %convert_element_type3A_278 = arith.sitofp %get3A_276 : vector<16xi32> to vector<16xf32>
        %convert_element_type3A_279 = arith.sitofp %and3A_277 : vector<16xi32> to vector<16xf32>
        %mul3A_280 = arith.mulf %convert_element_type3A_278, %get3A_270 : vector<16xf32>
        %add3A_281 = arith.addf %add3A_241, %mul3A_280 : vector<16xf32>
        %mul3A_282 = arith.mulf %convert_element_type3A_279, %get3A_270 : vector<16xf32>
        %add3A_283 = arith.addf %add3A_243, %mul3A_282 : vector<16xf32>
        %add3A_284 = arith.addi %add3A_244, %get3A_276 : vector<16xi32>
        %add3A_285 = arith.addi %add3A_245, %and3A_277 : vector<16xi32>
        %add3A_286 = arith.constant 144 : i32
        %add3A_287 = arith.addi %mul3A_107, %add3A_286 : i32
        %get3A_288 = arith.index_cast %add3A_287 : i32 to index
        %get3A_289 = tpu.vector_load %arg6[%get3A_288] {strides = array<i32>} : memref<16384xf32, #tpu.memory_space<vmem>>, vector<16xf32>,
        %get3A_290 = vector.shape_cast %get3A_289 : vector<16xf32> to vector<16xf32>
        %get3A_291 = arith.index_cast %add3A_287 : i32 to index
        %get3A_292 = tpu.vector_load %arg7[%get3A_291] {strides = array<i32>} : memref<16384xi32, #tpu.memory_space<vmem>>, vector<16xi32>,
        %get3A_293 = vector.shape_cast %get3A_292 : vector<16xi32> to vector<16xi32>
        %get3A_294 = arith.index_cast %add3A_287 : i32 to index
        %get3A_295 = tpu.vector_load %arg8[%get3A_294] {strides = array<i32>} : memref<16384xi32, #tpu.memory_space<vmem>>, vector<16xi32>,
        %get3A_296 = vector.shape_cast %get3A_295 : vector<16xi32> to vector<16xi32>
        %and3A_297 = arith.andi %get3A_296, %get3A_293 : vector<16xi32>
        %convert_element_type3A_298 = arith.sitofp %get3A_296 : vector<16xi32> to vector<16xf32>
        %convert_element_type3A_299 = arith.sitofp %and3A_297 : vector<16xi32> to vector<16xf32>
        %mul3A_300 = arith.mulf %convert_element_type3A_298, %get3A_290 : vector<16xf32>
        %add3A_301 = arith.addf %add3A_261, %mul3A_300 : vector<16xf32>
        %mul3A_302 = arith.mulf %convert_element_type3A_299, %get3A_290 : vector<16xf32>
        %add3A_303 = arith.addf %add3A_263, %mul3A_302 : vector<16xf32>
        %add3A_304 = arith.addi %add3A_264, %get3A_296 : vector<16xi32>
        %add3A_305 = arith.addi %add3A_265, %and3A_297 : vector<16xi32>
        %add3A_306 = arith.constant 160 : i32
        %add3A_307 = arith.addi %mul3A_107, %add3A_306 : i32
        %get3A_308 = arith.index_cast %add3A_307 : i32 to index
        %get3A_309 = tpu.vector_load %arg6[%get3A_308] {strides = array<i32>} : memref<16384xf32, #tpu.memory_space<vmem>>, vector<16xf32>,
        %get3A_310 = vector.shape_cast %get3A_309 : vector<16xf32> to vector<16xf32>
        %get3A_311 = arith.index_cast %add3A_307 : i32 to index
        %get3A_312 = tpu.vector_load %arg7[%get3A_311] {strides = array<i32>} : memref<16384xi32, #tpu.memory_space<vmem>>, vector<16xi32>,
        %get3A_313 = vector.shape_cast %get3A_312 : vector<16xi32> to vector<16xi32>
        %get3A_314 = arith.index_cast %add3A_307 : i32 to index
        %get3A_315 = tpu.vector_load %arg8[%get3A_314] {strides = array<i32>} : memref<16384xi32, #tpu.memory_space<vmem>>, vector<16xi32>,
        %get3A_316 = vector.shape_cast %get3A_315 : vector<16xi32> to vector<16xi32>
        %and3A_317 = arith.andi %get3A_316, %get3A_313 : vector<16xi32>
        %convert_element_type3A_318 = arith.sitofp %get3A_316 : vector<16xi32> to vector<16xf32>
        %convert_element_type3A_319 = arith.sitofp %and3A_317 : vector<16xi32> to vector<16xf32>
        %mul3A_320 = arith.mulf %convert_element_type3A_318, %get3A_310 : vector<16xf32>
        %add3A_321 = arith.addf %add3A_281, %mul3A_320 : vector<16xf32>
        %mul3A_322 = arith.mulf %convert_element_type3A_319, %get3A_310 : vector<16xf32>
        %add3A_323 = arith.addf %add3A_283, %mul3A_322 : vector<16xf32>
        %add3A_324 = arith.addi %add3A_284, %get3A_316 : vector<16xi32>
        %add3A_325 = arith.addi %add3A_285, %and3A_317 : vector<16xi32>
        %add3A_326 = arith.constant 176 : i32
        %add3A_327 = arith.addi %mul3A_107, %add3A_326 : i32
        %get3A_328 = arith.index_cast %add3A_327 : i32 to index
        %get3A_329 = tpu.vector_load %arg6[%get3A_328] {strides = array<i32>} : memref<16384xf32, #tpu.memory_space<vmem>>, vector<16xf32>,
        %get3A_330 = vector.shape_cast %get3A_329 : vector<16xf32> to vector<16xf32>
        %get3A_331 = arith.index_cast %add3A_327 : i32 to index
        %get3A_332 = tpu.vector_load %arg7[%get3A_331] {strides = array<i32>} : memref<16384xi32, #tpu.memory_space<vmem>>, vector<16xi32>,
        %get3A_333 = vector.shape_cast %get3A_332 : vector<16xi32> to vector<16xi32>
        %get3A_334 = arith.index_cast %add3A_327 : i32 to index
        %get3A_335 = tpu.vector_load %arg8[%get3A_334] {strides = array<i32>} : memref<16384xi32, #tpu.memory_space<vmem>>, vector<16xi32>,
        %get3A_336 = vector.shape_cast %get3A_335 : vector<16xi32> to vector<16xi32>
        %and3A_337 = arith.andi %get3A_336, %get3A_333 : vector<16xi32>
        %convert_element_type3A_338 = arith.sitofp %get3A_336 : vector<16xi32> to vector<16xf32>
        %convert_element_type3A_339 = arith.sitofp %and3A_337 : vector<16xi32> to vector<16xf32>
        %mul3A_340 = arith.mulf %convert_element_type3A_338, %get3A_330 : vector<16xf32>
        %add3A_341 = arith.addf %add3A_301, %mul3A_340 : vector<16xf32>
        %mul3A_342 = arith.mulf %convert_element_type3A_339, %get3A_330 : vector<16xf32>
        %add3A_343 = arith.addf %add3A_303, %mul3A_342 : vector<16xf32>
        %add3A_344 = arith.addi %add3A_304, %get3A_336 : vector<16xi32>
        %add3A_345 = arith.addi %add3A_305, %and3A_337 : vector<16xi32>
        %add3A_346 = arith.constant 192 : i32
        %add3A_347 = arith.addi %mul3A_107, %add3A_346 : i32
        %get3A_348 = arith.index_cast %add3A_347 : i32 to index
        %get3A_349 = tpu.vector_load %arg6[%get3A_348] {strides = array<i32>} : memref<16384xf32, #tpu.memory_space<vmem>>, vector<16xf32>,
        %get3A_350 = vector.shape_cast %get3A_349 : vector<16xf32> to vector<16xf32>
        %get3A_351 = arith.index_cast %add3A_347 : i32 to index
        %get3A_352 = tpu.vector_load %arg7[%get3A_351] {strides = array<i32>} : memref<16384xi32, #tpu.memory_space<vmem>>, vector<16xi32>,
        %get3A_353 = vector.shape_cast %get3A_352 : vector<16xi32> to vector<16xi32>
        %get3A_354 = arith.index_cast %add3A_347 : i32 to index
        %get3A_355 = tpu.vector_load %arg8[%get3A_354] {strides = array<i32>} : memref<16384xi32, #tpu.memory_space<vmem>>, vector<16xi32>,
        %get3A_356 = vector.shape_cast %get3A_355 : vector<16xi32> to vector<16xi32>
        %and3A_357 = arith.andi %get3A_356, %get3A_353 : vector<16xi32>
        %convert_element_type3A_358 = arith.sitofp %get3A_356 : vector<16xi32> to vector<16xf32>
        %convert_element_type3A_359 = arith.sitofp %and3A_357 : vector<16xi32> to vector<16xf32>
        %mul3A_360 = arith.mulf %convert_element_type3A_358, %get3A_350 : vector<16xf32>
        %add3A_361 = arith.addf %add3A_321, %mul3A_360 : vector<16xf32>
        %mul3A_362 = arith.mulf %convert_element_type3A_359, %get3A_350 : vector<16xf32>
        %add3A_363 = arith.addf %add3A_323, %mul3A_362 : vector<16xf32>
        %add3A_364 = arith.addi %add3A_324, %get3A_356 : vector<16xi32>
        %add3A_365 = arith.addi %add3A_325, %and3A_357 : vector<16xi32>
        %add3A_366 = arith.constant 208 : i32
        %add3A_367 = arith.addi %mul3A_107, %add3A_366 : i32
        %get3A_368 = arith.index_cast %add3A_367 : i32 to index
        %get3A_369 = tpu.vector_load %arg6[%get3A_368] {strides = array<i32>} : memref<16384xf32, #tpu.memory_space<vmem>>, vector<16xf32>,
        %get3A_370 = vector.shape_cast %get3A_369 : vector<16xf32> to vector<16xf32>
        %get3A_371 = arith.index_cast %add3A_367 : i32 to index
        %get3A_372 = tpu.vector_load %arg7[%get3A_371] {strides = array<i32>} : memref<16384xi32, #tpu.memory_space<vmem>>, vector<16xi32>,
        %get3A_373 = vector.shape_cast %get3A_372 : vector<16xi32> to vector<16xi32>
        %get3A_374 = arith.index_cast %add3A_367 : i32 to index
        %get3A_375 = tpu.vector_load %arg8[%get3A_374] {strides = array<i32>} : memref<16384xi32, #tpu.memory_space<vmem>>, vector<16xi32>,
        %get3A_376 = vector.shape_cast %get3A_375 : vector<16xi32> to vector<16xi32>
        %and3A_377 = arith.andi %get3A_376, %get3A_373 : vector<16xi32>
        %convert_element_type3A_378 = arith.sitofp %get3A_376 : vector<16xi32> to vector<16xf32>
        %convert_element_type3A_379 = arith.sitofp %and3A_377 : vector<16xi32> to vector<16xf32>
        %mul3A_380 = arith.mulf %convert_element_type3A_378, %get3A_370 : vector<16xf32>
        %add3A_381 = arith.addf %add3A_341, %mul3A_380 : vector<16xf32>
        %mul3A_382 = arith.mulf %convert_element_type3A_379, %get3A_370 : vector<16xf32>
        %add3A_383 = arith.addf %add3A_343, %mul3A_382 : vector<16xf32>
        %add3A_384 = arith.addi %add3A_344, %get3A_376 : vector<16xi32>
        %add3A_385 = arith.addi %add3A_345, %and3A_377 : vector<16xi32>
        %add3A_386 = arith.constant 224 : i32
        %add3A_387 = arith.addi %mul3A_107, %add3A_386 : i32
        %get3A_388 = arith.index_cast %add3A_387 : i32 to index
        %get3A_389 = tpu.vector_load %arg6[%get3A_388] {strides = array<i32>} : memref<16384xf32, #tpu.memory_space<vmem>>, vector<16xf32>,
        %get3A_390 = vector.shape_cast %get3A_389 : vector<16xf32> to vector<16xf32>
        %get3A_391 = arith.index_cast %add3A_387 : i32 to index
        %get3A_392 = tpu.vector_load %arg7[%get3A_391] {strides = array<i32>} : memref<16384xi32, #tpu.memory_space<vmem>>, vector<16xi32>,
        %get3A_393 = vector.shape_cast %get3A_392 : vector<16xi32> to vector<16xi32>
        %get3A_394 = arith.index_cast %add3A_387 : i32 to index
        %get3A_395 = tpu.vector_load %arg8[%get3A_394] {strides = array<i32>} : memref<16384xi32, #tpu.memory_space<vmem>>, vector<16xi32>,
        %get3A_396 = vector.shape_cast %get3A_395 : vector<16xi32> to vector<16xi32>
        %and3A_397 = arith.andi %get3A_396, %get3A_393 : vector<16xi32>
        %convert_element_type3A_398 = arith.sitofp %get3A_396 : vector<16xi32> to vector<16xf32>
        %convert_element_type3A_399 = arith.sitofp %and3A_397 : vector<16xi32> to vector<16xf32>
        %mul3A_400 = arith.mulf %convert_element_type3A_398, %get3A_390 : vector<16xf32>
        %add3A_401 = arith.addf %add3A_361, %mul3A_400 : vector<16xf32>
        %mul3A_402 = arith.mulf %convert_element_type3A_399, %get3A_390 : vector<16xf32>
        %add3A_403 = arith.addf %add3A_363, %mul3A_402 : vector<16xf32>
        %add3A_404 = arith.addi %add3A_364, %get3A_396 : vector<16xi32>
        %add3A_405 = arith.addi %add3A_365, %and3A_397 : vector<16xi32>
        %add3A_406 = arith.constant 240 : i32
        %add3A_407 = arith.addi %mul3A_107, %add3A_406 : i32
        %get3A_408 = arith.index_cast %add3A_407 : i32 to index
        %get3A_409 = tpu.vector_load %arg6[%get3A_408] {strides = array<i32>} : memref<16384xf32, #tpu.memory_space<vmem>>, vector<16xf32>,
        %get3A_410 = vector.shape_cast %get3A_409 : vector<16xf32> to vector<16xf32>
        %get3A_411 = arith.index_cast %add3A_407 : i32 to index
        %get3A_412 = tpu.vector_load %arg7[%get3A_411] {strides = array<i32>} : memref<16384xi32, #tpu.memory_space<vmem>>, vector<16xi32>,
        %get3A_413 = vector.shape_cast %get3A_412 : vector<16xi32> to vector<16xi32>
        %get3A_414 = arith.index_cast %add3A_407 : i32 to index
        %get3A_415 = tpu.vector_load %arg8[%get3A_414] {strides = array<i32>} : memref<16384xi32, #tpu.memory_space<vmem>>, vector<16xi32>,
        %get3A_416 = vector.shape_cast %get3A_415 : vector<16xi32> to vector<16xi32>
        %and3A_417 = arith.andi %get3A_416, %get3A_413 : vector<16xi32>
        %convert_element_type3A_418 = arith.sitofp %get3A_416 : vector<16xi32> to vector<16xf32>
        %convert_element_type3A_419 = arith.sitofp %and3A_417 : vector<16xi32> to vector<16xf32>
        %mul3A_420 = arith.mulf %convert_element_type3A_418, %get3A_410 : vector<16xf32>
        %add3A_421 = arith.addf %add3A_381, %mul3A_420 : vector<16xf32>
        %mul3A_422 = arith.mulf %convert_element_type3A_419, %get3A_410 : vector<16xf32>
        %add3A_423 = arith.addf %add3A_383, %mul3A_422 : vector<16xf32>
        %add3A_424 = arith.addi %add3A_384, %get3A_416 : vector<16xi32>
        %add3A_425 = arith.addi %add3A_385, %and3A_417 : vector<16xi32>
        scf.yield %add3A_401, %add3A_403, %add3A_404, %add3A_405, %add3A_421, %add3A_423, %add3A_424, %add3A_425 : vector<16xf32>, vector<16xf32>, vector<16xi32>, vector<16xi32>, vector<16xf32>, vector<16xf32>, vector<16xi32>, vector<16xi32>
      }
      %scan3A_73 = arith.constant 64 : i32
      %add3A_74 = arith.constant 2 : i32
      %add3A_75 = arith.addi %mul3A_45, %add3A_74 : i32
      %lt3A = arith.constant 8 : i32
      %lt3A_76 = arith.cmpi slt, %add3A_75, %lt3A : i32
      %convert_element_type3A_77 = arith.extui %lt3A_76 : i1 to i32
      %cond3A = arith.constant 0 : i32
      %cond3A_78 = arith.cmpi ne, %convert_element_type3A_77, %cond3A : i32
      scf.if %cond3A_78 {
        %add3A_97 = arith.constant 2 : i32
        %add3A_98 = arith.addi %mul3A_45, %add3A_97 : i32
        %mul3A_99 = arith.constant 16384 : i32
        %mul3A_100 = arith.muli %add3A_98, %mul3A_99 : i32
        %add3A_101 = arith.addi %add3A_1, %mul3A_100 : i32
        %dma_start3A_102 = tpu.memref_slice %arg2[%add3A_101] : memref<4194304xf32, #tpu.memory_space<hbm>> -> memref<16384xf32, #tpu.memory_space<hbm>>
        %dma_start3A_103 = tpu.memref_slice %arg2[%add3A_101] : memref<4194304xf32, #tpu.memory_space<hbm>> -> memref<16384xf32, #tpu.memory_space<hbm>>
        tpu.enqueue_dma source(%dma_start3A_103 : memref<16384xf32, #tpu.memory_space<hbm>>) target(%arg6 : memref<16384xf32, #tpu.memory_space<vmem>>) target_semaphore(%arg13 : memref<!tpu.dma_semaphore, #tpu.memory_space<semaphore_mem>>)
        %dma_start3A_104 = tpu.memref_slice %arg3[%add3A_101] : memref<4194304xi32, #tpu.memory_space<hbm>> -> memref<16384xi32, #tpu.memory_space<hbm>>
        %dma_start3A_105 = tpu.memref_slice %arg3[%add3A_101] : memref<4194304xi32, #tpu.memory_space<hbm>> -> memref<16384xi32, #tpu.memory_space<hbm>>
        tpu.enqueue_dma source(%dma_start3A_105 : memref<16384xi32, #tpu.memory_space<hbm>>) target(%arg7 : memref<16384xi32, #tpu.memory_space<vmem>>) target_semaphore(%arg13 : memref<!tpu.dma_semaphore, #tpu.memory_space<semaphore_mem>>)
        %dma_start3A_106 = tpu.memref_slice %arg4[%add3A_101] : memref<4194304xi32, #tpu.memory_space<hbm>> -> memref<16384xi32, #tpu.memory_space<hbm>>
        %dma_start3A_107 = tpu.memref_slice %arg4[%add3A_101] : memref<4194304xi32, #tpu.memory_space<hbm>> -> memref<16384xi32, #tpu.memory_space<hbm>>
        tpu.enqueue_dma source(%dma_start3A_107 : memref<16384xi32, #tpu.memory_space<hbm>>) target(%arg8 : memref<16384xi32, #tpu.memory_space<vmem>>) target_semaphore(%arg13 : memref<!tpu.dma_semaphore, #tpu.memory_space<semaphore_mem>>)
      } else {
      }
      %dma_wait3A_79 = arith.constant 0 : i32
      %dma_wait3A_80 = tpu.memref_slice %arg2[%dma_wait3A_79] : memref<4194304xf32, #tpu.memory_space<hbm>> -> memref<16384xf32, #tpu.memory_space<hbm>>
      %dma_wait3A_81 = arith.constant 0 : i32
      %dma_wait3A_82 = tpu.memref_slice %arg2[%dma_wait3A_81] : memref<4194304xf32, #tpu.memory_space<hbm>> -> memref<16384xf32, #tpu.memory_space<hbm>>
      tpu.wait_dma2 semaphore(%arg14 : memref<!tpu.dma_semaphore, #tpu.memory_space<semaphore_mem>>) src(%dma_wait3A_82 : memref<16384xf32, #tpu.memory_space<hbm>>) dst(%arg9 : memref<16384xf32, #tpu.memory_space<vmem>>)
      %dma_wait3A_83 = arith.constant 0 : i32
      %dma_wait3A_84 = tpu.memref_slice %arg3[%dma_wait3A_83] : memref<4194304xi32, #tpu.memory_space<hbm>> -> memref<16384xi32, #tpu.memory_space<hbm>>
      %dma_wait3A_85 = arith.constant 0 : i32
      %dma_wait3A_86 = tpu.memref_slice %arg3[%dma_wait3A_85] : memref<4194304xi32, #tpu.memory_space<hbm>> -> memref<16384xi32, #tpu.memory_space<hbm>>
      tpu.wait_dma2 semaphore(%arg14 : memref<!tpu.dma_semaphore, #tpu.memory_space<semaphore_mem>>) src(%dma_wait3A_86 : memref<16384xi32, #tpu.memory_space<hbm>>) dst(%arg10 : memref<16384xi32, #tpu.memory_space<vmem>>)
      %dma_wait3A_87 = arith.constant 0 : i32
      %dma_wait3A_88 = tpu.memref_slice %arg4[%dma_wait3A_87] : memref<4194304xi32, #tpu.memory_space<hbm>> -> memref<16384xi32, #tpu.memory_space<hbm>>
      %dma_wait3A_89 = arith.constant 0 : i32
      %dma_wait3A_90 = tpu.memref_slice %arg4[%dma_wait3A_89] : memref<4194304xi32, #tpu.memory_space<hbm>> -> memref<16384xi32, #tpu.memory_space<hbm>>
      tpu.wait_dma2 semaphore(%arg14 : memref<!tpu.dma_semaphore, #tpu.memory_space<semaphore_mem>>) src(%dma_wait3A_90 : memref<16384xi32, #tpu.memory_space<hbm>>) dst(%arg11 : memref<16384xi32, #tpu.memory_space<vmem>>)
      %scan3A_91 = arith.constant 0 : i32
      %scan3A_92 = arith.constant 64 : i32
      %scan3A_93 = arith.addi %scan3A_91, %scan3A_92 : i32
      %scan3A_94 = arith.constant 1 : i32
      %scan3A_95:8 = scf.for %scan3A_97 = %scan3A_91 to %scan3A_93 step %scan3A_94 iter_args(%scan3A_98 = %scan3A_72#0, %scan3A_99 = %scan3A_72#1, %scan3A_100 = %scan3A_72#2, %scan3A_101 = %scan3A_72#3, %scan3A_102 = %scan3A_72#4, %scan3A_103 = %scan3A_72#5, %scan3A_104 = %scan3A_72#6, %scan3A_105 = %scan3A_72#7) -> (vector<16xf32>, vector<16xf32>, vector<16xi32>, vector<16xi32>, vector<16xf32>, vector<16xf32>, vector<16xi32>, vector<16xi32>)  : i32 {
        %mul3A_106 = arith.constant 256 : i32
        %mul3A_107 = arith.muli %scan3A_97, %mul3A_106 : i32
        %add3A_108 = arith.constant 0 : i32
        %add3A_109 = arith.addi %mul3A_107, %add3A_108 : i32
        %get3A = arith.index_cast %add3A_109 : i32 to index
        %get3A_110 = tpu.vector_load %arg9[%get3A] {strides = array<i32>} : memref<16384xf32, #tpu.memory_space<vmem>>, vector<16xf32>,
        %get3A_111 = vector.shape_cast %get3A_110 : vector<16xf32> to vector<16xf32>
        %get3A_112 = arith.index_cast %add3A_109 : i32 to index
        %get3A_113 = tpu.vector_load %arg10[%get3A_112] {strides = array<i32>} : memref<16384xi32, #tpu.memory_space<vmem>>, vector<16xi32>,
        %get3A_114 = vector.shape_cast %get3A_113 : vector<16xi32> to vector<16xi32>
        %get3A_115 = arith.index_cast %add3A_109 : i32 to index
        %get3A_116 = tpu.vector_load %arg11[%get3A_115] {strides = array<i32>} : memref<16384xi32, #tpu.memory_space<vmem>>, vector<16xi32>,
        %get3A_117 = vector.shape_cast %get3A_116 : vector<16xi32> to vector<16xi32>
        %and3A = arith.andi %get3A_117, %get3A_114 : vector<16xi32>
        %convert_element_type3A_118 = arith.sitofp %get3A_117 : vector<16xi32> to vector<16xf32>
        %convert_element_type3A_119 = arith.sitofp %and3A : vector<16xi32> to vector<16xf32>
        %mul3A_120 = arith.mulf %convert_element_type3A_118, %get3A_111 : vector<16xf32>
        %add3A_121 = arith.addf %scan3A_98, %mul3A_120 : vector<16xf32>
        %mul3A_122 = arith.mulf %convert_element_type3A_119, %get3A_111 : vector<16xf32>
        %add3A_123 = arith.addf %scan3A_99, %mul3A_122 : vector<16xf32>
        %add3A_124 = arith.addi %scan3A_100, %get3A_117 : vector<16xi32>
        %add3A_125 = arith.addi %scan3A_101, %and3A : vector<16xi32>
        %add3A_126 = arith.constant 16 : i32
        %add3A_127 = arith.addi %mul3A_107, %add3A_126 : i32
        %get3A_128 = arith.index_cast %add3A_127 : i32 to index
        %get3A_129 = tpu.vector_load %arg9[%get3A_128] {strides = array<i32>} : memref<16384xf32, #tpu.memory_space<vmem>>, vector<16xf32>,
        %get3A_130 = vector.shape_cast %get3A_129 : vector<16xf32> to vector<16xf32>
        %get3A_131 = arith.index_cast %add3A_127 : i32 to index
        %get3A_132 = tpu.vector_load %arg10[%get3A_131] {strides = array<i32>} : memref<16384xi32, #tpu.memory_space<vmem>>, vector<16xi32>,
        %get3A_133 = vector.shape_cast %get3A_132 : vector<16xi32> to vector<16xi32>
        %get3A_134 = arith.index_cast %add3A_127 : i32 to index
        %get3A_135 = tpu.vector_load %arg11[%get3A_134] {strides = array<i32>} : memref<16384xi32, #tpu.memory_space<vmem>>, vector<16xi32>,
        %get3A_136 = vector.shape_cast %get3A_135 : vector<16xi32> to vector<16xi32>
        %and3A_137 = arith.andi %get3A_136, %get3A_133 : vector<16xi32>
        %convert_element_type3A_138 = arith.sitofp %get3A_136 : vector<16xi32> to vector<16xf32>
        %convert_element_type3A_139 = arith.sitofp %and3A_137 : vector<16xi32> to vector<16xf32>
        %mul3A_140 = arith.mulf %convert_element_type3A_138, %get3A_130 : vector<16xf32>
        %add3A_141 = arith.addf %scan3A_102, %mul3A_140 : vector<16xf32>
        %mul3A_142 = arith.mulf %convert_element_type3A_139, %get3A_130 : vector<16xf32>
        %add3A_143 = arith.addf %scan3A_103, %mul3A_142 : vector<16xf32>
        %add3A_144 = arith.addi %scan3A_104, %get3A_136 : vector<16xi32>
        %add3A_145 = arith.addi %scan3A_105, %and3A_137 : vector<16xi32>
        %add3A_146 = arith.constant 32 : i32
        %add3A_147 = arith.addi %mul3A_107, %add3A_146 : i32
        %get3A_148 = arith.index_cast %add3A_147 : i32 to index
        %get3A_149 = tpu.vector_load %arg9[%get3A_148] {strides = array<i32>} : memref<16384xf32, #tpu.memory_space<vmem>>, vector<16xf32>,
        %get3A_150 = vector.shape_cast %get3A_149 : vector<16xf32> to vector<16xf32>
        %get3A_151 = arith.index_cast %add3A_147 : i32 to index
        %get3A_152 = tpu.vector_load %arg10[%get3A_151] {strides = array<i32>} : memref<16384xi32, #tpu.memory_space<vmem>>, vector<16xi32>,
        %get3A_153 = vector.shape_cast %get3A_152 : vector<16xi32> to vector<16xi32>
        %get3A_154 = arith.index_cast %add3A_147 : i32 to index
        %get3A_155 = tpu.vector_load %arg11[%get3A_154] {strides = array<i32>} : memref<16384xi32, #tpu.memory_space<vmem>>, vector<16xi32>,
        %get3A_156 = vector.shape_cast %get3A_155 : vector<16xi32> to vector<16xi32>
        %and3A_157 = arith.andi %get3A_156, %get3A_153 : vector<16xi32>
        %convert_element_type3A_158 = arith.sitofp %get3A_156 : vector<16xi32> to vector<16xf32>
        %convert_element_type3A_159 = arith.sitofp %and3A_157 : vector<16xi32> to vector<16xf32>
        %mul3A_160 = arith.mulf %convert_element_type3A_158, %get3A_150 : vector<16xf32>
        %add3A_161 = arith.addf %add3A_121, %mul3A_160 : vector<16xf32>
        %mul3A_162 = arith.mulf %convert_element_type3A_159, %get3A_150 : vector<16xf32>
        %add3A_163 = arith.addf %add3A_123, %mul3A_162 : vector<16xf32>
        %add3A_164 = arith.addi %add3A_124, %get3A_156 : vector<16xi32>
        %add3A_165 = arith.addi %add3A_125, %and3A_157 : vector<16xi32>
        %add3A_166 = arith.constant 48 : i32
        %add3A_167 = arith.addi %mul3A_107, %add3A_166 : i32
        %get3A_168 = arith.index_cast %add3A_167 : i32 to index
        %get3A_169 = tpu.vector_load %arg9[%get3A_168] {strides = array<i32>} : memref<16384xf32, #tpu.memory_space<vmem>>, vector<16xf32>,
        %get3A_170 = vector.shape_cast %get3A_169 : vector<16xf32> to vector<16xf32>
        %get3A_171 = arith.index_cast %add3A_167 : i32 to index
        %get3A_172 = tpu.vector_load %arg10[%get3A_171] {strides = array<i32>} : memref<16384xi32, #tpu.memory_space<vmem>>, vector<16xi32>,
        %get3A_173 = vector.shape_cast %get3A_172 : vector<16xi32> to vector<16xi32>
        %get3A_174 = arith.index_cast %add3A_167 : i32 to index
        %get3A_175 = tpu.vector_load %arg11[%get3A_174] {strides = array<i32>} : memref<16384xi32, #tpu.memory_space<vmem>>, vector<16xi32>,
        %get3A_176 = vector.shape_cast %get3A_175 : vector<16xi32> to vector<16xi32>
        %and3A_177 = arith.andi %get3A_176, %get3A_173 : vector<16xi32>
        %convert_element_type3A_178 = arith.sitofp %get3A_176 : vector<16xi32> to vector<16xf32>
        %convert_element_type3A_179 = arith.sitofp %and3A_177 : vector<16xi32> to vector<16xf32>
        %mul3A_180 = arith.mulf %convert_element_type3A_178, %get3A_170 : vector<16xf32>
        %add3A_181 = arith.addf %add3A_141, %mul3A_180 : vector<16xf32>
        %mul3A_182 = arith.mulf %convert_element_type3A_179, %get3A_170 : vector<16xf32>
        %add3A_183 = arith.addf %add3A_143, %mul3A_182 : vector<16xf32>
        %add3A_184 = arith.addi %add3A_144, %get3A_176 : vector<16xi32>
        %add3A_185 = arith.addi %add3A_145, %and3A_177 : vector<16xi32>
        %add3A_186 = arith.constant 64 : i32
        %add3A_187 = arith.addi %mul3A_107, %add3A_186 : i32
        %get3A_188 = arith.index_cast %add3A_187 : i32 to index
        %get3A_189 = tpu.vector_load %arg9[%get3A_188] {strides = array<i32>} : memref<16384xf32, #tpu.memory_space<vmem>>, vector<16xf32>,
        %get3A_190 = vector.shape_cast %get3A_189 : vector<16xf32> to vector<16xf32>
        %get3A_191 = arith.index_cast %add3A_187 : i32 to index
        %get3A_192 = tpu.vector_load %arg10[%get3A_191] {strides = array<i32>} : memref<16384xi32, #tpu.memory_space<vmem>>, vector<16xi32>,
        %get3A_193 = vector.shape_cast %get3A_192 : vector<16xi32> to vector<16xi32>
        %get3A_194 = arith.index_cast %add3A_187 : i32 to index
        %get3A_195 = tpu.vector_load %arg11[%get3A_194] {strides = array<i32>} : memref<16384xi32, #tpu.memory_space<vmem>>, vector<16xi32>,
        %get3A_196 = vector.shape_cast %get3A_195 : vector<16xi32> to vector<16xi32>
        %and3A_197 = arith.andi %get3A_196, %get3A_193 : vector<16xi32>
        %convert_element_type3A_198 = arith.sitofp %get3A_196 : vector<16xi32> to vector<16xf32>
        %convert_element_type3A_199 = arith.sitofp %and3A_197 : vector<16xi32> to vector<16xf32>
        %mul3A_200 = arith.mulf %convert_element_type3A_198, %get3A_190 : vector<16xf32>
        %add3A_201 = arith.addf %add3A_161, %mul3A_200 : vector<16xf32>
        %mul3A_202 = arith.mulf %convert_element_type3A_199, %get3A_190 : vector<16xf32>
        %add3A_203 = arith.addf %add3A_163, %mul3A_202 : vector<16xf32>
        %add3A_204 = arith.addi %add3A_164, %get3A_196 : vector<16xi32>
        %add3A_205 = arith.addi %add3A_165, %and3A_197 : vector<16xi32>
        %add3A_206 = arith.constant 80 : i32
        %add3A_207 = arith.addi %mul3A_107, %add3A_206 : i32
        %get3A_208 = arith.index_cast %add3A_207 : i32 to index
        %get3A_209 = tpu.vector_load %arg9[%get3A_208] {strides = array<i32>} : memref<16384xf32, #tpu.memory_space<vmem>>, vector<16xf32>,
        %get3A_210 = vector.shape_cast %get3A_209 : vector<16xf32> to vector<16xf32>
        %get3A_211 = arith.index_cast %add3A_207 : i32 to index
        %get3A_212 = tpu.vector_load %arg10[%get3A_211] {strides = array<i32>} : memref<16384xi32, #tpu.memory_space<vmem>>, vector<16xi32>,
        %get3A_213 = vector.shape_cast %get3A_212 : vector<16xi32> to vector<16xi32>
        %get3A_214 = arith.index_cast %add3A_207 : i32 to index
        %get3A_215 = tpu.vector_load %arg11[%get3A_214] {strides = array<i32>} : memref<16384xi32, #tpu.memory_space<vmem>>, vector<16xi32>,
        %get3A_216 = vector.shape_cast %get3A_215 : vector<16xi32> to vector<16xi32>
        %and3A_217 = arith.andi %get3A_216, %get3A_213 : vector<16xi32>
        %convert_element_type3A_218 = arith.sitofp %get3A_216 : vector<16xi32> to vector<16xf32>
        %convert_element_type3A_219 = arith.sitofp %and3A_217 : vector<16xi32> to vector<16xf32>
        %mul3A_220 = arith.mulf %convert_element_type3A_218, %get3A_210 : vector<16xf32>
        %add3A_221 = arith.addf %add3A_181, %mul3A_220 : vector<16xf32>
        %mul3A_222 = arith.mulf %convert_element_type3A_219, %get3A_210 : vector<16xf32>
        %add3A_223 = arith.addf %add3A_183, %mul3A_222 : vector<16xf32>
        %add3A_224 = arith.addi %add3A_184, %get3A_216 : vector<16xi32>
        %add3A_225 = arith.addi %add3A_185, %and3A_217 : vector<16xi32>
        %add3A_226 = arith.constant 96 : i32
        %add3A_227 = arith.addi %mul3A_107, %add3A_226 : i32
        %get3A_228 = arith.index_cast %add3A_227 : i32 to index
        %get3A_229 = tpu.vector_load %arg9[%get3A_228] {strides = array<i32>} : memref<16384xf32, #tpu.memory_space<vmem>>, vector<16xf32>,
        %get3A_230 = vector.shape_cast %get3A_229 : vector<16xf32> to vector<16xf32>
        %get3A_231 = arith.index_cast %add3A_227 : i32 to index
        %get3A_232 = tpu.vector_load %arg10[%get3A_231] {strides = array<i32>} : memref<16384xi32, #tpu.memory_space<vmem>>, vector<16xi32>,
        %get3A_233 = vector.shape_cast %get3A_232 : vector<16xi32> to vector<16xi32>
        %get3A_234 = arith.index_cast %add3A_227 : i32 to index
        %get3A_235 = tpu.vector_load %arg11[%get3A_234] {strides = array<i32>} : memref<16384xi32, #tpu.memory_space<vmem>>, vector<16xi32>,
        %get3A_236 = vector.shape_cast %get3A_235 : vector<16xi32> to vector<16xi32>
        %and3A_237 = arith.andi %get3A_236, %get3A_233 : vector<16xi32>
        %convert_element_type3A_238 = arith.sitofp %get3A_236 : vector<16xi32> to vector<16xf32>
        %convert_element_type3A_239 = arith.sitofp %and3A_237 : vector<16xi32> to vector<16xf32>
        %mul3A_240 = arith.mulf %convert_element_type3A_238, %get3A_230 : vector<16xf32>
        %add3A_241 = arith.addf %add3A_201, %mul3A_240 : vector<16xf32>
        %mul3A_242 = arith.mulf %convert_element_type3A_239, %get3A_230 : vector<16xf32>
        %add3A_243 = arith.addf %add3A_203, %mul3A_242 : vector<16xf32>
        %add3A_244 = arith.addi %add3A_204, %get3A_236 : vector<16xi32>
        %add3A_245 = arith.addi %add3A_205, %and3A_237 : vector<16xi32>
        %add3A_246 = arith.constant 112 : i32
        %add3A_247 = arith.addi %mul3A_107, %add3A_246 : i32
        %get3A_248 = arith.index_cast %add3A_247 : i32 to index
        %get3A_249 = tpu.vector_load %arg9[%get3A_248] {strides = array<i32>} : memref<16384xf32, #tpu.memory_space<vmem>>, vector<16xf32>,
        %get3A_250 = vector.shape_cast %get3A_249 : vector<16xf32> to vector<16xf32>
        %get3A_251 = arith.index_cast %add3A_247 : i32 to index
        %get3A_252 = tpu.vector_load %arg10[%get3A_251] {strides = array<i32>} : memref<16384xi32, #tpu.memory_space<vmem>>, vector<16xi32>,
        %get3A_253 = vector.shape_cast %get3A_252 : vector<16xi32> to vector<16xi32>
        %get3A_254 = arith.index_cast %add3A_247 : i32 to index
        %get3A_255 = tpu.vector_load %arg11[%get3A_254] {strides = array<i32>} : memref<16384xi32, #tpu.memory_space<vmem>>, vector<16xi32>,
        %get3A_256 = vector.shape_cast %get3A_255 : vector<16xi32> to vector<16xi32>
        %and3A_257 = arith.andi %get3A_256, %get3A_253 : vector<16xi32>
        %convert_element_type3A_258 = arith.sitofp %get3A_256 : vector<16xi32> to vector<16xf32>
        %convert_element_type3A_259 = arith.sitofp %and3A_257 : vector<16xi32> to vector<16xf32>
        %mul3A_260 = arith.mulf %convert_element_type3A_258, %get3A_250 : vector<16xf32>
        %add3A_261 = arith.addf %add3A_221, %mul3A_260 : vector<16xf32>
        %mul3A_262 = arith.mulf %convert_element_type3A_259, %get3A_250 : vector<16xf32>
        %add3A_263 = arith.addf %add3A_223, %mul3A_262 : vector<16xf32>
        %add3A_264 = arith.addi %add3A_224, %get3A_256 : vector<16xi32>
        %add3A_265 = arith.addi %add3A_225, %and3A_257 : vector<16xi32>
        %add3A_266 = arith.constant 128 : i32
        %add3A_267 = arith.addi %mul3A_107, %add3A_266 : i32
        %get3A_268 = arith.index_cast %add3A_267 : i32 to index
        %get3A_269 = tpu.vector_load %arg9[%get3A_268] {strides = array<i32>} : memref<16384xf32, #tpu.memory_space<vmem>>, vector<16xf32>,
        %get3A_270 = vector.shape_cast %get3A_269 : vector<16xf32> to vector<16xf32>
        %get3A_271 = arith.index_cast %add3A_267 : i32 to index
        %get3A_272 = tpu.vector_load %arg10[%get3A_271] {strides = array<i32>} : memref<16384xi32, #tpu.memory_space<vmem>>, vector<16xi32>,
        %get3A_273 = vector.shape_cast %get3A_272 : vector<16xi32> to vector<16xi32>
        %get3A_274 = arith.index_cast %add3A_267 : i32 to index
        %get3A_275 = tpu.vector_load %arg11[%get3A_274] {strides = array<i32>} : memref<16384xi32, #tpu.memory_space<vmem>>, vector<16xi32>,
        %get3A_276 = vector.shape_cast %get3A_275 : vector<16xi32> to vector<16xi32>
        %and3A_277 = arith.andi %get3A_276, %get3A_273 : vector<16xi32>
        %convert_element_type3A_278 = arith.sitofp %get3A_276 : vector<16xi32> to vector<16xf32>
        %convert_element_type3A_279 = arith.sitofp %and3A_277 : vector<16xi32> to vector<16xf32>
        %mul3A_280 = arith.mulf %convert_element_type3A_278, %get3A_270 : vector<16xf32>
        %add3A_281 = arith.addf %add3A_241, %mul3A_280 : vector<16xf32>
        %mul3A_282 = arith.mulf %convert_element_type3A_279, %get3A_270 : vector<16xf32>
        %add3A_283 = arith.addf %add3A_243, %mul3A_282 : vector<16xf32>
        %add3A_284 = arith.addi %add3A_244, %get3A_276 : vector<16xi32>
        %add3A_285 = arith.addi %add3A_245, %and3A_277 : vector<16xi32>
        %add3A_286 = arith.constant 144 : i32
        %add3A_287 = arith.addi %mul3A_107, %add3A_286 : i32
        %get3A_288 = arith.index_cast %add3A_287 : i32 to index
        %get3A_289 = tpu.vector_load %arg9[%get3A_288] {strides = array<i32>} : memref<16384xf32, #tpu.memory_space<vmem>>, vector<16xf32>,
        %get3A_290 = vector.shape_cast %get3A_289 : vector<16xf32> to vector<16xf32>
        %get3A_291 = arith.index_cast %add3A_287 : i32 to index
        %get3A_292 = tpu.vector_load %arg10[%get3A_291] {strides = array<i32>} : memref<16384xi32, #tpu.memory_space<vmem>>, vector<16xi32>,
        %get3A_293 = vector.shape_cast %get3A_292 : vector<16xi32> to vector<16xi32>
        %get3A_294 = arith.index_cast %add3A_287 : i32 to index
        %get3A_295 = tpu.vector_load %arg11[%get3A_294] {strides = array<i32>} : memref<16384xi32, #tpu.memory_space<vmem>>, vector<16xi32>,
        %get3A_296 = vector.shape_cast %get3A_295 : vector<16xi32> to vector<16xi32>
        %and3A_297 = arith.andi %get3A_296, %get3A_293 : vector<16xi32>
        %convert_element_type3A_298 = arith.sitofp %get3A_296 : vector<16xi32> to vector<16xf32>
        %convert_element_type3A_299 = arith.sitofp %and3A_297 : vector<16xi32> to vector<16xf32>
        %mul3A_300 = arith.mulf %convert_element_type3A_298, %get3A_290 : vector<16xf32>
        %add3A_301 = arith.addf %add3A_261, %mul3A_300 : vector<16xf32>
        %mul3A_302 = arith.mulf %convert_element_type3A_299, %get3A_290 : vector<16xf32>
        %add3A_303 = arith.addf %add3A_263, %mul3A_302 : vector<16xf32>
        %add3A_304 = arith.addi %add3A_264, %get3A_296 : vector<16xi32>
        %add3A_305 = arith.addi %add3A_265, %and3A_297 : vector<16xi32>
        %add3A_306 = arith.constant 160 : i32
        %add3A_307 = arith.addi %mul3A_107, %add3A_306 : i32
        %get3A_308 = arith.index_cast %add3A_307 : i32 to index
        %get3A_309 = tpu.vector_load %arg9[%get3A_308] {strides = array<i32>} : memref<16384xf32, #tpu.memory_space<vmem>>, vector<16xf32>,
        %get3A_310 = vector.shape_cast %get3A_309 : vector<16xf32> to vector<16xf32>
        %get3A_311 = arith.index_cast %add3A_307 : i32 to index
        %get3A_312 = tpu.vector_load %arg10[%get3A_311] {strides = array<i32>} : memref<16384xi32, #tpu.memory_space<vmem>>, vector<16xi32>,
        %get3A_313 = vector.shape_cast %get3A_312 : vector<16xi32> to vector<16xi32>
        %get3A_314 = arith.index_cast %add3A_307 : i32 to index
        %get3A_315 = tpu.vector_load %arg11[%get3A_314] {strides = array<i32>} : memref<16384xi32, #tpu.memory_space<vmem>>, vector<16xi32>,
        %get3A_316 = vector.shape_cast %get3A_315 : vector<16xi32> to vector<16xi32>
        %and3A_317 = arith.andi %get3A_316, %get3A_313 : vector<16xi32>
        %convert_element_type3A_318 = arith.sitofp %get3A_316 : vector<16xi32> to vector<16xf32>
        %convert_element_type3A_319 = arith.sitofp %and3A_317 : vector<16xi32> to vector<16xf32>
        %mul3A_320 = arith.mulf %convert_element_type3A_318, %get3A_310 : vector<16xf32>
        %add3A_321 = arith.addf %add3A_281, %mul3A_320 : vector<16xf32>
        %mul3A_322 = arith.mulf %convert_element_type3A_319, %get3A_310 : vector<16xf32>
        %add3A_323 = arith.addf %add3A_283, %mul3A_322 : vector<16xf32>
        %add3A_324 = arith.addi %add3A_284, %get3A_316 : vector<16xi32>
        %add3A_325 = arith.addi %add3A_285, %and3A_317 : vector<16xi32>
        %add3A_326 = arith.constant 176 : i32
        %add3A_327 = arith.addi %mul3A_107, %add3A_326 : i32
        %get3A_328 = arith.index_cast %add3A_327 : i32 to index
        %get3A_329 = tpu.vector_load %arg9[%get3A_328] {strides = array<i32>} : memref<16384xf32, #tpu.memory_space<vmem>>, vector<16xf32>,
        %get3A_330 = vector.shape_cast %get3A_329 : vector<16xf32> to vector<16xf32>
        %get3A_331 = arith.index_cast %add3A_327 : i32 to index
        %get3A_332 = tpu.vector_load %arg10[%get3A_331] {strides = array<i32>} : memref<16384xi32, #tpu.memory_space<vmem>>, vector<16xi32>,
        %get3A_333 = vector.shape_cast %get3A_332 : vector<16xi32> to vector<16xi32>
        %get3A_334 = arith.index_cast %add3A_327 : i32 to index
        %get3A_335 = tpu.vector_load %arg11[%get3A_334] {strides = array<i32>} : memref<16384xi32, #tpu.memory_space<vmem>>, vector<16xi32>,
        %get3A_336 = vector.shape_cast %get3A_335 : vector<16xi32> to vector<16xi32>
        %and3A_337 = arith.andi %get3A_336, %get3A_333 : vector<16xi32>
        %convert_element_type3A_338 = arith.sitofp %get3A_336 : vector<16xi32> to vector<16xf32>
        %convert_element_type3A_339 = arith.sitofp %and3A_337 : vector<16xi32> to vector<16xf32>
        %mul3A_340 = arith.mulf %convert_element_type3A_338, %get3A_330 : vector<16xf32>
        %add3A_341 = arith.addf %add3A_301, %mul3A_340 : vector<16xf32>
        %mul3A_342 = arith.mulf %convert_element_type3A_339, %get3A_330 : vector<16xf32>
        %add3A_343 = arith.addf %add3A_303, %mul3A_342 : vector<16xf32>
        %add3A_344 = arith.addi %add3A_304, %get3A_336 : vector<16xi32>
        %add3A_345 = arith.addi %add3A_305, %and3A_337 : vector<16xi32>
        %add3A_346 = arith.constant 192 : i32
        %add3A_347 = arith.addi %mul3A_107, %add3A_346 : i32
        %get3A_348 = arith.index_cast %add3A_347 : i32 to index
        %get3A_349 = tpu.vector_load %arg9[%get3A_348] {strides = array<i32>} : memref<16384xf32, #tpu.memory_space<vmem>>, vector<16xf32>,
        %get3A_350 = vector.shape_cast %get3A_349 : vector<16xf32> to vector<16xf32>
        %get3A_351 = arith.index_cast %add3A_347 : i32 to index
        %get3A_352 = tpu.vector_load %arg10[%get3A_351] {strides = array<i32>} : memref<16384xi32, #tpu.memory_space<vmem>>, vector<16xi32>,
        %get3A_353 = vector.shape_cast %get3A_352 : vector<16xi32> to vector<16xi32>
        %get3A_354 = arith.index_cast %add3A_347 : i32 to index
        %get3A_355 = tpu.vector_load %arg11[%get3A_354] {strides = array<i32>} : memref<16384xi32, #tpu.memory_space<vmem>>, vector<16xi32>,
        %get3A_356 = vector.shape_cast %get3A_355 : vector<16xi32> to vector<16xi32>
        %and3A_357 = arith.andi %get3A_356, %get3A_353 : vector<16xi32>
        %convert_element_type3A_358 = arith.sitofp %get3A_356 : vector<16xi32> to vector<16xf32>
        %convert_element_type3A_359 = arith.sitofp %and3A_357 : vector<16xi32> to vector<16xf32>
        %mul3A_360 = arith.mulf %convert_element_type3A_358, %get3A_350 : vector<16xf32>
        %add3A_361 = arith.addf %add3A_321, %mul3A_360 : vector<16xf32>
        %mul3A_362 = arith.mulf %convert_element_type3A_359, %get3A_350 : vector<16xf32>
        %add3A_363 = arith.addf %add3A_323, %mul3A_362 : vector<16xf32>
        %add3A_364 = arith.addi %add3A_324, %get3A_356 : vector<16xi32>
        %add3A_365 = arith.addi %add3A_325, %and3A_357 : vector<16xi32>
        %add3A_366 = arith.constant 208 : i32
        %add3A_367 = arith.addi %mul3A_107, %add3A_366 : i32
        %get3A_368 = arith.index_cast %add3A_367 : i32 to index
        %get3A_369 = tpu.vector_load %arg9[%get3A_368] {strides = array<i32>} : memref<16384xf32, #tpu.memory_space<vmem>>, vector<16xf32>,
        %get3A_370 = vector.shape_cast %get3A_369 : vector<16xf32> to vector<16xf32>
        %get3A_371 = arith.index_cast %add3A_367 : i32 to index
        %get3A_372 = tpu.vector_load %arg10[%get3A_371] {strides = array<i32>} : memref<16384xi32, #tpu.memory_space<vmem>>, vector<16xi32>,
        %get3A_373 = vector.shape_cast %get3A_372 : vector<16xi32> to vector<16xi32>
        %get3A_374 = arith.index_cast %add3A_367 : i32 to index
        %get3A_375 = tpu.vector_load %arg11[%get3A_374] {strides = array<i32>} : memref<16384xi32, #tpu.memory_space<vmem>>, vector<16xi32>,
        %get3A_376 = vector.shape_cast %get3A_375 : vector<16xi32> to vector<16xi32>
        %and3A_377 = arith.andi %get3A_376, %get3A_373 : vector<16xi32>
        %convert_element_type3A_378 = arith.sitofp %get3A_376 : vector<16xi32> to vector<16xf32>
        %convert_element_type3A_379 = arith.sitofp %and3A_377 : vector<16xi32> to vector<16xf32>
        %mul3A_380 = arith.mulf %convert_element_type3A_378, %get3A_370 : vector<16xf32>
        %add3A_381 = arith.addf %add3A_341, %mul3A_380 : vector<16xf32>
        %mul3A_382 = arith.mulf %convert_element_type3A_379, %get3A_370 : vector<16xf32>
        %add3A_383 = arith.addf %add3A_343, %mul3A_382 : vector<16xf32>
        %add3A_384 = arith.addi %add3A_344, %get3A_376 : vector<16xi32>
        %add3A_385 = arith.addi %add3A_345, %and3A_377 : vector<16xi32>
        %add3A_386 = arith.constant 224 : i32
        %add3A_387 = arith.addi %mul3A_107, %add3A_386 : i32
        %get3A_388 = arith.index_cast %add3A_387 : i32 to index
        %get3A_389 = tpu.vector_load %arg9[%get3A_388] {strides = array<i32>} : memref<16384xf32, #tpu.memory_space<vmem>>, vector<16xf32>,
        %get3A_390 = vector.shape_cast %get3A_389 : vector<16xf32> to vector<16xf32>
        %get3A_391 = arith.index_cast %add3A_387 : i32 to index
        %get3A_392 = tpu.vector_load %arg10[%get3A_391] {strides = array<i32>} : memref<16384xi32, #tpu.memory_space<vmem>>, vector<16xi32>,
        %get3A_393 = vector.shape_cast %get3A_392 : vector<16xi32> to vector<16xi32>
        %get3A_394 = arith.index_cast %add3A_387 : i32 to index
        %get3A_395 = tpu.vector_load %arg11[%get3A_394] {strides = array<i32>} : memref<16384xi32, #tpu.memory_space<vmem>>, vector<16xi32>,
        %get3A_396 = vector.shape_cast %get3A_395 : vector<16xi32> to vector<16xi32>
        %and3A_397 = arith.andi %get3A_396, %get3A_393 : vector<16xi32>
        %convert_element_type3A_398 = arith.sitofp %get3A_396 : vector<16xi32> to vector<16xf32>
        %convert_element_type3A_399 = arith.sitofp %and3A_397 : vector<16xi32> to vector<16xf32>
        %mul3A_400 = arith.mulf %convert_element_type3A_398, %get3A_390 : vector<16xf32>
        %add3A_401 = arith.addf %add3A_361, %mul3A_400 : vector<16xf32>
        %mul3A_402 = arith.mulf %convert_element_type3A_399, %get3A_390 : vector<16xf32>
        %add3A_403 = arith.addf %add3A_363, %mul3A_402 : vector<16xf32>
        %add3A_404 = arith.addi %add3A_364, %get3A_396 : vector<16xi32>
        %add3A_405 = arith.addi %add3A_365, %and3A_397 : vector<16xi32>
        %add3A_406 = arith.constant 240 : i32
        %add3A_407 = arith.addi %mul3A_107, %add3A_406 : i32
        %get3A_408 = arith.index_cast %add3A_407 : i32 to index
        %get3A_409 = tpu.vector_load %arg9[%get3A_408] {strides = array<i32>} : memref<16384xf32, #tpu.memory_space<vmem>>, vector<16xf32>,
        %get3A_410 = vector.shape_cast %get3A_409 : vector<16xf32> to vector<16xf32>
        %get3A_411 = arith.index_cast %add3A_407 : i32 to index
        %get3A_412 = tpu.vector_load %arg10[%get3A_411] {strides = array<i32>} : memref<16384xi32, #tpu.memory_space<vmem>>, vector<16xi32>,
        %get3A_413 = vector.shape_cast %get3A_412 : vector<16xi32> to vector<16xi32>
        %get3A_414 = arith.index_cast %add3A_407 : i32 to index
        %get3A_415 = tpu.vector_load %arg11[%get3A_414] {strides = array<i32>} : memref<16384xi32, #tpu.memory_space<vmem>>, vector<16xi32>,
        %get3A_416 = vector.shape_cast %get3A_415 : vector<16xi32> to vector<16xi32>
        %and3A_417 = arith.andi %get3A_416, %get3A_413 : vector<16xi32>
        %convert_element_type3A_418 = arith.sitofp %get3A_416 : vector<16xi32> to vector<16xf32>
        %convert_element_type3A_419 = arith.sitofp %and3A_417 : vector<16xi32> to vector<16xf32>
        %mul3A_420 = arith.mulf %convert_element_type3A_418, %get3A_410 : vector<16xf32>
        %add3A_421 = arith.addf %add3A_381, %mul3A_420 : vector<16xf32>
        %mul3A_422 = arith.mulf %convert_element_type3A_419, %get3A_410 : vector<16xf32>
        %add3A_423 = arith.addf %add3A_383, %mul3A_422 : vector<16xf32>
        %add3A_424 = arith.addi %add3A_384, %get3A_416 : vector<16xi32>
        %add3A_425 = arith.addi %add3A_385, %and3A_417 : vector<16xi32>
        scf.yield %add3A_401, %add3A_403, %add3A_404, %add3A_405, %add3A_421, %add3A_423, %add3A_424, %add3A_425 : vector<16xf32>, vector<16xf32>, vector<16xi32>, vector<16xi32>, vector<16xf32>, vector<16xf32>, vector<16xi32>, vector<16xi32>
      }
      %scan3A_96 = arith.constant 64 : i32
      scf.yield %scan3A_95#0, %scan3A_95#1, %scan3A_95#2, %scan3A_95#3, %scan3A_95#4, %scan3A_95#5, %scan3A_95#6, %scan3A_95#7 : vector<16xf32>, vector<16xf32>, vector<16xi32>, vector<16xi32>, vector<16xf32>, vector<16xf32>, vector<16xi32>, vector<16xi32>
    }
    %scan3A_14 = arith.constant 4 : i32
    %add3A_15 = arith.addf %scan3A_13#0, %scan3A_13#4 : vector<16xf32>
    %add3A_16 = arith.addf %scan3A_13#1, %scan3A_13#5 : vector<16xf32>
    %add3A_17 = arith.addi %scan3A_13#2, %scan3A_13#6 : vector<16xi32>
    %convert_element_type3A = arith.sitofp %add3A_17 : vector<16xi32> to vector<16xf32>
    %add3A_18 = arith.addi %scan3A_13#3, %scan3A_13#7 : vector<16xi32>
    %convert_element_type3A_19 = arith.sitofp %add3A_18 : vector<16xi32> to vector<16xf32>
    %swap3A = arith.constant 0 : index
    %swap3A_20 = tpu.vector_load %arg12[%swap3A] {strides = array<i32>} : memref<64xf32, #tpu.memory_space<vmem>>, vector<16xf32>,
    %swap3A_21 = vector.shape_cast %swap3A_20 : vector<16xf32> to vector<16xf32>
    %swap3A_22 = vector.shape_cast %add3A_15 : vector<16xf32> to vector<16xf32>
    tpu.vector_store %arg12[%swap3A], %swap3A_22 {strides = array<i32>} : memref<64xf32, #tpu.memory_space<vmem>>, vector<16xf32>,
    %swap3A_23 = arith.constant 16 : index
    %swap3A_24 = tpu.vector_load %arg12[%swap3A_23] {strides = array<i32>} : memref<64xf32, #tpu.memory_space<vmem>>, vector<16xf32>,
    %swap3A_25 = vector.shape_cast %swap3A_24 : vector<16xf32> to vector<16xf32>
    %swap3A_26 = vector.shape_cast %add3A_16 : vector<16xf32> to vector<16xf32>
    tpu.vector_store %arg12[%swap3A_23], %swap3A_26 {strides = array<i32>} : memref<64xf32, #tpu.memory_space<vmem>>, vector<16xf32>,
    %swap3A_27 = arith.constant 32 : index
    %swap3A_28 = tpu.vector_load %arg12[%swap3A_27] {strides = array<i32>} : memref<64xf32, #tpu.memory_space<vmem>>, vector<16xf32>,
    %swap3A_29 = vector.shape_cast %swap3A_28 : vector<16xf32> to vector<16xf32>
    %swap3A_30 = vector.shape_cast %convert_element_type3A : vector<16xf32> to vector<16xf32>
    tpu.vector_store %arg12[%swap3A_27], %swap3A_30 {strides = array<i32>} : memref<64xf32, #tpu.memory_space<vmem>>, vector<16xf32>,
    %swap3A_31 = arith.constant 48 : index
    %swap3A_32 = tpu.vector_load %arg12[%swap3A_31] {strides = array<i32>} : memref<64xf32, #tpu.memory_space<vmem>>, vector<16xf32>,
    %swap3A_33 = vector.shape_cast %swap3A_32 : vector<16xf32> to vector<16xf32>
    %swap3A_34 = vector.shape_cast %convert_element_type3A_19 : vector<16xf32> to vector<16xf32>
    tpu.vector_store %arg12[%swap3A_31], %swap3A_34 {strides = array<i32>} : memref<64xf32, #tpu.memory_space<vmem>>, vector<16xf32>,
    "tpu.region"() ({
      %run_scoped3A = tpu.sem_alloc : memref<!tpu.dma_semaphore, #tpu.memory_space<semaphore_mem>>
      %dma_start3A_35 = arith.constant 0 : i32
      %dma_start3A_36 = tpu.memref_slice %arg5[%arg1, %dma_start3A_35] : memref<16x64xf32, #tpu.memory_space<hbm>> -> memref<1x64xf32, #tpu.memory_space<hbm>>
      %dma_start3A_37 = tpu.memref_squeeze %dma_start3A_36 : memref<1x64xf32, #tpu.memory_space<hbm>> -> memref<64xf32, #tpu.memory_space<hbm>>
      %dma_start3A_38 = arith.constant 0 : i32
      %dma_start3A_39 = tpu.memref_slice %arg5[%arg1, %dma_start3A_38] : memref<16x64xf32, #tpu.memory_space<hbm>> -> memref<1x64xf32, #tpu.memory_space<hbm>>
      %dma_start3A_40 = tpu.memref_squeeze %dma_start3A_39 : memref<1x64xf32, #tpu.memory_space<hbm>> -> memref<64xf32, #tpu.memory_space<hbm>>
      tpu.enqueue_dma source(%arg12 : memref<64xf32, #tpu.memory_space<vmem>>) target(%dma_start3A_40 : memref<64xf32, #tpu.memory_space<hbm>>) target_semaphore(%run_scoped3A : memref<!tpu.dma_semaphore, #tpu.memory_space<semaphore_mem>>)
      %dma_wait3A = arith.constant 0 : i32
      %dma_wait3A_41 = tpu.memref_slice %arg5[%arg1, %dma_wait3A] : memref<16x64xf32, #tpu.memory_space<hbm>> -> memref<1x64xf32, #tpu.memory_space<hbm>>
      %dma_wait3A_42 = tpu.memref_squeeze %dma_wait3A_41 : memref<1x64xf32, #tpu.memory_space<hbm>> -> memref<64xf32, #tpu.memory_space<hbm>>
      %dma_wait3A_43 = arith.constant 0 : i32
      %dma_wait3A_44 = tpu.memref_slice %arg5[%arg1, %dma_wait3A_43] : memref<16x64xf32, #tpu.memory_space<hbm>> -> memref<1x64xf32, #tpu.memory_space<hbm>>
      %dma_wait3A_45 = tpu.memref_squeeze %dma_wait3A_44 : memref<1x64xf32, #tpu.memory_space<hbm>> -> memref<64xf32, #tpu.memory_space<hbm>>
      tpu.wait_dma2 semaphore(%run_scoped3A : memref<!tpu.dma_semaphore, #tpu.memory_space<semaphore_mem>>) src(%arg12 : memref<64xf32, #tpu.memory_space<vmem>>) dst(%dma_wait3A_45 : memref<64xf32, #tpu.memory_space<hbm>>)
      tpu.yield
    }) : () -> ()
    return
  }
}

</mosaic_0001>

<sc_bundles>
// kernel: kernel.4.cloned.1.call-start
scs
__scs_entry_jumppad:
0x0: {  	(pc) =	sbr.rel $0x88, $3  }
0x1: {  	(tag) =	ssettag $0x0;
	lr =	simm.s32 $0x1  }
0x2: {  	[smem:$0x3F9E] =	sst lr;
	_ =	strace $0xD0000000  }
0x3: {  	_ = 	snop  }
0x4: {  	_ = 	snop  }
0x5: {  	_ = 	snop  }
0x6: {  	_ = 	snop  }
0x7: {  	_ = 	snop  }
__scs_overlays_trampoline_lowered:
0x8: {  	[smem:$0x3FAD] =	sst s0  }
0x9: {  	[smem:$0x3FAE] =	sst s1  }
0xa: {  	[smem:$0x3FAF] =	sst s2  }
0xb: {  	[smem:$0x3FB0] =	sst s3  }
0xc: {  	[smem:$0x3FB1] =	sst s4  }
0xd: {  	[smem:$0x3FB2] =	sst s5  }
0xe: {  	[smem:$0x3FB3] =	sst s6  }
0xf: {  	[smem:$0x3FB4] =	sst s7  }
0x10: {  	[smem:$0x3FB5] =	sst s8  }
0x11: {  	[smem:$0x3FB6] =	sst s9;
	s0 =	simm.s32 @!p0 $0x0  }
0x12: {  	s1 =	sld [smem:$0x3F9C];
	s0 =	simm.s32 @p0 $0x1  }
0x13: {  	[smem:$0x3FB7] =	sst s0;
	s0 =	simm.s32 @!p1 $0x0  }
0x14: {  	s2 =	sld [smem:$0x3F9B];
	s0 =	simm.s32 @p1 $0x1  }
0x15: {  	[smem:$0x3FB8] =	sst s0;
	s0 =	simm.s32 @!p2 $0x0  }
0x16: {  	s3 =	sld [smem:$0x3FDB];
	s0 =	simm.s32 @p2 $0x1  }
0x17: {  	s4 =	simm.s32 $0x1BF5;
	[smem:$0x3FBA] =	sst s0  }
0x18: {  	s0 =	sld [smem:$0x3F9D];
	_ =	swait.ge [sflag:s4], $0x0  }
0x19: {  	s7 =	sld [smem:$0x3F9E]  }
0x1a: {  	s8 =	sadd.s32 $0xFFFFE003, lr  }
0x1b: {  	s9 =	sadd.s32 $0xFFFFFEF7, lr;
	s5 =	simm.s32 $0xFFFFFFFF;
	p2 =	slt.u32 s8, $0xFFFFF086  }
0x1c: {  	p1 =	slt.u32 s9, $0xF7A;
	s5 =	simm.s32 @!p2 $0x0  }
0x1d: {  	s5 =	simm.s32 @p1 $0x1;
	p0 =	seq.s32 s7, s2  }
0x1e: {  	s7 =	smul.u32 @!p0 $0xF7A, s2;
	p2 =	seq.s32 @!p0 s5, $0x0  }
0x1f: {  	s9 =	smul.u32 $0xF7A, s1;
	s8 =	simm.s32 @!p0 $0x1BF5;
	p2 =	por !p2, p0  }
0x20: {  	[sflag:s8] =	ssyncset.s32 @!p0 $0xFFFFF086;
	s6 =	sadd.s32 @!p0 s3, s7;
	s7 =	simm.s32 @!p0 $0x108  }
0x21: {  	s3 =	sadd.s32 s3, s9;
	s6 =	sadd.s32 @!p0 $0x88, s6;
	s7 =	simm.s32 @p2 $0x1082  }
0x22: {  	[simem:s7], [sflag:s8] =	dma.local @!p0 [hbm:s6], $0xF7A  }
0x23: {  	s9 =	sor.u32 $0xD0000000, s2;
	s6 =	simm.s32 $0x108;
	_ =	swait.ge @!p0 [sflag:s8], $0x0  }
0x24: {  	s3 =	sadd.s32 $0x88, s3;
	s6 =	simm.s32 @!p1 $0x1082;
	[sflag:s4] =	ssyncset.s32 $0xFFFFF086  }
0x25: {  	[simem:s6], [sflag:s4] =	dma.local [hbm:s3], $0xF7A  }
0x26: {  	[smem:$0x3F9E] =	sst s1;
	(tag) =	ssettag s2;
	_ =	strace s9  }
0x27: {  	s1 =	sld [smem:$0x3FAE]  }
0x28: {  	s2 =	sld [smem:$0x3FAF]  }
0x29: {  	s4 =	sld [smem:$0x3FB1]  }
0x2a: {  	p0 =	seq.s32 s5, $0x0;
	s5 =	sld [smem:$0x3FB2]  }
0x2b: {  	s6 =	sld [smem:$0x3FB3]  }
0x2c: {  	s7 =	sld [smem:$0x3FB4]  }
0x2d: {  	s3 =	simm.s32 $0x108;
	s8 =	sld [smem:$0x3FB5]  }
0x2e: {  	s3 =	simm.s32 @!p0 $0x1082;
	s9 =	sld [smem:$0x3FB6]  }
0x2f: {  	lr =	sadd.s32 s0, s3;
	s0 =	sld [smem:$0x3FAD]  }
0x30: {  	s3 =	sld [smem:$0x3FB0]  }
0x31: {  	[smem:$0x3FB9] =	sst s10  }
0x32: {  	s10 =	sld [smem:$0x3FB7];
	_ =	sdelay $0x3  }
0x33: {  	p0 =	seq.s32 s10, $0x1;
	s10 =	sld [smem:$0x3FB9];
	_ =	sdelay $0x3  }
0x34: {  	[smem:$0x3FB9] =	sst s10  }
0x35: {  	s10 =	sld [smem:$0x3FB8];
	_ =	sdelay $0x3  }
0x36: {  	p1 =	seq.s32 s10, $0x1;
	s10 =	sld [smem:$0x3FB9];
	_ =	sdelay $0x3  }
0x37: {  	[smem:$0x3FB9] =	sst s10  }
0x38: {  	s10 =	sld [smem:$0x3FBA]  }
0x39: {  	_ = 	snop;
	(pc) =	sbr.ind lr, $3  }
0x3a: {  	_ = 	snop  }
0x3b: {  	_ = 	snop  }
0x3c: {  	p2 =	seq.s32 s10, $0x1;
	s10 =	sld [smem:$0x3FB9]  }
0x3d: {  	_ =	shalt  }
0x3e: {  	_ =	shalt  }
0x3f: {  	_ =	shalt  }
0x40: {  	_ =	shalt  }
0x41: {  	_ =	shalt  }
0x42: {  	_ =	shalt  }
0x43: {  	_ =	shalt  }
0x44: {  	_ =	shalt  }
0x45: {  	_ =	shalt  }
0x46: {  	_ =	shalt  }
0x47: {  	_ =	shalt  }
0x48: {  	_ =	shalt  }
0x49: {  	_ =	shalt  }
0x4a: {  	_ =	shalt  }
0x4b: {  	_ =	shalt  }
0x4c: {  	_ =	shalt  }
0x4d: {  	_ =	shalt  }
0x4e: {  	_ =	shalt  }
0x4f: {  	_ =	shalt  }
0x50: {  	_ =	shalt  }
0x51: {  	_ =	shalt  }
0x52: {  	_ =	shalt  }
0x53: {  	_ =	shalt  }
0x54: {  	_ =	shalt  }
0x55: {  	_ =	shalt  }
0x56: {  	_ =	shalt  }
0x57: {  	_ =	shalt  }
0x58: {  	_ =	shalt  }
0x59: {  	_ =	shalt  }
0x5a: {  	_ =	shalt  }
0x5b: {  	_ =	shalt  }
0x5c: {  	_ =	shalt  }
0x5d: {  	_ =	shalt  }
0x5e: {  	_ =	shalt  }
0x5f: {  	_ =	shalt  }
0x60: {  	_ =	shalt  }
0x61: {  	_ =	shalt  }
0x62: {  	_ =	shalt  }
0x63: {  	_ =	shalt  }
0x64: {  	_ =	shalt  }
0x65: {  	_ =	shalt  }
0x66: {  	_ =	shalt  }
0x67: {  	_ =	shalt  }
0x68: {  	_ =	shalt  }
0x69: {  	_ =	shalt  }
0x6a: {  	_ =	shalt  }
0x6b: {  	_ =	shalt  }
0x6c: {  	_ =	shalt  }
0x6d: {  	_ =	shalt  }
0x6e: {  	_ =	shalt  }
0x6f: {  	_ =	shalt  }
0x70: {  	_ =	shalt  }
0x71: {  	_ =	shalt  }
0x72: {  	_ =	shalt  }
0x73: {  	_ =	shalt  }
0x74: {  	_ =	shalt  }
0x75: {  	_ =	shalt  }
0x76: {  	_ =	shalt  }
0x77: {  	_ =	shalt  }
0x78: {  	_ =	shalt  }
0x79: {  	_ =	shalt  }
0x7a: {  	_ =	shalt  }
0x7b: {  	_ =	shalt  }
0x7c: {  	_ =	shalt  }
0x7d: {  	_ =	shalt  }
0x7e: {  	_ =	shalt  }
0x7f: {  	_ =	shalt  }
0x80: {  	_ =	shalt  }
0x81: {  	_ =	shalt  }
0x82: {  	_ =	shalt  }
0x83: {  	_ =	shalt  }
0x84: {  	_ =	shalt  }
0x85: {  	_ =	shalt  }
0x86: {  	_ =	shalt  }
0x87: {  	_ =	shalt  }
.Lfunc_end0:
.L_simem_size_0:
called_computation_lowered:
.L_overlay_start_0:
0x88: {  	s0 =	sld [smem:$0x3FD9]  }
0x89: {  	s1 =	sld [smem:$0x3FFE];
	_ =	sdelay $0x3  }
0x8a: {  	s0 =	sadd.s32 s1, s0  }
0x8b: {  	[smem:$0x3FC5] =	sst s0  }
0x8c: {  	_ = 	snop  }
0x8d: {  	s0 =	sld [smem:$0x3FC9]  }
0x8e: {  	s16 =	sld [smem:$0x3FC8]  }
0x8f: {  	s2 =	sld [smem:$0x3FC7];
	(tm) =	ssettm $0x1  }
0x90: {  	s3 =	sld [smem:$0x3FFB];
	_ =	sdelay $0x3  }
0x91: {  	_ =	strace s3  }
0x92: {  	s3 =	sld [smem:$0x3FFC];
	_ =	sdelay $0x3  }
0x93: {  	_ =	strace s3  }
0x94: {  	s3 =	sld [smem:$0x3FFD];
	_ =	sdelay $0x3  }
0x95: {  	_ =	strace s3  }
0x96: {  	_ =	strace $0x8FFFFFFF  }
0x97: {  	s17 =	sld [smem:$0x3FDB];
	_ =	sdelay $0x1  }
0x98: {  	s4 =	simm.s32 $_scs_section_size  }
0x99: {  	s5 =	simm.s32 $_size__tile_overlayer_lowered;
	s6 =	simm.s32 $_tile_overlayer_lowered  }
0x9a: {  	s20 =	simm.s32 $0x1BFF;
	s19 =	sshll.u32 s6, $0x1;
	s3 =	sadd.s32 s4, s17  }
0x9b: {  	s7 =	simm.s32 $0x0;
	s18 =	sshll.u32 s5, $0x1;
	s5 =	sadd.s32 s19, s3  }
0x9c: {  	[timem:s7], [sflag:s20] =	dma.local [hbm:s5], s18  }
0x9d: {  	_ =	swait.ge [sflag:s20], s18  }
0x9e: {  	s4 =	ssub.s32 $0x0, s18;
	[sflag:s20] =	ssyncset.done $0x0  }
0x9f: {  	[sflag:s20] =	ssyncadd.s32 s4;
	_ =	sdelay $0x1  }
0xa0: {  	s21 =	simm.s32 $0x1B8B  }
0xa1: {  	_ =	swait.ge [sflag:s21], $0x1  }
0xa2: {  	[sflag:s21] =	ssyncset.done $0x0  }
0xa3: {  	s23 =	simm.s32 $0x1B8E;
	s22 =	sld [smem:$0x3FFE];
	[sflag:s21] =	ssyncadd.s32 $0xFFFFFFFF  }
0xa4: {  	s24 =	simm.s32 $execute0_lowered;
	[smem:$0x3FD2] =	sst s23  }
0xa5: {  	s5 =	sshll.u32 s24, $0x1;
	_ =	strace $0x80000049;
	[dreg:$0x1] =	wrdreg $0xFFFFFFFF  }
0xa6: {  	s25 =	simm.s32 $_size_execute0_lowered;
	s3 =	sadd.s32 s3, s5;
	[dreg:$0x0] =	wrdreg $0x0  }
0xa7: {  	s5 =	sshll.u32 s25, $0x1;
	[dreg:$0x2] =	wrdreg s3  }
0xa8: {  	[dreg:$0x3] =	wrdreg s5  }
0xa9: {  	[dreg:$0x4] =	wrdreg $0xC0  }
0xaa: {  	_ =	task [dreg:s7], $0x5FFFF  }
0xab: {  	[dreg:$0x1] =	wrdreg $0xFFFFFFFF  }
0xac: {  	[dreg:$0x0] =	wrdreg $0x60  }
0xad: {  	[dreg:$0x2] =	wrdreg s0  }
0xae: {  	[dreg:$0x3] =	wrdreg s16  }
0xaf: {  	[dreg:$0x4] =	wrdreg s2  }
0xb0: {  	[dreg:$0x5] =	wrdreg s22  }
0xb1: {  	[dreg:$0x6] =	wrdreg $0x9  }
0xb2: {  	_ =	task.clear_ibuf [dreg:s7], $0x7FFFF;
	_ =	strace $0x90000049  }
0xb3: {  	s26 =	simm.s32 $0x9;
	_ =	strace $0x8000004B  }
0xb4: {  	_ =	swait.ge [sflag:s26], $0x1  }
0xb5: {  	[sflag:s26] =	ssyncadd.s32 $0xFFFFFFFF  }
0xb6: {  	_ =	strace $0x9000004B  }
0xb7: {  	_ =	sfence  }
0xb8: {  	s28 =	sld [smem:$0x0];
	_ =	sdelay $0x1  }
0xb9: {  	s29 =	srdreg.scid  }
0xba: {  	s30 =	sshll.u32 s29, $0xD;
	s31 =	sshrl.u32 s29, $0x2  }
0xbb: {  	s1 =	sand.u32 $0x1, s29;
	s2 =	sand.u32 $0x4000, s30;
	s0 =	sadd.s32 s31, s28  }
0xbc: {  	s1 =	sor.u32 s2, s1;
	s0 =	sshll.u32 s0, $0x11  }
0xbd: {  	s0 =	sor.u32 s0, s1  }
0xbe: {  	s0 =	sadd.s32 $0x8F2B, s0  }
0xbf: {  	[sflag:s0] =	ssyncadd.remote.s32 $0x1  }
0xc0: {  	_ =	sfence.sel $0xFFFF  }
0xc1: {  	[dreg:$0x0] =	wrdreg $0xFFFFFFFF;
	(pc) =	sbr.abs _section_cstart, $3  }
0xc2: {  	[dreg:$0x1] =	wrdreg $0xFFFFFFFF  }
0xc3: {  	_ =	task.clear_ibuf [dreg:s7], $0x2FFFF;
	_ =	strace $0x9FFFFFFF  }
0xc4: {  	(tm) =	ssettm $0x7FFFFFFF  }
0xc5: {  	_ =	shalt  }
tec
execute0_lowered:
.L_overlay_start_1:
0x0: {  	(tag) =	ssettag $0x1  }
0x1: {  	s3 =	rddreg [dreg:$0x0]  }
0x2: {  	s4 =	rddreg [dreg:$0x1]  }
0x3: {  	s5 =	rddreg [dreg:$0x2]  }
0x4: {  	s2 =	rddreg [dreg:$0x3]  }
0x5: {  	s0 =	rddreg [dreg:$0x4];
	s6 =	simm.s32 $0x0  }
0x6: {  	s1 =	stileid.u32;
	s10 =	simm.s32 $0x4000;
	s31 =	simm.s32 $0x8000  }
0x7: {  	s11 =	simm.s32 $0x14000;
	s12 =	simm.s32 $0x1;
	s13 =	simm.s32 $0x2  }
0x8: {  	s14 =	simm.s32 $0x0;
	[smem:$0x7FF] =	sst s6;
	s8 =	sshll.u32 s1, $0xE  }
0x9: {  	s2 =	sadd.s32 $0x200, s2;
	_ =	strace $0x8000004A;
	s7 =	sadd.s32 s3, s8  }
0xa: {  	[tilespmem:s6], [sflag:$0x1] =	stream.linear.gather [hbm4b:s7+s6], $0x4000, $0x38;
	[tilespmem:$0x18080] =	vst v63  }
0xb: {  	s9 =	sadd.s32 s4, s8;
	s30 =	sadd.s32 s5, s8;
	s7 =	sshll.u32 s1, $0x11  }
0xc: {  	v14 =	vimm.f32 $0.0e+00;
	v5 =	vimm.s32 $0x0;
	[tilespmem:s10], [sflag:$0x1] =	stream.linear.gather [hbm4b:s9+s6], $0x4000, $0x38;
	[tilespmem:$0x18080] =	vst v63  }
0xd: {  	v9 =	vimm.s32 $0x0;
	v19 =	vimm.f32 $0.0e+00;
	v21 =	vimm.s32 $0x0;
	s8 =	sor.u32 $0x8000, s7;
	s9 =	simm.s32 $0xC000;
	s10 =	simm.s32 $0x10000  }
0xe: {  	v15 =	vimm.s32 $0x0;
	v25 =	vimm.f32 $0.0e+00;
	v23 =	vimm.f32 $0.0e+00;
	[tilespmem:s31], [sflag:$0x1] =	stream.linear.gather [hbm4b:s30+s6], $0x4000, $0x38;
	[tilespmem:$0x18080] =	vst v63  }
.LBB2_1:
0xf: {  	s15 =	sshll.u32 s14, $0xF  }
0x10: {  	s16 =	sor.u32 s15, s7  }
0x11: {  	s16 =	sshrl.u32 s16, $0x3  }
0x12: {  	s16 =	sor.u32 $0x800, s16  }
0x13: {  	s17 =	sadd.s32 s3, s16  }
0x14: {  	[tilespmem:s9], [sflag:$0x2] =	stream.linear.gather [hbm4b:s17+s6], $0x4000, $0x38;
	[tilespmem:$0x18080] =	vst v63  }
0x15: {  	s31 =	sadd.s32 s4, s16  }
0x16: {  	[tilespmem:s10], [sflag:$0x2] =	stream.linear.gather [hbm4b:s31+s6], $0x4000, $0x38;
	[tilespmem:$0x18080] =	vst v63  }
0x17: {  	s16 =	sadd.s32 s5, s16  }
0x18: {  	[tilespmem:s11], [sflag:$0x2] =	stream.linear.gather [hbm4b:s16+s6], $0x4000, $0x38;
	[tilespmem:$0x18080] =	vst v63  }
0x19: {  	_ =	swait.ge [sflag:s12], $0x4000  }
0x1a: {  	[sflag:s12] =	ssyncset.done $0x0  }
0x1b: {  	[sflag:s12] =	ssyncadd.s32 $0xFFFFC000  }
0x1c: {  	_ =	swait.ge [sflag:s12], $0x4000  }
0x1d: {  	[sflag:s12] =	ssyncset.done $0x0  }
0x1e: {  	[sflag:s12] =	ssyncadd.s32 $0xFFFFC000  }
0x1f: {  	_ =	swait.ge [sflag:s12], $0x4000  }
0x20: {  	[sflag:s12] =	ssyncset.done $0x0  }
0x21: {  	s16 =	simm.s32 $0x0;
	[sflag:s12] =	ssyncadd.s32 $0xFFFFC000  }
0x22: {  	v24 =	vld [tilespmem:s16+$0xA0]  }
0x23: {  	v2 =	vld [tilespmem:s16+$0x80B0]  }
0x24: {  	v20 =	vld [tilespmem:s16+$0x80]  }
0x25: {  	v26 =	vld [tilespmem:s16+$0x8050]  }
0x26: {  	v27 =	vld [tilespmem:s16+$0x4070]  }
0x27: {  	v22 =	vld [tilespmem:s16+$0x4050]  }
0x28: {  	v6 =	vld [tilespmem:s16+$0x60]  }
0x29: {  	v1 =	vld [tilespmem:s16+$0x80A0]  }
0x2a: {  	v3 =	vld [tilespmem:s16+$0x8060]  }
0x2b: {  	v8 =	vld [tilespmem:s16+$0x4060]  }
0x2c: {  	v7 =	vld [tilespmem:s16+$0x4080]  }
0x2d: {  	v12 =	vld [tilespmem:s16+$0x40A0]  }
0x2e: {  	v4 =	vld [tilespmem:s16+$0x8080]  }
0x2f: {  	v0 =	vld [tilespmem:s16+$0x40]  }
0x30: {  	v17 =	vld [tilespmem:s16+$0x4040]  }
0x31: {  	v10 =	vld [tilespmem:s16+$0x8040]  }
0x32: {  	v29 =	vld [tilespmem:s16+$0x8010]  }
0x33: {  	v30 =	vld [tilespmem:s16+$0x4010]  }
0x34: {  	v36 =	vld [tilespmem:s16+$0x8030]  }
0x35: {  	v34 =	vld [tilespmem:s16+$0x4030];
	v13 =	vcvt.s32.f32 v3  }
0x36: {  	v28 =	vld [tilespmem:s16+$0x10];
	v11 =	vand.u32 v7, v4;
	v32 =	vcvt.s32.f32 v4;
	v35 =	vcvt.s32.f32 v2  }
0x37: {  	v31 =	vld [tilespmem:s16+$0x30];
	v16 =	vcvt.s32.f32 v10;
	v12 =	vand.u32 v12, v1;
	v38 =	vcvt.s32.f32 v1  }
0x38: {  	v37 =	vld [tilespmem:s16+$0x4020];
	v39 =	vcvt.s32.f32 v29;
	v18 =	vand.u32 v17, v10;
	v30 =	vand.u32 v30, v29  }
0x39: {  	v58 =	vld [tilespmem:s16+$0x8070];
	v29 =	vadd.s32 v9, v29;
	v46 =	vcvt.s32.f32 v36;
	v61 =	vcvt.s32.f32 v26  }
0x3a: {  	v60 =	vld [tilespmem:s16+$0x50];
	v34 =	vand.u32 v34, v36;
	v33 =	vcvt.s32.f32 v11;
	v40 =	vcvt.s32.f32 v30  }
0x3b: {  	v62 =	vld [tilespmem:s16+$0x4090];
	v41 =	vcvt.s32.f32 v12;
	v7 =	vmul.f32 v13, v6;
	v13 =	vand.u32 v8, v3  }
0x3c: {  	v17 =	vld [tilespmem:s16+$0x8020];
	v44 =	vand.u32 v22, v26;
	v43 =	vcvt.s32.f32 v18;
	v8 =	vcvt.s32.f32 v13  }
0x3d: {  	v59 =	vcvt.s32.f32 v34;
	v29 =	vadd.s32 v36, v29;
	v36 =	vld [tilespmem:s16+$0x8090];
	v9 =	vmul.f32 v32, v20  }
0x3e: {  	v30 =	vadd.s32 v5, v30;
	v8 =	vmul.f32 v8, v6;
	v6 =	vmul.f32 v33, v20;
	v33 =	vld [tilespmem:s16+$0x8000]  }
0x3f: {  	v42 =	vld [tilespmem:s16+$0x4000];
	v30 =	vadd.s32 v34, v30;
	v39 =	vmul.f32 v39, v28;
	v34 =	vmul.f32 v61, v60  }
0x40: {  	v27 =	vand.u32 v27, v58;
	v40 =	vmul.f32 v40, v28;
	v5 =	vmul.f32 v41, v24  }
0x41: {  	v19 =	vadd.f32 v39, v19;
	v20 =	vmul.f32 v43, v0;
	v37 =	vand.u32 v37, v17  }
0x42: {  	v45 =	vld [tilespmem:s16+$0x40B0];
	v28 =	vadd.f32 v40, v14;
	v14 =	vmul.f32 v38, v24;
	v63 =	vcvt.s32.f32 v17  }
0x43: {  	v56 =	vld [tilespmem:s16+$0x40E0];
	v41 =	vand.u32 v62, v36;
	v22 =	vadd.s32 v15, v33;
	v15 =	vmul.f32 v59, v31  }
0x44: {  	v50 =	vld [tilespmem:s16+$0x90];
	v31 =	vmul.f32 v46, v31;
	v24 =	vand.u32 v42, v33;
	v33 =	vcvt.s32.f32 v33  }
0x45: {  	v38 =	vld [tilespmem:s16+$0x20];
	v49 =	vcvt.s32.f32 v24;
	v21 =	vadd.s32 v21, v24;
	v24 =	vcvt.s32.f32 v27  }
0x46: {  	v52 =	vld [tilespmem:s16+$0x40D0];
	v40 =	vadd.f32 v15, v28;
	v15 =	vadd.s32 v26, v29;
	v26 =	vcvt.s32.f32 v58  }
0x47: {  	v42 =	vld [tilespmem:s16+$0x70];
	v29 =	vand.u32 v45, v2;
	v28 =	vcvt.s32.f32 v44;
	v44 =	vadd.s32 v44, v30  }
0x48: {  	v61 =	vld [tilespmem:s16+$0xB0];
	v30 =	vcvt.s32.f32 v37;
	v62 =	vadd.f32 v31, v19;
	v47 =	vadd.s32 v58, v15  }
0x49: {  	v45 =	vld [tilespmem:s16+$0x0];
	v48 =	vcvt.s32.f32 v29;
	v27 =	vadd.s32 v27, v44;
	v58 =	vcvt.s32.f32 v36  }
0x4a: {  	v32 =	vld [tilespmem:s16+$0x40F0];
	v43 =	vmul.f32 v28, v60;
	v51 =	vmul.f32 v30, v38;
	v30 =	vadd.s32 v37, v21  }
0x4b: {  	v15 =	vld [tilespmem:s16+$0x80E0];
	v60 =	vcvt.s32.f32 v41;
	v27 =	vadd.s32 v41, v27;
	v34 =	vadd.f32 v34, v62  }
0x4c: {  	v19 =	vld [tilespmem:s16+$0xE0];
	v36 =	vadd.s32 v36, v47;
	v26 =	vmul.f32 v26, v42;
	v53 =	vmul.f32 v24, v42  }
0x4d: {  	v24 =	vld [tilespmem:s16+$0x80D0];
	v42 =	vmul.f32 v63, v38;
	v29 =	vadd.s32 v29, v27;
	v38 =	vmul.f32 v35, v61  }
0x4e: {  	v28 =	vld [tilespmem:s16+$0x40C0];
	v59 =	vadd.f32 v43, v40;
	v31 =	vmul.f32 v60, v50;
	v57 =	vmul.f32 v49, v45  }
0x4f: {  	v27 =	vld [tilespmem:s16+$0xC0];
	v40 =	vmul.f32 v58, v50;
	v33 =	vmul.f32 v33, v45;
	v37 =	vadd.f32 v26, v34  }
0x50: {  	v34 =	vmul.f32 v48, v61;
	v26 =	vld [tilespmem:s16+$0x80C0];
	v54 =	vcvt.s32.f32 v15;
	v63 =	vadd.f32 v57, v25  }
0x51: {  	v21 =	vand.u32 v56, v15;
	v39 =	vadd.f32 v53, v59;
	v25 =	vld [tilespmem:s16+$0xF0];
	v43 =	vadd.f32 v33, v23  }
0x52: {  	s17 =	simm.s32 $0x400;
	v33 =	vld [tilespmem:s16+$0x80F0];
	v23 =	vmul.f32 v54, v19;
	v35 =	vand.u32 v52, v24;
	v41 =	vadd.f32 v51, v63  }
.LBB2_2:
0x53: {  	p0 =	sne.s32 s17, $0xFC00;
	v0 =	vmul.f32 v16, v0;
	v16 =	vadd.s32 v18, v30;
	v18 =	vld [tilespmem:s16+$0xD0];
	s16 =	sshra.s32 s17, $0x2;
	s17 =	sadd.s32 $0x400, s17;
	v44 =	vcvt.s32.f32 v24  }
0x54: {  	v42 =	vadd.f32 v42, v43;
	v17 =	vadd.s32 v17, v22;
	v30 =	vld [tilespmem:s16+$0xA0];
	v13 =	vadd.s32 v13, v16  }
0x55: {  	v10 =	vadd.s32 v10, v17;
	v16 =	vld [tilespmem:s16+$0x80B0];
	v11 =	vadd.s32 v11, v13;
	v13 =	vcvt.s32.f32 v35  }
0x56: {  	v3 =	vadd.s32 v3, v10;
	v10 =	vadd.f32 v31, v39;
	v22 =	vld [tilespmem:s16+$0x80];
	v11 =	vadd.s32 v12, v11  }
0x57: {  	v0 =	vadd.f32 v0, v42;
	v12 =	vadd.f32 v20, v41;
	v17 =	vand.u32 v28, v26;
	v31 =	vld [tilespmem:s16+$0x8050]  }
0x58: {  	v4 =	vadd.s32 v4, v3;
	v3 =	vadd.f32 v40, v37;
	v20 =	vand.u32 v32, v33;
	v28 =	vld [tilespmem:s16+$0x4070]  }
0x59: {  	v0 =	vadd.f32 v7, v0;
	v7 =	vcvt.s32.f32 v17;
	v37 =	vcvt.s32.f32 v20;
	v32 =	vld [tilespmem:s16+$0x4050]  }
0x5a: {  	v11 =	vadd.s32 v17, v11;
	v38 =	vadd.f32 v38, v3;
	v17 =	vmul.f32 v44, v18;
	v39 =	vld [tilespmem:s16+$0x60]  }
0x5b: {  	v8 =	vadd.f32 v8, v12;
	v12 =	vmul.f32 v13, v18;
	v13 =	vcvt.s32.f32 v33;
	v40 =	vld [tilespmem:s16+$0x80A0]  }
0x5c: {  	v10 =	vadd.f32 v34, v10;
	v18 =	vadd.s32 v2, v36;
	v17 =	vadd.f32 v17, v38;
	v2 =	vmovc v16;
	v3 =	vld [tilespmem:s16+$0x8060]  }
0x5d: {  	v0 =	vadd.f32 v9, v0;
	v7 =	vmul.f32 v7, v27;
	v9 =	vadd.s32 v35, v29;
	v16 =	vld [tilespmem:s16+$0x4060]  }
0x5e: {  	v35 =	vcvt.s32.f32 v26;
	v18 =	vadd.s32 v24, v18;
	v13 =	vmul.f32 v13, v25;
	v34 =	vld [tilespmem:s16+$0x4080]  }
0x5f: {  	v36 =	vadd.s32 v33, v18;
	v14 =	vadd.f32 v14, v0;
	v0 =	vadd.s32 v1, v4;
	v29 =	vld [tilespmem:s16+$0x20]  }
0x60: {  	v6 =	vadd.f32 v6, v8;
	v8 =	vmul.f32 v35, v27;
	v24 =	vadd.f32 v13, v17;
	v18 =	vld [tilespmem:s16+$0x40A0];
	v1 =	vmovc v40  }
0x61: {  	v13 =	vadd.s32 v26, v0;
	v26 =	vadd.s32 v21, v11;
	v11 =	vmul.f32 v37, v25;
	v4 =	vld [tilespmem:s16+$0x8080]  }
0x62: {  	v10 =	vadd.f32 v12, v10;
	v8 =	vadd.f32 v8, v14;
	v14 =	vadd.s32 v15, v13;
	v0 =	vld [tilespmem:s16+$0x40]  }
0x63: {  	v9 =	vadd.s32 v20, v9;
	v5 =	vadd.f32 v5, v6;
	v6 =	vcvt.s32.f32 v21;
	v15 =	vld [tilespmem:s16+$0x10]  }
0x64: {  	v21 =	vadd.f32 v11, v10;
	v23 =	vadd.f32 v23, v8;
	v17 =	vld [tilespmem:s16+$0x4040]  }
0x65: {  	v5 =	vadd.f32 v7, v5;
	v6 =	vmul.f32 v6, v19;
	v8 =	vcvt.s32.f32 v3;
	v25 =	vld [tilespmem:s16+$0x30]  }
0x66: {  	v10 =	vld [tilespmem:s16+$0x8040];
	v11 =	vand.u32 v34, v4;
	v19 =	vcvt.s32.f32 v4  }
0x67: {  	v27 =	vadd.f32 v6, v5;
	v7 =	vmul.f32 v8, v39;
	v20 =	vld [tilespmem:s16+$0x8010]  }
0x68: {  	v6 =	vcvt.s32.f32 v11;
	v5 =	vld [tilespmem:s16+$0x4010]  }
0x69: {  	v13 =	vand.u32 v16, v3;
	v34 =	vld [tilespmem:s16+$0x4030]  }
0x6a: {  	v33 =	vcvt.s32.f32 v2;
	v8 =	vcvt.s32.f32 v13;
	v35 =	vld [tilespmem:s16+$0x4020]  }
0x6b: {  	v38 =	vcvt.s32.f32 v1;
	v12 =	vand.u32 v18, v1;
	v37 =	vld [tilespmem:s16+$0x8030];
	v16 =	vcvt.s32.f32 v10  }
0x6c: {  	v8 =	vmul.f32 v8, v39;
	v18 =	vand.u32 v17, v10;
	v40 =	vld [tilespmem:s16+$0x4000];
	v41 =	vcvt.s32.f32 v20  }
0x6d: {  	v6 =	vmul.f32 v6, v22;
	v36 =	vadd.s32 v36, v20;
	v5 =	vand.u32 v5, v20;
	v17 =	vld [tilespmem:s16+$0x8020]  }
0x6e: {  	v39 =	vld [tilespmem:s16+$0x8000];
	v20 =	vcvt.s32.f32 v5;
	v42 =	vadd.s32 v9, v5;
	v5 =	vcvt.s32.f32 v12  }
0x6f: {  	v43 =	vcvt.s32.f32 v18;
	v9 =	vmul.f32 v19, v22;
	v44 =	vld [tilespmem:s16+$0x8070]  }
0x70: {  	v19 =	vmul.f32 v20, v15;
	v22 =	vand.u32 v34, v37;
	v5 =	vmul.f32 v5, v30;
	v34 =	vld [tilespmem:s16+$0x40B0]  }
0x71: {  	v32 =	vand.u32 v32, v31;
	v20 =	vmul.f32 v43, v0;
	v45 =	vcvt.s32.f32 v22;
	v43 =	vld [tilespmem:s16+$0x50]  }
0x72: {  	v46 =	vcvt.s32.f32 v37;
	v42 =	vadd.s32 v22, v42;
	v35 =	vand.u32 v35, v17;
	v47 =	vld [tilespmem:s16+$0x4090]  }
0x73: {  	v48 =	vcvt.s32.f32 v31;
	v22 =	vadd.s32 v14, v39;
	v45 =	vmul.f32 v45, v25;
	v49 =	vld [tilespmem:s16+$0x8090]  }
0x74: {  	v41 =	vmul.f32 v41, v15;
	v15 =	vadd.f32 v19, v21;
	v19 =	vadd.s32 v37, v36;
	v21 =	vld [tilespmem:s16+$0x70]  }
0x75: {  	v25 =	vmul.f32 v46, v25;
	v14 =	vmul.f32 v38, v30;
	v36 =	vand.u32 v28, v44;
	v46 =	vld [tilespmem:s16+$0x40D0]  }
0x76: {  	v30 =	vand.u32 v40, v39;
	v38 =	vadd.f32 v45, v15;
	v37 =	vld [tilespmem:s16+$0x0];
	v40 =	vmul.f32 v48, v43  }
0x77: {  	v15 =	vadd.s32 v31, v19;
	v19 =	vcvt.s32.f32 v44;
	v34 =	vand.u32 v34, v2;
	v45 =	vld [tilespmem:s16+$0x90]  }
0x78: {  	v42 =	vadd.s32 v32, v42;
	v31 =	vcvt.s32.f32 v32;
	v48 =	vcvt.s32.f32 v17;
	v28 =	vld [tilespmem:s16+$0x40C0]  }
0x79: {  	v32 =	vcvt.s32.f32 v35;
	v44 =	vadd.s32 v44, v15;
	v50 =	vcvt.s32.f32 v34;
	v51 =	vld [tilespmem:s16+$0x40E0]  }
0x7a: {  	v52 =	vcvt.s32.f32 v30;
	v31 =	vmul.f32 v31, v43;
	v43 =	vand.u32 v47, v49;
	v15 =	vld [tilespmem:s16+$0x80E0]  }
0x7b: {  	v26 =	vadd.s32 v26, v30;
	v53 =	vcvt.s32.f32 v36;
	v47 =	vmul.f32 v32, v29;
	v32 =	vld [tilespmem:s16+$0x40F0]  }
0x7c: {  	v30 =	vadd.s32 v35, v26;
	v35 =	vadd.s32 v36, v42;
	v26 =	vmul.f32 v19, v21  }
0x7d: {  	v19 =	vadd.f32 v41, v24;
	v36 =	vmul.f32 v52, v37;
	v52 =	vcvt.s32.f32 v49;
	v24 =	vld [tilespmem:s16+$0x80D0]  }
0x7e: {  	v39 =	vcvt.s32.f32 v39;
	v38 =	vadd.f32 v31, v38;
	v31 =	vcvt.s32.f32 v43;
	v54 =	vld [tilespmem:s16+$0xB0]  }
0x7f: {  	v41 =	vmul.f32 v53, v21;
	v25 =	vadd.f32 v25, v19;
	v19 =	vld [tilespmem:s16+$0xE0];
	v21 =	vand.u32 v51, v15  }
0x80: {  	v35 =	vadd.s32 v43, v35;
	v31 =	vmul.f32 v31, v45;
	v51 =	vcvt.s32.f32 v15  }
.Ltmp0:
0x81: {  	v42 =	vmul.f32 v48, v29;
	v37 =	vmul.f32 v39, v37;
	v40 =	vadd.f32 v40, v25;
	(pc) =	sbr.rel @p0 .LBB2_2-.Ltmp0, $4  }
0x82: {  	v29 =	vadd.s32 v34, v35;
	v39 =	vadd.f32 v41, v38;
	v36 =	vadd.f32 v36, v27;
	v25 =	vld [tilespmem:s16+$0xF0]  }
0x83: {  	v43 =	vadd.f32 v37, v23;
	v37 =	vadd.f32 v26, v40;
	v34 =	vmul.f32 v50, v54;
	v27 =	vld [tilespmem:s16+$0xC0]  }
0x84: {  	v41 =	vadd.f32 v47, v36;
	v40 =	vmul.f32 v52, v45;
	v26 =	vld [tilespmem:s16+$0x80C0];
	v23 =	vmul.f32 v51, v19  }
0x85: {  	v36 =	vadd.s32 v49, v44;
	v35 =	vand.u32 v46, v24;
	v38 =	vmul.f32 v33, v54;
	v33 =	vld [tilespmem:s16+$0x80F0]  }
0x86: {  	p0 =	seq.s32 s14, $0x3  }
0x87: {  	s15 =	sadd.s32 @!p0 s15, s8  }
0x88: {  	s15 =	sshrl.u32 @!p0 s15, $0x3  }
0x89: {  	v44 =	vld [tilespmem:s16+$0xD0];
	s17 =	simm.s32 @!p0 $0x0;
	s16 =	sadd.s32 @!p0 s3, s15  }
0x8a: {  	[tilespmem:s17], [sflag:$0x1] =	stream.linear.gather @!p0 [hbm4b:s16+s17], $0x4000, $0x38;
	[tilespmem:$0x18080] =	vst v63  }
0x8b: {  	s18 =	simm.s32 @!p0 $0x4000;
	s16 =	sadd.s32 @!p0 s4, s15  }
0x8c: {  	[tilespmem:s18], [sflag:$0x1] =	stream.linear.gather @!p0 [hbm4b:s16+s17], $0x4000, $0x38;
	[tilespmem:$0x18080] =	vst v63  }
0x8d: {  	s15 =	sadd.s32 @!p0 s5, s15;
	s16 =	simm.s32 @!p0 $0x8000  }
0x8e: {  	[tilespmem:s16], [sflag:$0x1] =	stream.linear.gather @!p0 [hbm4b:s15+s17], $0x4000, $0x38;
	[tilespmem:$0x18080] =	vst v63  }
0x8f: {  	_ =	swait.ge [sflag:s13], $0x4000  }
0x90: {  	[sflag:s13] =	ssyncset.done $0x0  }
0x91: {  	[sflag:s13] =	ssyncadd.s32 $0xFFFFC000  }
0x92: {  	_ =	swait.ge [sflag:s13], $0x4000  }
0x93: {  	[sflag:s13] =	ssyncset.done $0x0  }
0x94: {  	v16 =	vmul.f32 v16, v0;
	[sflag:s13] =	ssyncadd.s32 $0xFFFFC000  }
0x95: {  	v0 =	vadd.s32 v18, v30;
	v18 =	vcvt.s32.f32 v24;
	v42 =	vadd.f32 v42, v43;
	_ =	swait.ge [sflag:s13], $0x4000  }
0x96: {  	v17 =	vadd.s32 v17, v22;
	v2 =	vadd.s32 v2, v36;
	v13 =	vadd.s32 v13, v0;
	[sflag:s13] =	ssyncset.done $0x0  }
0x97: {  	v10 =	vadd.s32 v10, v17;
	v2 =	vadd.s32 v24, v2;
	v11 =	vadd.s32 v11, v13;
	s15 =	simm.s32 $0x0;
	[sflag:s13] =	ssyncadd.s32 $0xFFFFC000  }
0x98: {  	v13 =	vcvt.s32.f32 v35;
	v3 =	vadd.s32 v3, v10;
	v10 =	vadd.f32 v31, v39;
	v30 =	vld [tilespmem:s15+$0xC0A0]  }
0x99: {  	v11 =	vadd.s32 v12, v11;
	v12 =	vadd.f32 v16, v42;
	v16 =	vadd.f32 v20, v41;
	v0 =	vld [tilespmem:s15+$0x140B0]  }
0x9a: {  	v17 =	vand.u32 v28, v26;
	v28 =	vadd.s32 v4, v3;
	v3 =	vadd.f32 v40, v37;
	v22 =	vld [tilespmem:s15+$0xC080]  }
0x9b: {  	v50 =	vcvt.s32.f32 v26;
	v32 =	vand.u32 v32, v33;
	v11 =	vadd.s32 v17, v11;
	v31 =	vld [tilespmem:s15+$0x14050]  }
0x9c: {  	v10 =	vadd.f32 v34, v10;
	v28 =	vadd.s32 v1, v28;
	v7 =	vadd.f32 v7, v12;
	v47 =	vld [tilespmem:s15+$0x10050]  }
0x9d: {  	v12 =	vcvt.s32.f32 v17;
	v38 =	vadd.f32 v38, v3;
	v17 =	vmul.f32 v18, v44;
	v49 =	vld [tilespmem:s15+$0xC060]  }
0x9e: {  	v51 =	vadd.s32 v33, v2;
	v48 =	vcvt.s32.f32 v32;
	v8 =	vadd.f32 v8, v16;
	v3 =	vld [tilespmem:s15+$0x140A0]  }
0x9f: {  	v13 =	vmul.f32 v13, v44;
	v16 =	vcvt.s32.f32 v33;
	v17 =	vadd.f32 v17, v38;
	v4 =	vld [tilespmem:s15+$0x14060]  }
0xa0: {  	v7 =	vadd.f32 v9, v7;
	v9 =	vmul.f32 v12, v27;
	v12 =	vadd.s32 v35, v29;
	v18 =	vld [tilespmem:s15+$0x10060]  }
0xa1: {  	v16 =	vmul.f32 v16, v25;
	v2 =	vadd.f32 v6, v8;
	v6 =	vmul.f32 v50, v27;
	v29 =	vld [tilespmem:s15+$0x10080]  }
0xa2: {  	v8 =	vadd.s32 v26, v28;
	v26 =	vadd.s32 v21, v11;
	v14 =	vadd.f32 v14, v7;
	v24 =	vld [tilespmem:s15+$0x100A0]  }
0xa3: {  	v11 =	vmul.f32 v48, v25;
	v10 =	vadd.f32 v13, v10;
	v2 =	vadd.f32 v5, v2;
	v1 =	vld [tilespmem:s15+$0x14080]  }
0xa4: {  	v27 =	vadd.f32 v16, v17;
	v5 =	vcvt.s32.f32 v21;
	v6 =	vadd.f32 v6, v14;
	v17 =	vld [tilespmem:s15+$0x10040]  }
0xa5: {  	v21 =	vadd.s32 v32, v12;
	v14 =	vadd.s32 v15, v8;
	v2 =	vadd.f32 v9, v2;
	v8 =	vld [tilespmem:s15+$0x14040]  }
0xa6: {  	v5 =	vmul.f32 v5, v19;
	v32 =	vadd.f32 v23, v6;
	v23 =	vadd.f32 v11, v10;
	v11 =	vld [tilespmem:s15+$0x14010]  }
0xa7: {  	v19 =	vld [tilespmem:s15+$0x10010]  }
0xa8: {  	v34 =	vadd.f32 v5, v2;
	v7 =	vld [tilespmem:s15+$0xC040];
	v6 =	vcvt.s32.f32 v4;
	v10 =	vand.u32 v29, v1  }
0xa9: {  	v16 =	vld [tilespmem:s15+$0xC010];
	v28 =	vcvt.s32.f32 v1;
	v13 =	vand.u32 v18, v4;
	v35 =	vcvt.s32.f32 v0  }
0xaa: {  	v5 =	vld [tilespmem:s15+$0x10030];
	v15 =	vcvt.s32.f32 v8;
	v12 =	vand.u32 v24, v3;
	v52 =	vcvt.s32.f32 v3  }
0xab: {  	v58 =	vld [tilespmem:s15+$0xC050];
	v53 =	vcvt.s32.f32 v11;
	v18 =	vand.u32 v17, v8;
	v46 =	vcvt.s32.f32 v31  }
0xac: {  	v48 =	vld [tilespmem:s15+$0x14090];
	v19 =	vand.u32 v19, v11;
	v2 =	vcvt.s32.f32 v10;
	v9 =	vcvt.s32.f32 v13  }
0xad: {  	v29 =	vld [tilespmem:s15+$0x14030];
	v37 =	vand.u32 v47, v31;
	v54 =	vcvt.s32.f32 v19;
	v55 =	vcvt.s32.f32 v12  }
0xae: {  	v24 =	vld [tilespmem:s15+$0x10020];
	v21 =	vadd.s32 v21, v19;
	v19 =	vcvt.s32.f32 v18;
	v61 =	vcvt.s32.f32 v37  }
0xaf: {  	v17 =	vld [tilespmem:s15+$0x14020];
	v33 =	vadd.s32 v51, v11;
	v6 =	vmul.f32 v6, v49;
	v11 =	vmul.f32 v28, v22  }
0xb0: {  	v39 =	vld [tilespmem:s15+$0x14000];
	v38 =	vmul.f32 v53, v16;
	v36 =	vmul.f32 v46, v58  }
0xb1: {  	v56 =	vld [tilespmem:s15+$0x10000];
	v9 =	vmul.f32 v9, v49;
	v2 =	vmul.f32 v2, v22  }
0xb2: {  	v20 =	vld [tilespmem:s15+$0x10070];
	v40 =	vmul.f32 v54, v16;
	v19 =	vmul.f32 v19, v7  }
0xb3: {  	v47 =	vld [tilespmem:s15+$0x10090];
	v43 =	vmul.f32 v61, v58;
	v58 =	vcvt.s32.f32 v48  }
0xb4: {  	v28 =	vld [tilespmem:s15+$0x14070];
	v22 =	vand.u32 v5, v29;
	v5 =	vmul.f32 v55, v30;
	v24 =	vand.u32 v24, v17  }
0xb5: {  	v25 =	vld [tilespmem:s15+$0xC030];
	v45 =	vcvt.s32.f32 v29;
	v16 =	vadd.f32 v40, v23;
	v23 =	vadd.s32 v29, v33  }
0xb6: {  	v59 =	vld [tilespmem:s15+$0x100B0];
	v29 =	vand.u32 v56, v39;
	v42 =	vcvt.s32.f32 v17;
	v57 =	vcvt.s32.f32 v22  }
0xb7: {  	v53 =	vld [tilespmem:s15+$0xC0B0];
	v21 =	vadd.s32 v22, v21;
	v22 =	vadd.s32 v14, v39;
	v14 =	vmul.f32 v52, v30  }
0xb8: {  	v51 =	vld [tilespmem:s15+$0x100D0];
	v63 =	vand.u32 v47, v48;
	v62 =	vcvt.s32.f32 v24;
	v49 =	vcvt.s32.f32 v29  }
0xb9: {  	v40 =	vld [tilespmem:s15+$0xC070];
	v26 =	vadd.s32 v26, v29;
	v20 =	vand.u32 v20, v28;
	v21 =	vadd.s32 v37, v21  }
0xba: {  	v30 =	vld [tilespmem:s15+$0xC020];
	v26 =	vadd.s32 v24, v26;
	v41 =	vmul.f32 v57, v25;
	v25 =	vmul.f32 v45, v25  }
0xbb: {  	v56 =	vld [tilespmem:s15+$0xC090];
	v57 =	vcvt.s32.f32 v20;
	v52 =	vadd.s32 v20, v21;
	v20 =	vadd.f32 v38, v27  }
0xbc: {  	v33 =	vld [tilespmem:s15+$0x100F0];
	v27 =	vcvt.s32.f32 v39;
	v38 =	vmul.f32 v35, v53;
	v61 =	vadd.s32 v63, v52  }
0xbd: {  	v60 =	vadd.f32 v41, v16;
	v16 =	vadd.s32 v31, v23;
	v23 =	vcvt.s32.f32 v28;
	v41 =	vld [tilespmem:s15+$0xC000]  }
0xbe: {  	v31 =	vand.u32 v59, v0;
	v37 =	vmul.f32 v57, v40;
	v45 =	vadd.s32 v28, v16;
	v28 =	vld [tilespmem:s15+$0x100E0]  }
0xbf: {  	v25 =	vadd.f32 v25, v20;
	v46 =	vcvt.s32.f32 v31;
	v16 =	vld [tilespmem:s15+$0x140E0];
	v50 =	vmul.f32 v62, v30  }
0xc0: {  	v20 =	vld [tilespmem:s15+$0xC0E0];
	v42 =	vmul.f32 v42, v30;
	v24 =	vmul.f32 v23, v40;
	v59 =	vadd.f32 v43, v60  }
0xc1: {  	v60 =	vcvt.s32.f32 v63;
	v23 =	vld [tilespmem:s15+$0x140D0];
	v30 =	vadd.f32 v36, v25;
	v25 =	vadd.s32 v31, v61  }
0xc2: {  	v29 =	vld [tilespmem:s15+$0x100C0];
	v40 =	vmul.f32 v58, v56;
	v36 =	vadd.s32 v48, v45;
	v49 =	vmul.f32 v49, v41  }
0xc3: {  	v31 =	vld [tilespmem:s15+$0xC0C0];
	v39 =	vadd.f32 v37, v59;
	v37 =	vadd.f32 v24, v30;
	v41 =	vmul.f32 v27, v41  }
0xc4: {  	v30 =	vld [tilespmem:s15+$0x140C0];
	v21 =	vand.u32 v28, v16;
	v62 =	vcvt.s32.f32 v16;
	v63 =	vadd.f32 v49, v34  }
0xc5: {  	v27 =	vld [tilespmem:s15+$0xC0F0];
	v28 =	vmul.f32 v60, v56;
	v43 =	vadd.f32 v41, v32;
	v34 =	vmul.f32 v46, v53  }
0xc6: {  	s16 =	simm.s32 $0x400;
	v35 =	vand.u32 v51, v23;
	v32 =	vld [tilespmem:s15+$0x140F0];
	v24 =	vmul.f32 v62, v20;
	v41 =	vadd.f32 v50, v63  }
.LBB2_4:
0xc7: {  	p0 =	sne.s32 s16, $0xFC00;
	v7 =	vmul.f32 v15, v7;
	v15 =	vadd.s32 v18, v26;
	v18 =	vld [tilespmem:s15+$0xC0D0];
	s15 =	sshra.s32 s16, $0x2;
	s16 =	sadd.s32 $0x400, s16;
	v44 =	vcvt.s32.f32 v23  }
0xc8: {  	v42 =	vadd.f32 v42, v43;
	v17 =	vadd.s32 v17, v22;
	v26 =	vld [tilespmem:s15+$0xC0A0];
	v13 =	vadd.s32 v13, v15  }
0xc9: {  	v8 =	vadd.s32 v8, v17;
	v15 =	vld [tilespmem:s15+$0x140B0];
	v10 =	vadd.s32 v10, v13;
	v13 =	vcvt.s32.f32 v35  }
0xca: {  	v4 =	vadd.s32 v4, v8;
	v8 =	vadd.f32 v28, v39;
	v22 =	vld [tilespmem:s15+$0xC080];
	v10 =	vadd.s32 v12, v10  }
0xcb: {  	v7 =	vadd.f32 v7, v42;
	v12 =	vadd.f32 v19, v41;
	v17 =	vand.u32 v29, v30;
	v28 =	vld [tilespmem:s15+$0x14050]  }
0xcc: {  	v1 =	vadd.s32 v1, v4;
	v4 =	vadd.f32 v40, v37;
	v19 =	vand.u32 v33, v32;
	v29 =	vld [tilespmem:s15+$0x10070]  }
0xcd: {  	v6 =	vadd.f32 v6, v7;
	v7 =	vcvt.s32.f32 v17;
	v37 =	vcvt.s32.f32 v19;
	v33 =	vld [tilespmem:s15+$0x10050]  }
0xce: {  	v10 =	vadd.s32 v17, v10;
	v38 =	vadd.f32 v38, v4;
	v17 =	vmul.f32 v44, v18;
	v39 =	vld [tilespmem:s15+$0xC060]  }
0xcf: {  	v9 =	vadd.f32 v9, v12;
	v12 =	vmul.f32 v13, v18;
	v13 =	vcvt.s32.f32 v32;
	v40 =	vld [tilespmem:s15+$0x140A0]  }
0xd0: {  	v8 =	vadd.f32 v34, v8;
	v18 =	vadd.s32 v0, v36;
	v17 =	vadd.f32 v17, v38;
	v0 =	vmovc v15;
	v4 =	vld [tilespmem:s15+$0x14060]  }
0xd1: {  	v34 =	vadd.s32 v35, v25;
	v6 =	vadd.f32 v11, v6;
	v11 =	vmul.f32 v7, v31;
	v15 =	vld [tilespmem:s15+$0x10060]  }
0xd2: {  	v7 =	vcvt.s32.f32 v30;
	v18 =	vadd.s32 v23, v18;
	v13 =	vmul.f32 v13, v27;
	v35 =	vld [tilespmem:s15+$0x10080]  }
0xd3: {  	v36 =	vadd.s32 v32, v18;
	v6 =	vadd.f32 v14, v6;
	v14 =	vadd.s32 v3, v1;
	v25 =	vld [tilespmem:s15+$0xC020]  }
0xd4: {  	v2 =	vadd.f32 v2, v9;
	v9 =	vmul.f32 v7, v31;
	v23 =	vadd.f32 v13, v17;
	v18 =	vld [tilespmem:s15+$0x100A0];
	v3 =	vmovc v40  }
0xd5: {  	v13 =	vadd.s32 v30, v14;
	v30 =	vadd.s32 v21, v10;
	v10 =	vmul.f32 v37, v27;
	v1 =	vld [tilespmem:s15+$0x14080]  }
0xd6: {  	v8 =	vadd.f32 v12, v8;
	v6 =	vadd.f32 v9, v6;
	v14 =	vadd.s32 v16, v13;
	v7 =	vld [tilespmem:s15+$0xC040]  }
0xd7: {  	v19 =	vadd.s32 v19, v34;
	v2 =	vadd.f32 v5, v2;
	v5 =	vcvt.s32.f32 v21;
	v16 =	vld [tilespmem:s15+$0xC010]  }
0xd8: {  	v21 =	vadd.f32 v10, v8;
	v24 =	vadd.f32 v24, v6;
	v9 =	vld [tilespmem:s15+$0x10040]  }
0xd9: {  	v2 =	vadd.f32 v11, v2;
	v5 =	vmul.f32 v5, v20;
	v6 =	vcvt.s32.f32 v4;
	v27 =	vld [tilespmem:s15+$0xC030]  }
0xda: {  	v8 =	vld [tilespmem:s15+$0x14040];
	v10 =	vand.u32 v35, v1;
	v11 =	vcvt.s32.f32 v1  }
0xdb: {  	v31 =	vadd.f32 v5, v2;
	v6 =	vmul.f32 v6, v39;
	v17 =	vld [tilespmem:s15+$0x14010]  }
0xdc: {  	v5 =	vcvt.s32.f32 v10;
	v2 =	vld [tilespmem:s15+$0x10010]  }
0xdd: {  	v13 =	vand.u32 v15, v4;
	v20 =	vld [tilespmem:s15+$0x10030]  }
0xde: {  	v32 =	vcvt.s32.f32 v0;
	v35 =	vcvt.s32.f32 v13;
	v34 =	vld [tilespmem:s15+$0x10020]  }
0xdf: {  	v38 =	vcvt.s32.f32 v3;
	v12 =	vand.u32 v18, v3;
	v37 =	vld [tilespmem:s15+$0x14030];
	v15 =	vcvt.s32.f32 v8  }
0xe0: {  	v18 =	vand.u32 v9, v8;
	v9 =	vmul.f32 v35, v39;
	v40 =	vld [tilespmem:s15+$0x10000];
	v41 =	vcvt.s32.f32 v17  }
0xe1: {  	v36 =	vadd.s32 v36, v17;
	v35 =	vand.u32 v2, v17;
	v17 =	vld [tilespmem:s15+$0x14020];
	v2 =	vmul.f32 v5, v22  }
0xe2: {  	v39 =	vld [tilespmem:s15+$0x14000];
	v5 =	vcvt.s32.f32 v35;
	v35 =	vadd.s32 v19, v35;
	v19 =	vcvt.s32.f32 v12  }
0xe3: {  	v11 =	vmul.f32 v11, v22;
	v42 =	vcvt.s32.f32 v18;
	v43 =	vld [tilespmem:s15+$0x14070]  }
0xe4: {  	v44 =	vmul.f32 v5, v16;
	v20 =	vand.u32 v20, v37;
	v5 =	vmul.f32 v19, v26;
	v45 =	vld [tilespmem:s15+$0x100B0]  }
0xe5: {  	v33 =	vand.u32 v33, v28;
	v19 =	vmul.f32 v42, v7;
	v46 =	vcvt.s32.f32 v20;
	v42 =	vld [tilespmem:s15+$0xC050]  }
0xe6: {  	v47 =	vcvt.s32.f32 v37;
	v20 =	vadd.s32 v20, v35;
	v34 =	vand.u32 v34, v17;
	v35 =	vld [tilespmem:s15+$0x10090]  }
0xe7: {  	v48 =	vcvt.s32.f32 v28;
	v22 =	vadd.s32 v14, v39;
	v46 =	vmul.f32 v46, v27;
	v49 =	vld [tilespmem:s15+$0x14090]  }
0xe8: {  	v41 =	vmul.f32 v41, v16;
	v16 =	vadd.f32 v44, v21;
	v21 =	vadd.s32 v37, v36;
	v36 =	vld [tilespmem:s15+$0xC070]  }
0xe9: {  	v27 =	vmul.f32 v47, v27;
	v14 =	vmul.f32 v38, v26;
	v37 =	vand.u32 v29, v43;
	v44 =	vld [tilespmem:s15+$0x100D0]  }
0xea: {  	v26 =	vand.u32 v40, v39;
	v40 =	vadd.f32 v46, v16;
	v38 =	vld [tilespmem:s15+$0xC000];
	v46 =	vmul.f32 v48, v42  }
0xeb: {  	v16 =	vadd.s32 v28, v21;
	v21 =	vcvt.s32.f32 v43;
	v45 =	vand.u32 v45, v0;
	v47 =	vld [tilespmem:s15+$0xC090]  }
0xec: {  	v20 =	vadd.s32 v33, v20;
	v28 =	vcvt.s32.f32 v33;
	v48 =	vcvt.s32.f32 v17;
	v29 =	vld [tilespmem:s15+$0x100C0]  }
0xed: {  	v33 =	vcvt.s32.f32 v34;
	v50 =	vadd.s32 v43, v16;
	v51 =	vcvt.s32.f32 v45;
	v43 =	vld [tilespmem:s15+$0x100E0]  }
0xee: {  	v52 =	vcvt.s32.f32 v26;
	v28 =	vmul.f32 v28, v42;
	v35 =	vand.u32 v35, v49;
	v16 =	vld [tilespmem:s15+$0x140E0]  }
0xef: {  	v26 =	vadd.s32 v30, v26;
	v30 =	vmul.f32 v33, v25;
	v42 =	vcvt.s32.f32 v37;
	v33 =	vld [tilespmem:s15+$0x100F0]  }
0xf0: {  	v26 =	vadd.s32 v34, v26;
	v37 =	vadd.s32 v37, v20;
	v34 =	vmul.f32 v21, v36  }
0xf1: {  	v20 =	vadd.f32 v41, v23;
	v53 =	vcvt.s32.f32 v49;
	v52 =	vmul.f32 v52, v38;
	v23 =	vld [tilespmem:s15+$0x140D0]  }
0xf2: {  	v39 =	vcvt.s32.f32 v39;
	v40 =	vadd.f32 v28, v40;
	v28 =	vcvt.s32.f32 v35;
	v54 =	vld [tilespmem:s15+$0xC0B0]  }
0xf3: {  	v27 =	vadd.f32 v27, v20;
	v36 =	vmul.f32 v42, v36;
	v20 =	vld [tilespmem:s15+$0xC0E0];
	v21 =	vand.u32 v43, v16  }
0xf4: {  	v35 =	vadd.s32 v35, v37;
	v28 =	vmul.f32 v28, v47;
	v55 =	vcvt.s32.f32 v16  }
.Ltmp1:
0xf5: {  	v42 =	vmul.f32 v48, v25;
	v37 =	vmul.f32 v39, v38;
	v38 =	vadd.f32 v46, v27;
	(pc) =	sbr.rel @p0 .LBB2_4-.Ltmp1, $4  }
0xf6: {  	v25 =	vadd.s32 v45, v35;
	v39 =	vadd.f32 v36, v40;
	v41 =	vadd.f32 v52, v31;
	v27 =	vld [tilespmem:s15+$0xC0F0]  }
0xf7: {  	v43 =	vadd.f32 v37, v24;
	v37 =	vadd.f32 v34, v38;
	v34 =	vmul.f32 v51, v54;
	v31 =	vld [tilespmem:s15+$0xC0C0]  }
0xf8: {  	v40 =	vmul.f32 v53, v47;
	v41 =	vadd.f32 v30, v41;
	v30 =	vld [tilespmem:s15+$0x140C0];
	v24 =	vmul.f32 v55, v20  }
0xf9: {  	v36 =	vadd.s32 v49, v50;
	v35 =	vand.u32 v44, v23;
	v38 =	vmul.f32 v32, v54;
	v32 =	vld [tilespmem:s15+$0x140F0]  }
0xfa: {  	v7 =	vmul.f32 v15, v7;
	v15 =	vadd.s32 v18, v26  }
0xfb: {  	v18 =	vcvt.s32.f32 v23;
	v17 =	vadd.s32 v17, v22;
	v0 =	vadd.s32 v0, v36  }
0xfc: {  	v13 =	vadd.s32 v13, v15;
	v15 =	vadd.f32 v42, v43;
	v8 =	vadd.s32 v8, v17  }
0xfd: {  	v17 =	vcvt.s32.f32 v35;
	v0 =	vadd.s32 v23, v0;
	v10 =	vadd.s32 v10, v13  }
0xfe: {  	v4 =	vadd.s32 v4, v8;
	v8 =	vadd.f32 v28, v39;
	v10 =	vadd.s32 v12, v10  }
0xff: {  	v13 =	vld [tilespmem:s15+$0xC0D0];
	v7 =	vadd.f32 v7, v15;
	v12 =	vadd.f32 v19, v41;
	v15 =	vand.u32 v29, v30  }
0x100: {  	v1 =	vadd.s32 v1, v4;
	v4 =	vadd.f32 v40, v37;
	v22 =	vand.u32 v33, v32  }
0x101: {  	v10 =	vadd.s32 v15, v10;
	v8 =	vadd.f32 v34, v8;
	v1 =	vadd.s32 v3, v1  }
0x102: {  	v3 =	vcvt.s32.f32 v21;
	v6 =	vadd.f32 v6, v7;
	v7 =	vcvt.s32.f32 v15  }
0x103: {  	v26 =	vcvt.s32.f32 v22;
	v4 =	vadd.f32 v38, v4;
	v9 =	vadd.f32 v9, v12  }
0x104: {  	v1 =	vadd.s32 v30, v1;
	v3 =	vmul.f32 v3, v20;
	v15 =	vmul.f32 v18, v13  }
0x105: {  	v12 =	vmul.f32 v17, v13;
	v13 =	vcvt.s32.f32 v32;
	v2 =	vadd.f32 v2, v9  }
0x106: {  	s14 =	sadd.s32 $0x1, s14;
	v6 =	vadd.f32 v11, v6;
	v4 =	vadd.f32 v15, v4;
	v15 =	vcvt.s32.f32 v30  }
0x107: {  	p0 =	sne.s32 s14, $0x4;
	v7 =	vmul.f32 v7, v31;
	v13 =	vmul.f32 v13, v27;
	v2 =	vadd.f32 v5, v2  }
.Ltmp2:
0x108: {  	v11 =	vadd.s32 v35, v25;
	v6 =	vadd.f32 v14, v6;
	v63 =	vmul.f32 v15, v31;
	(pc) =	sbr.rel @p0 .LBB2_1-.Ltmp2, $4  }
0x109: {  	v9 =	vadd.s32 v32, v0;
	v19 =	vadd.f32 v13, v4;
	v2 =	vadd.f32 v7, v2  }
0x10a: {  	v4 =	vmul.f32 v26, v27;
	v0 =	vadd.f32 v63, v6;
	v6 =	vadd.f32 v12, v8  }
0x10b: {  	v21 =	vadd.s32 v21, v10;
	v5 =	vadd.s32 v22, v11;
	v25 =	vadd.f32 v3, v2  }
0x10c: {  	v15 =	vadd.s32 v16, v1;
	v23 =	vadd.f32 v24, v0;
	v14 =	vadd.f32 v4, v6  }
0x10d: {  	_ = 	snop  }
0x10e: {  	v0 =	vadd.f32 v19, v23  }
0x10f: {  	v2 =	vadd.s32 v15, v9;
	v1 =	vadd.f32 v14, v25  }
0x110: {  	v3 =	vadd.s32 v21, v5;
	v2 =	vcvt.s32.f32 v2;
	[tilespmem:$0x18000] =	vst v0  }
0x111: {  	v63 =	vcvt.s32.f32 v3;
	[tilespmem:$0x18010] =	vst v1  }
0x112: {  	s3 =	sshll.u32 s1, $0x4;
	s30 =	simm.s32 $0x0;
	[tilespmem:$0x18020] =	vst v2  }
0x113: {  	s4 =	simm.s32 $0x18000;
	s31 =	simm.s32 $0x3;
	s2 =	sadd.s32 s2, s3;
	[tilespmem:$0x18030] =	vst v63  }
0x114: {  	[hbm4b:s2+s30] =	stream.linear.scatter [tilespmem:s4], [sflag:$0x3], $0x80, $0x38;
	[tilespmem:$0x18080] =	vst v63  }
0x115: {  	_ =	swait.ge [sflag:s31], $0x80  }
0x116: {  	[sflag:s31] =	ssyncset.done $0x0  }
0x117: {  	[sflag:s31] =	ssyncadd.s32 $0xFFFFFF80  }
0x118: {  	_ =	sfence.sel $0x180000  }
0x119: {  	[bflag:$0x0] =	sbarrier.arrive $0xFFFF  }
0x11a: {  	p0 =	sne.s32 s1, $0x0;
	_ =	strace $0x9000004A  }
0x11b: {  	s0 =	sadd.s32 @!p0 $0x100000, s0;
	[bflag:$0x2] =	sbarrier.arrive $0xFFFF  }
0x11c: {  	[sflag:s0] =	ssyncadd.tile.s32 @!p0 $0x1;
	_ =	shalt  }
.Lfunc_end2:
_tile_overlayer_lowered:
.L_overlay_start_2:
0x11d: {  	(tag) =	ssettag $0x2  }
0x11e: {  	s0 =	rddreg [dreg:$0x0];
	s2 =	stileid.u32  }
0x11f: {  	s1 =	rddreg [dreg:$0x1];
	p0 =	sne.s32 s2, $0x0  }
0x120: {  	s3 =	rddreg [dreg:$0x2];
	[bflag:$0x3] =	sbarrier.arrive $0xFFFF;
	s2 =	simm.s32 @!p0 $0x1C03  }
0x121: {  	[timem:s3], [sflag:s2] =	dma.local @!p0 [hbm:s0], s1  }
0x122: {  	s0 =	simm.s32 @!p0 $0x3  }
0x123: {  	_ =	swait.ge @!p0 [sflag:s0], s1  }
0x124: {  	s1 =	ssub.s32 @!p0 $0x0, s1;
	[sflag:s0] =	ssyncset.done @!p0 $0x0  }
0x125: {  	[sflag:s0] =	ssyncadd.s32 @!p0 s1  }
0x126: {  	[bflag:$0x3] =	sbarrier.arrive $0xFFFF  }
0x127: {  	_ =	shalt  }

// kernel: kernel.7.cloned.1.call-start
scs
__scs_entry_jumppad:
0x0: {  	(pc) =	sbr.rel $0x88, $3  }
0x1: {  	(tag) =	ssettag $0x0;
	lr =	simm.s32 $0x1  }
0x2: {  	[smem:$0x3F9E] =	sst lr;
	_ =	strace $0xD0000000  }
0x3: {  	_ = 	snop  }
0x4: {  	_ = 	snop  }
0x5: {  	_ = 	snop  }
0x6: {  	_ = 	snop  }
0x7: {  	_ = 	snop  }
__scs_overlays_trampoline_lowered:
0x8: {  	[smem:$0x3FAD] =	sst s0  }
0x9: {  	[smem:$0x3FAE] =	sst s1  }
0xa: {  	[smem:$0x3FAF] =	sst s2  }
0xb: {  	[smem:$0x3FB0] =	sst s3  }
0xc: {  	[smem:$0x3FB1] =	sst s4  }
0xd: {  	[smem:$0x3FB2] =	sst s5  }
0xe: {  	[smem:$0x3FB3] =	sst s6  }
0xf: {  	[smem:$0x3FB4] =	sst s7  }
0x10: {  	[smem:$0x3FB5] =	sst s8  }
0x11: {  	[smem:$0x3FB6] =	sst s9;
	s0 =	simm.s32 @!p0 $0x0  }
0x12: {  	s1 =	sld [smem:$0x3F9C];
	s0 =	simm.s32 @p0 $0x1  }
0x13: {  	[smem:$0x3FB7] =	sst s0;
	s0 =	simm.s32 @!p1 $0x0  }
0x14: {  	s2 =	sld [smem:$0x3F9B];
	s0 =	simm.s32 @p1 $0x1  }
0x15: {  	[smem:$0x3FB8] =	sst s0;
	s0 =	simm.s32 @!p2 $0x0  }
0x16: {  	s3 =	sld [smem:$0x3FDB];
	s0 =	simm.s32 @p2 $0x1  }
0x17: {  	s4 =	simm.s32 $0x1BF5;
	[smem:$0x3FBA] =	sst s0  }
0x18: {  	s0 =	sld [smem:$0x3F9D];
	_ =	swait.ge [sflag:s4], $0x0  }
0x19: {  	s7 =	sld [smem:$0x3F9E]  }
0x1a: {  	s8 =	sadd.s32 $0xFFFFE003, lr  }
0x1b: {  	s9 =	sadd.s32 $0xFFFFFEF7, lr;
	s5 =	simm.s32 $0xFFFFFFFF;
	p2 =	slt.u32 s8, $0xFFFFF086  }
0x1c: {  	p1 =	slt.u32 s9, $0xF7A;
	s5 =	simm.s32 @!p2 $0x0  }
0x1d: {  	s5 =	simm.s32 @p1 $0x1;
	p0 =	seq.s32 s7, s2  }
0x1e: {  	s7 =	smul.u32 @!p0 $0xF7A, s2;
	p2 =	seq.s32 @!p0 s5, $0x0  }
0x1f: {  	s9 =	smul.u32 $0xF7A, s1;
	s8 =	simm.s32 @!p0 $0x1BF5;
	p2 =	por !p2, p0  }
0x20: {  	[sflag:s8] =	ssyncset.s32 @!p0 $0xFFFFF086;
	s6 =	sadd.s32 @!p0 s3, s7;
	s7 =	simm.s32 @!p0 $0x108  }
0x21: {  	s3 =	sadd.s32 s3, s9;
	s6 =	sadd.s32 @!p0 $0x88, s6;
	s7 =	simm.s32 @p2 $0x1082  }
0x22: {  	[simem:s7], [sflag:s8] =	dma.local @!p0 [hbm:s6], $0xF7A  }
0x23: {  	s9 =	sor.u32 $0xD0000000, s2;
	s6 =	simm.s32 $0x108;
	_ =	swait.ge @!p0 [sflag:s8], $0x0  }
0x24: {  	s3 =	sadd.s32 $0x88, s3;
	s6 =	simm.s32 @!p1 $0x1082;
	[sflag:s4] =	ssyncset.s32 $0xFFFFF086  }
0x25: {  	[simem:s6], [sflag:s4] =	dma.local [hbm:s3], $0xF7A  }
0x26: {  	[smem:$0x3F9E] =	sst s1;
	(tag) =	ssettag s2;
	_ =	strace s9  }
0x27: {  	s1 =	sld [smem:$0x3FAE]  }
0x28: {  	s2 =	sld [smem:$0x3FAF]  }
0x29: {  	s4 =	sld [smem:$0x3FB1]  }
0x2a: {  	p0 =	seq.s32 s5, $0x0;
	s5 =	sld [smem:$0x3FB2]  }
0x2b: {  	s6 =	sld [smem:$0x3FB3]  }
0x2c: {  	s7 =	sld [smem:$0x3FB4]  }
0x2d: {  	s3 =	simm.s32 $0x108;
	s8 =	sld [smem:$0x3FB5]  }
0x2e: {  	s3 =	simm.s32 @!p0 $0x1082;
	s9 =	sld [smem:$0x3FB6]  }
0x2f: {  	lr =	sadd.s32 s0, s3;
	s0 =	sld [smem:$0x3FAD]  }
0x30: {  	s3 =	sld [smem:$0x3FB0]  }
0x31: {  	[smem:$0x3FB9] =	sst s10  }
0x32: {  	s10 =	sld [smem:$0x3FB7];
	_ =	sdelay $0x3  }
0x33: {  	p0 =	seq.s32 s10, $0x1;
	s10 =	sld [smem:$0x3FB9];
	_ =	sdelay $0x3  }
0x34: {  	[smem:$0x3FB9] =	sst s10  }
0x35: {  	s10 =	sld [smem:$0x3FB8];
	_ =	sdelay $0x3  }
0x36: {  	p1 =	seq.s32 s10, $0x1;
	s10 =	sld [smem:$0x3FB9];
	_ =	sdelay $0x3  }
0x37: {  	[smem:$0x3FB9] =	sst s10  }
0x38: {  	s10 =	sld [smem:$0x3FBA]  }
0x39: {  	_ = 	snop;
	(pc) =	sbr.ind lr, $3  }
0x3a: {  	_ = 	snop  }
0x3b: {  	_ = 	snop  }
0x3c: {  	p2 =	seq.s32 s10, $0x1;
	s10 =	sld [smem:$0x3FB9]  }
0x3d: {  	_ =	shalt  }
0x3e: {  	_ =	shalt  }
0x3f: {  	_ =	shalt  }
0x40: {  	_ =	shalt  }
0x41: {  	_ =	shalt  }
0x42: {  	_ =	shalt  }
0x43: {  	_ =	shalt  }
0x44: {  	_ =	shalt  }
0x45: {  	_ =	shalt  }
0x46: {  	_ =	shalt  }
0x47: {  	_ =	shalt  }
0x48: {  	_ =	shalt  }
0x49: {  	_ =	shalt  }
0x4a: {  	_ =	shalt  }
0x4b: {  	_ =	shalt  }
0x4c: {  	_ =	shalt  }
0x4d: {  	_ =	shalt  }
0x4e: {  	_ =	shalt  }
0x4f: {  	_ =	shalt  }
0x50: {  	_ =	shalt  }
0x51: {  	_ =	shalt  }
0x52: {  	_ =	shalt  }
0x53: {  	_ =	shalt  }
0x54: {  	_ =	shalt  }
0x55: {  	_ =	shalt  }
0x56: {  	_ =	shalt  }
0x57: {  	_ =	shalt  }
0x58: {  	_ =	shalt  }
0x59: {  	_ =	shalt  }
0x5a: {  	_ =	shalt  }
0x5b: {  	_ =	shalt  }
0x5c: {  	_ =	shalt  }
0x5d: {  	_ =	shalt  }
0x5e: {  	_ =	shalt  }
0x5f: {  	_ =	shalt  }
0x60: {  	_ =	shalt  }
0x61: {  	_ =	shalt  }
0x62: {  	_ =	shalt  }
0x63: {  	_ =	shalt  }
0x64: {  	_ =	shalt  }
0x65: {  	_ =	shalt  }
0x66: {  	_ =	shalt  }
0x67: {  	_ =	shalt  }
0x68: {  	_ =	shalt  }
0x69: {  	_ =	shalt  }
0x6a: {  	_ =	shalt  }
0x6b: {  	_ =	shalt  }
0x6c: {  	_ =	shalt  }
0x6d: {  	_ =	shalt  }
0x6e: {  	_ =	shalt  }
0x6f: {  	_ =	shalt  }
0x70: {  	_ =	shalt  }
0x71: {  	_ =	shalt  }
0x72: {  	_ =	shalt  }
0x73: {  	_ =	shalt  }
0x74: {  	_ =	shalt  }
0x75: {  	_ =	shalt  }
0x76: {  	_ =	shalt  }
0x77: {  	_ =	shalt  }
0x78: {  	_ =	shalt  }
0x79: {  	_ =	shalt  }
0x7a: {  	_ =	shalt  }
0x7b: {  	_ =	shalt  }
0x7c: {  	_ =	shalt  }
0x7d: {  	_ =	shalt  }
0x7e: {  	_ =	shalt  }
0x7f: {  	_ =	shalt  }
0x80: {  	_ =	shalt  }
0x81: {  	_ =	shalt  }
0x82: {  	_ =	shalt  }
0x83: {  	_ =	shalt  }
0x84: {  	_ =	shalt  }
0x85: {  	_ =	shalt  }
0x86: {  	_ =	shalt  }
0x87: {  	_ =	shalt  }
.Lfunc_end0:
.L_simem_size_0:
called_computation.1_lowered:
.L_overlay_start_0:
0x88: {  	s0 =	sld [smem:$0x3FD9]  }
0x89: {  	s1 =	sld [smem:$0x3FFE];
	_ =	sdelay $0x3  }
0x8a: {  	s0 =	sadd.s32 s1, s0  }
0x8b: {  	[smem:$0x3FC5] =	sst s0  }
0x8c: {  	_ = 	snop  }
0x8d: {  	s0 =	sld [smem:$0x3FC9]  }
0x8e: {  	s16 =	sld [smem:$0x3FC8]  }
0x8f: {  	s2 =	sld [smem:$0x3FC7];
	(tm) =	ssettm $0x1  }
0x90: {  	s3 =	sld [smem:$0x3FFB];
	_ =	sdelay $0x3  }
0x91: {  	_ =	strace s3  }
0x92: {  	s3 =	sld [smem:$0x3FFC];
	_ =	sdelay $0x3  }
0x93: {  	_ =	strace s3  }
0x94: {  	s3 =	sld [smem:$0x3FFD];
	_ =	sdelay $0x3  }
0x95: {  	_ =	strace s3  }
0x96: {  	_ =	strace $0x8FFFFFFF  }
0x97: {  	s17 =	sld [smem:$0x3FDB];
	_ =	sdelay $0x1  }
0x98: {  	s4 =	simm.s32 $_scs_section_size  }
0x99: {  	s5 =	simm.s32 $_size__tile_overlayer_lowered;
	s6 =	simm.s32 $_tile_overlayer_lowered  }
0x9a: {  	s20 =	simm.s32 $0x1BFF;
	s19 =	sshll.u32 s6, $0x1;
	s3 =	sadd.s32 s4, s17  }
0x9b: {  	s7 =	simm.s32 $0x0;
	s18 =	sshll.u32 s5, $0x1;
	s5 =	sadd.s32 s19, s3  }
0x9c: {  	[timem:s7], [sflag:s20] =	dma.local [hbm:s5], s18  }
0x9d: {  	_ =	swait.ge [sflag:s20], s18  }
0x9e: {  	s4 =	ssub.s32 $0x0, s18;
	[sflag:s20] =	ssyncset.done $0x0  }
0x9f: {  	[sflag:s20] =	ssyncadd.s32 s4;
	_ =	sdelay $0x1  }
0xa0: {  	s21 =	simm.s32 $0x1B8B  }
0xa1: {  	_ =	swait.ge [sflag:s21], $0x1  }
0xa2: {  	[sflag:s21] =	ssyncset.done $0x0  }
0xa3: {  	s23 =	simm.s32 $0x1B8E;
	s22 =	sld [smem:$0x3FFE];
	[sflag:s21] =	ssyncadd.s32 $0xFFFFFFFF  }
0xa4: {  	s24 =	simm.s32 $execute0_lowered;
	[smem:$0x3FD2] =	sst s23  }
0xa5: {  	s5 =	sshll.u32 s24, $0x1;
	_ =	strace $0x80000046;
	[dreg:$0x1] =	wrdreg $0xFFFFFFFF  }
0xa6: {  	s25 =	simm.s32 $_size_execute0_lowered;
	s3 =	sadd.s32 s3, s5;
	[dreg:$0x0] =	wrdreg $0x0  }
0xa7: {  	s5 =	sshll.u32 s25, $0x1;
	[dreg:$0x2] =	wrdreg s3  }
0xa8: {  	[dreg:$0x3] =	wrdreg s5  }
0xa9: {  	[dreg:$0x4] =	wrdreg $0xC0  }
0xaa: {  	_ =	task [dreg:s7], $0x5FFFF  }
0xab: {  	[dreg:$0x1] =	wrdreg $0xFFFFFFFF  }
0xac: {  	[dreg:$0x0] =	wrdreg $0x60  }
0xad: {  	[dreg:$0x2] =	wrdreg s0  }
0xae: {  	[dreg:$0x3] =	wrdreg s16  }
0xaf: {  	[dreg:$0x4] =	wrdreg s2  }
0xb0: {  	[dreg:$0x5] =	wrdreg s22  }
0xb1: {  	[dreg:$0x6] =	wrdreg $0xA  }
0xb2: {  	_ =	task.clear_ibuf [dreg:s7], $0x7FFFF;
	_ =	strace $0x90000046  }
0xb3: {  	s26 =	simm.s32 $0xA;
	_ =	strace $0x80000048  }
0xb4: {  	_ =	swait.ge [sflag:s26], $0x1  }
0xb5: {  	[sflag:s26] =	ssyncadd.s32 $0xFFFFFFFF  }
0xb6: {  	_ =	strace $0x90000048  }
0xb7: {  	_ =	sfence  }
0xb8: {  	s28 =	sld [smem:$0x0];
	_ =	sdelay $0x1  }
0xb9: {  	s29 =	srdreg.scid  }
0xba: {  	s30 =	sshll.u32 s29, $0xD;
	s31 =	sshrl.u32 s29, $0x2  }
0xbb: {  	s1 =	sand.u32 $0x1, s29;
	s2 =	sand.u32 $0x4000, s30;
	s0 =	sadd.s32 s31, s28  }
0xbc: {  	s1 =	sor.u32 s2, s1;
	s0 =	sshll.u32 s0, $0x11  }
0xbd: {  	s0 =	sor.u32 s0, s1  }
0xbe: {  	s0 =	sadd.s32 $0x8F2B, s0  }
0xbf: {  	[sflag:s0] =	ssyncadd.remote.s32 $0x1  }
0xc0: {  	_ =	sfence.sel $0xFFFF  }
0xc1: {  	[dreg:$0x0] =	wrdreg $0xFFFFFFFF;
	(pc) =	sbr.abs _section_cstart, $3  }
0xc2: {  	[dreg:$0x1] =	wrdreg $0xFFFFFFFF  }
0xc3: {  	_ =	task.clear_ibuf [dreg:s7], $0x2FFFF;
	_ =	strace $0x9FFFFFFF  }
0xc4: {  	(tm) =	ssettm $0x7FFFFFFF  }
0xc5: {  	_ =	shalt  }
tec
execute0_lowered:
.L_overlay_start_1:
0x0: {  	(tag) =	ssettag $0x1  }
0x1: {  	s3 =	rddreg [dreg:$0x0]  }
0x2: {  	s4 =	rddreg [dreg:$0x1]  }
0x3: {  	s5 =	rddreg [dreg:$0x2]  }
0x4: {  	s2 =	rddreg [dreg:$0x3]  }
0x5: {  	s1 =	stileid.u32;
	s0 =	rddreg [dreg:$0x4]  }
0x6: {  	s6 =	simm.s32 $0x0;
	s10 =	simm.s32 $0x4000;
	s31 =	simm.s32 $0x8000  }
0x7: {  	s11 =	simm.s32 $0x14000;
	s12 =	simm.s32 $0x1;
	s7 =	sshll.u32 s1, $0xE  }
0x8: {  	s13 =	simm.s32 $0x2;
	[smem:$0x7FF] =	sst s6;
	s8 =	sor.u32 $0x40000, s7  }
0x9: {  	s14 =	simm.s32 $0x0;
	_ =	strace $0x80000047;
	s7 =	sadd.s32 s3, s8  }
0xa: {  	[tilespmem:s6], [sflag:$0x1] =	stream.linear.gather [hbm4b:s7+s6], $0x4000, $0x38;
	[tilespmem:$0x18080] =	vst v63  }
0xb: {  	s9 =	sadd.s32 s4, s8;
	s30 =	sadd.s32 s5, s8;
	s7 =	sshll.u32 s1, $0x11  }
0xc: {  	v14 =	vimm.f32 $0.0e+00;
	v5 =	vimm.s32 $0x0;
	[tilespmem:s10], [sflag:$0x1] =	stream.linear.gather [hbm4b:s9+s6], $0x4000, $0x38;
	[tilespmem:$0x18080] =	vst v63  }
0xd: {  	v9 =	vimm.s32 $0x0;
	v19 =	vimm.f32 $0.0e+00;
	v21 =	vimm.s32 $0x0;
	s8 =	sor.u32 $0x208000, s7;
	s9 =	simm.s32 $0xC000;
	s10 =	simm.s32 $0x10000  }
0xe: {  	v15 =	vimm.s32 $0x0;
	v25 =	vimm.f32 $0.0e+00;
	v23 =	vimm.f32 $0.0e+00;
	[tilespmem:s31], [sflag:$0x1] =	stream.linear.gather [hbm4b:s30+s6], $0x4000, $0x38;
	[tilespmem:$0x18080] =	vst v63  }
.LBB2_1:
0xf: {  	s15 =	sshll.u32 s14, $0xF  }
0x10: {  	s16 =	sor.u32 s15, s7  }
0x11: {  	s16 =	sshrl.u32 s16, $0x3  }
0x12: {  	s16 =	sor.u32 $0x40800, s16  }
0x13: {  	s17 =	sadd.s32 s3, s16  }
0x14: {  	[tilespmem:s9], [sflag:$0x2] =	stream.linear.gather [hbm4b:s17+s6], $0x4000, $0x38;
	[tilespmem:$0x18080] =	vst v63  }
0x15: {  	s31 =	sadd.s32 s4, s16  }
0x16: {  	[tilespmem:s10], [sflag:$0x2] =	stream.linear.gather [hbm4b:s31+s6], $0x4000, $0x38;
	[tilespmem:$0x18080] =	vst v63  }
0x17: {  	s16 =	sadd.s32 s5, s16  }
0x18: {  	[tilespmem:s11], [sflag:$0x2] =	stream.linear.gather [hbm4b:s16+s6], $0x4000, $0x38;
	[tilespmem:$0x18080] =	vst v63  }
0x19: {  	_ =	swait.ge [sflag:s12], $0x4000  }
0x1a: {  	[sflag:s12] =	ssyncset.done $0x0  }
0x1b: {  	[sflag:s12] =	ssyncadd.s32 $0xFFFFC000  }
0x1c: {  	_ =	swait.ge [sflag:s12], $0x4000  }
0x1d: {  	[sflag:s12] =	ssyncset.done $0x0  }
0x1e: {  	[sflag:s12] =	ssyncadd.s32 $0xFFFFC000  }
0x1f: {  	_ =	swait.ge [sflag:s12], $0x4000  }
0x20: {  	[sflag:s12] =	ssyncset.done $0x0  }
0x21: {  	s16 =	simm.s32 $0x0;
	[sflag:s12] =	ssyncadd.s32 $0xFFFFC000  }
0x22: {  	v24 =	vld [tilespmem:s16+$0xA0]  }
0x23: {  	v2 =	vld [tilespmem:s16+$0x80B0]  }
0x24: {  	v20 =	vld [tilespmem:s16+$0x80]  }
0x25: {  	v26 =	vld [tilespmem:s16+$0x8050]  }
0x26: {  	v27 =	vld [tilespmem:s16+$0x4070]  }
0x27: {  	v22 =	vld [tilespmem:s16+$0x4050]  }
0x28: {  	v6 =	vld [tilespmem:s16+$0x60]  }
0x29: {  	v1 =	vld [tilespmem:s16+$0x80A0]  }
0x2a: {  	v3 =	vld [tilespmem:s16+$0x8060]  }
0x2b: {  	v8 =	vld [tilespmem:s16+$0x4060]  }
0x2c: {  	v7 =	vld [tilespmem:s16+$0x4080]  }
0x2d: {  	v12 =	vld [tilespmem:s16+$0x40A0]  }
0x2e: {  	v4 =	vld [tilespmem:s16+$0x8080]  }
0x2f: {  	v0 =	vld [tilespmem:s16+$0x40]  }
0x30: {  	v17 =	vld [tilespmem:s16+$0x4040]  }
0x31: {  	v10 =	vld [tilespmem:s16+$0x8040]  }
0x32: {  	v29 =	vld [tilespmem:s16+$0x8010]  }
0x33: {  	v30 =	vld [tilespmem:s16+$0x4010]  }
0x34: {  	v36 =	vld [tilespmem:s16+$0x8030]  }
0x35: {  	v34 =	vld [tilespmem:s16+$0x4030];
	v13 =	vcvt.s32.f32 v3  }
0x36: {  	v28 =	vld [tilespmem:s16+$0x10];
	v11 =	vand.u32 v7, v4;
	v32 =	vcvt.s32.f32 v4;
	v35 =	vcvt.s32.f32 v2  }
0x37: {  	v31 =	vld [tilespmem:s16+$0x30];
	v16 =	vcvt.s32.f32 v10;
	v12 =	vand.u32 v12, v1;
	v38 =	vcvt.s32.f32 v1  }
0x38: {  	v37 =	vld [tilespmem:s16+$0x4020];
	v39 =	vcvt.s32.f32 v29;
	v18 =	vand.u32 v17, v10;
	v30 =	vand.u32 v30, v29  }
0x39: {  	v58 =	vld [tilespmem:s16+$0x8070];
	v29 =	vadd.s32 v9, v29;
	v46 =	vcvt.s32.f32 v36;
	v61 =	vcvt.s32.f32 v26  }
0x3a: {  	v60 =	vld [tilespmem:s16+$0x50];
	v34 =	vand.u32 v34, v36;
	v33 =	vcvt.s32.f32 v11;
	v40 =	vcvt.s32.f32 v30  }
0x3b: {  	v62 =	vld [tilespmem:s16+$0x4090];
	v41 =	vcvt.s32.f32 v12;
	v7 =	vmul.f32 v13, v6;
	v13 =	vand.u32 v8, v3  }
0x3c: {  	v17 =	vld [tilespmem:s16+$0x8020];
	v44 =	vand.u32 v22, v26;
	v43 =	vcvt.s32.f32 v18;
	v8 =	vcvt.s32.f32 v13  }
0x3d: {  	v59 =	vcvt.s32.f32 v34;
	v29 =	vadd.s32 v36, v29;
	v36 =	vld [tilespmem:s16+$0x8090];
	v9 =	vmul.f32 v32, v20  }
0x3e: {  	v30 =	vadd.s32 v5, v30;
	v8 =	vmul.f32 v8, v6;
	v6 =	vmul.f32 v33, v20;
	v33 =	vld [tilespmem:s16+$0x8000]  }
0x3f: {  	v42 =	vld [tilespmem:s16+$0x4000];
	v30 =	vadd.s32 v34, v30;
	v39 =	vmul.f32 v39, v28;
	v34 =	vmul.f32 v61, v60  }
0x40: {  	v27 =	vand.u32 v27, v58;
	v40 =	vmul.f32 v40, v28;
	v5 =	vmul.f32 v41, v24  }
0x41: {  	v19 =	vadd.f32 v39, v19;
	v20 =	vmul.f32 v43, v0;
	v37 =	vand.u32 v37, v17  }
0x42: {  	v45 =	vld [tilespmem:s16+$0x40B0];
	v28 =	vadd.f32 v40, v14;
	v14 =	vmul.f32 v38, v24;
	v63 =	vcvt.s32.f32 v17  }
0x43: {  	v56 =	vld [tilespmem:s16+$0x40E0];
	v41 =	vand.u32 v62, v36;
	v22 =	vadd.s32 v15, v33;
	v15 =	vmul.f32 v59, v31  }
0x44: {  	v50 =	vld [tilespmem:s16+$0x90];
	v31 =	vmul.f32 v46, v31;
	v24 =	vand.u32 v42, v33;
	v33 =	vcvt.s32.f32 v33  }
0x45: {  	v38 =	vld [tilespmem:s16+$0x20];
	v49 =	vcvt.s32.f32 v24;
	v21 =	vadd.s32 v21, v24;
	v24 =	vcvt.s32.f32 v27  }
0x46: {  	v52 =	vld [tilespmem:s16+$0x40D0];
	v40 =	vadd.f32 v15, v28;
	v15 =	vadd.s32 v26, v29;
	v26 =	vcvt.s32.f32 v58  }
0x47: {  	v42 =	vld [tilespmem:s16+$0x70];
	v29 =	vand.u32 v45, v2;
	v28 =	vcvt.s32.f32 v44;
	v44 =	vadd.s32 v44, v30  }
0x48: {  	v61 =	vld [tilespmem:s16+$0xB0];
	v30 =	vcvt.s32.f32 v37;
	v62 =	vadd.f32 v31, v19;
	v47 =	vadd.s32 v58, v15  }
0x49: {  	v45 =	vld [tilespmem:s16+$0x0];
	v48 =	vcvt.s32.f32 v29;
	v27 =	vadd.s32 v27, v44;
	v58 =	vcvt.s32.f32 v36  }
0x4a: {  	v32 =	vld [tilespmem:s16+$0x40F0];
	v43 =	vmul.f32 v28, v60;
	v51 =	vmul.f32 v30, v38;
	v30 =	vadd.s32 v37, v21  }
0x4b: {  	v15 =	vld [tilespmem:s16+$0x80E0];
	v60 =	vcvt.s32.f32 v41;
	v27 =	vadd.s32 v41, v27;
	v34 =	vadd.f32 v34, v62  }
0x4c: {  	v19 =	vld [tilespmem:s16+$0xE0];
	v36 =	vadd.s32 v36, v47;
	v26 =	vmul.f32 v26, v42;
	v53 =	vmul.f32 v24, v42  }
0x4d: {  	v24 =	vld [tilespmem:s16+$0x80D0];
	v42 =	vmul.f32 v63, v38;
	v29 =	vadd.s32 v29, v27;
	v38 =	vmul.f32 v35, v61  }
0x4e: {  	v28 =	vld [tilespmem:s16+$0x40C0];
	v59 =	vadd.f32 v43, v40;
	v31 =	vmul.f32 v60, v50;
	v57 =	vmul.f32 v49, v45  }
0x4f: {  	v27 =	vld [tilespmem:s16+$0xC0];
	v40 =	vmul.f32 v58, v50;
	v33 =	vmul.f32 v33, v45;
	v37 =	vadd.f32 v26, v34  }
0x50: {  	v34 =	vmul.f32 v48, v61;
	v26 =	vld [tilespmem:s16+$0x80C0];
	v54 =	vcvt.s32.f32 v15;
	v63 =	vadd.f32 v57, v25  }
0x51: {  	v21 =	vand.u32 v56, v15;
	v39 =	vadd.f32 v53, v59;
	v25 =	vld [tilespmem:s16+$0xF0];
	v43 =	vadd.f32 v33, v23  }
0x52: {  	s17 =	simm.s32 $0x400;
	v33 =	vld [tilespmem:s16+$0x80F0];
	v23 =	vmul.f32 v54, v19;
	v35 =	vand.u32 v52, v24;
	v41 =	vadd.f32 v51, v63  }
.LBB2_2:
0x53: {  	p0 =	sne.s32 s17, $0xFC00;
	v0 =	vmul.f32 v16, v0;
	v16 =	vadd.s32 v18, v30;
	v18 =	vld [tilespmem:s16+$0xD0];
	s16 =	sshra.s32 s17, $0x2;
	s17 =	sadd.s32 $0x400, s17;
	v44 =	vcvt.s32.f32 v24  }
0x54: {  	v42 =	vadd.f32 v42, v43;
	v17 =	vadd.s32 v17, v22;
	v30 =	vld [tilespmem:s16+$0xA0];
	v13 =	vadd.s32 v13, v16  }
0x55: {  	v10 =	vadd.s32 v10, v17;
	v16 =	vld [tilespmem:s16+$0x80B0];
	v11 =	vadd.s32 v11, v13;
	v13 =	vcvt.s32.f32 v35  }
0x56: {  	v3 =	vadd.s32 v3, v10;
	v10 =	vadd.f32 v31, v39;
	v22 =	vld [tilespmem:s16+$0x80];
	v11 =	vadd.s32 v12, v11  }
0x57: {  	v0 =	vadd.f32 v0, v42;
	v12 =	vadd.f32 v20, v41;
	v17 =	vand.u32 v28, v26;
	v31 =	vld [tilespmem:s16+$0x8050]  }
0x58: {  	v4 =	vadd.s32 v4, v3;
	v3 =	vadd.f32 v40, v37;
	v20 =	vand.u32 v32, v33;
	v28 =	vld [tilespmem:s16+$0x4070]  }
0x59: {  	v0 =	vadd.f32 v7, v0;
	v7 =	vcvt.s32.f32 v17;
	v37 =	vcvt.s32.f32 v20;
	v32 =	vld [tilespmem:s16+$0x4050]  }
0x5a: {  	v11 =	vadd.s32 v17, v11;
	v38 =	vadd.f32 v38, v3;
	v17 =	vmul.f32 v44, v18;
	v39 =	vld [tilespmem:s16+$0x60]  }
0x5b: {  	v8 =	vadd.f32 v8, v12;
	v12 =	vmul.f32 v13, v18;
	v13 =	vcvt.s32.f32 v33;
	v40 =	vld [tilespmem:s16+$0x80A0]  }
0x5c: {  	v10 =	vadd.f32 v34, v10;
	v18 =	vadd.s32 v2, v36;
	v17 =	vadd.f32 v17, v38;
	v2 =	vmovc v16;
	v3 =	vld [tilespmem:s16+$0x8060]  }
0x5d: {  	v0 =	vadd.f32 v9, v0;
	v7 =	vmul.f32 v7, v27;
	v9 =	vadd.s32 v35, v29;
	v16 =	vld [tilespmem:s16+$0x4060]  }
0x5e: {  	v35 =	vcvt.s32.f32 v26;
	v18 =	vadd.s32 v24, v18;
	v13 =	vmul.f32 v13, v25;
	v34 =	vld [tilespmem:s16+$0x4080]  }
0x5f: {  	v36 =	vadd.s32 v33, v18;
	v14 =	vadd.f32 v14, v0;
	v0 =	vadd.s32 v1, v4;
	v29 =	vld [tilespmem:s16+$0x20]  }
0x60: {  	v6 =	vadd.f32 v6, v8;
	v8 =	vmul.f32 v35, v27;
	v24 =	vadd.f32 v13, v17;
	v18 =	vld [tilespmem:s16+$0x40A0];
	v1 =	vmovc v40  }
0x61: {  	v13 =	vadd.s32 v26, v0;
	v26 =	vadd.s32 v21, v11;
	v11 =	vmul.f32 v37, v25;
	v4 =	vld [tilespmem:s16+$0x8080]  }
0x62: {  	v10 =	vadd.f32 v12, v10;
	v8 =	vadd.f32 v8, v14;
	v14 =	vadd.s32 v15, v13;
	v0 =	vld [tilespmem:s16+$0x40]  }
0x63: {  	v9 =	vadd.s32 v20, v9;
	v5 =	vadd.f32 v5, v6;
	v6 =	vcvt.s32.f32 v21;
	v15 =	vld [tilespmem:s16+$0x10]  }
0x64: {  	v21 =	vadd.f32 v11, v10;
	v23 =	vadd.f32 v23, v8;
	v17 =	vld [tilespmem:s16+$0x4040]  }
0x65: {  	v5 =	vadd.f32 v7, v5;
	v6 =	vmul.f32 v6, v19;
	v8 =	vcvt.s32.f32 v3;
	v25 =	vld [tilespmem:s16+$0x30]  }
0x66: {  	v10 =	vld [tilespmem:s16+$0x8040];
	v11 =	vand.u32 v34, v4;
	v19 =	vcvt.s32.f32 v4  }
0x67: {  	v27 =	vadd.f32 v6, v5;
	v7 =	vmul.f32 v8, v39;
	v20 =	vld [tilespmem:s16+$0x8010]  }
0x68: {  	v6 =	vcvt.s32.f32 v11;
	v5 =	vld [tilespmem:s16+$0x4010]  }
0x69: {  	v13 =	vand.u32 v16, v3;
	v34 =	vld [tilespmem:s16+$0x4030]  }
0x6a: {  	v33 =	vcvt.s32.f32 v2;
	v8 =	vcvt.s32.f32 v13;
	v35 =	vld [tilespmem:s16+$0x4020]  }
0x6b: {  	v38 =	vcvt.s32.f32 v1;
	v12 =	vand.u32 v18, v1;
	v37 =	vld [tilespmem:s16+$0x8030];
	v16 =	vcvt.s32.f32 v10  }
0x6c: {  	v8 =	vmul.f32 v8, v39;
	v18 =	vand.u32 v17, v10;
	v40 =	vld [tilespmem:s16+$0x4000];
	v41 =	vcvt.s32.f32 v20  }
0x6d: {  	v6 =	vmul.f32 v6, v22;
	v36 =	vadd.s32 v36, v20;
	v5 =	vand.u32 v5, v20;
	v17 =	vld [tilespmem:s16+$0x8020]  }
0x6e: {  	v39 =	vld [tilespmem:s16+$0x8000];
	v20 =	vcvt.s32.f32 v5;
	v42 =	vadd.s32 v9, v5;
	v5 =	vcvt.s32.f32 v12  }
0x6f: {  	v43 =	vcvt.s32.f32 v18;
	v9 =	vmul.f32 v19, v22;
	v44 =	vld [tilespmem:s16+$0x8070]  }
0x70: {  	v19 =	vmul.f32 v20, v15;
	v22 =	vand.u32 v34, v37;
	v5 =	vmul.f32 v5, v30;
	v34 =	vld [tilespmem:s16+$0x40B0]  }
0x71: {  	v32 =	vand.u32 v32, v31;
	v20 =	vmul.f32 v43, v0;
	v45 =	vcvt.s32.f32 v22;
	v43 =	vld [tilespmem:s16+$0x50]  }
0x72: {  	v46 =	vcvt.s32.f32 v37;
	v42 =	vadd.s32 v22, v42;
	v35 =	vand.u32 v35, v17;
	v47 =	vld [tilespmem:s16+$0x4090]  }
0x73: {  	v48 =	vcvt.s32.f32 v31;
	v22 =	vadd.s32 v14, v39;
	v45 =	vmul.f32 v45, v25;
	v49 =	vld [tilespmem:s16+$0x8090]  }
0x74: {  	v41 =	vmul.f32 v41, v15;
	v15 =	vadd.f32 v19, v21;
	v19 =	vadd.s32 v37, v36;
	v21 =	vld [tilespmem:s16+$0x70]  }
0x75: {  	v25 =	vmul.f32 v46, v25;
	v14 =	vmul.f32 v38, v30;
	v36 =	vand.u32 v28, v44;
	v46 =	vld [tilespmem:s16+$0x40D0]  }
0x76: {  	v30 =	vand.u32 v40, v39;
	v38 =	vadd.f32 v45, v15;
	v37 =	vld [tilespmem:s16+$0x0];
	v40 =	vmul.f32 v48, v43  }
0x77: {  	v15 =	vadd.s32 v31, v19;
	v19 =	vcvt.s32.f32 v44;
	v34 =	vand.u32 v34, v2;
	v45 =	vld [tilespmem:s16+$0x90]  }
0x78: {  	v42 =	vadd.s32 v32, v42;
	v31 =	vcvt.s32.f32 v32;
	v48 =	vcvt.s32.f32 v17;
	v28 =	vld [tilespmem:s16+$0x40C0]  }
0x79: {  	v32 =	vcvt.s32.f32 v35;
	v44 =	vadd.s32 v44, v15;
	v50 =	vcvt.s32.f32 v34;
	v51 =	vld [tilespmem:s16+$0x40E0]  }
0x7a: {  	v52 =	vcvt.s32.f32 v30;
	v31 =	vmul.f32 v31, v43;
	v43 =	vand.u32 v47, v49;
	v15 =	vld [tilespmem:s16+$0x80E0]  }
0x7b: {  	v26 =	vadd.s32 v26, v30;
	v53 =	vcvt.s32.f32 v36;
	v47 =	vmul.f32 v32, v29;
	v32 =	vld [tilespmem:s16+$0x40F0]  }
0x7c: {  	v30 =	vadd.s32 v35, v26;
	v35 =	vadd.s32 v36, v42;
	v26 =	vmul.f32 v19, v21  }
0x7d: {  	v19 =	vadd.f32 v41, v24;
	v36 =	vmul.f32 v52, v37;
	v52 =	vcvt.s32.f32 v49;
	v24 =	vld [tilespmem:s16+$0x80D0]  }
0x7e: {  	v39 =	vcvt.s32.f32 v39;
	v38 =	vadd.f32 v31, v38;
	v31 =	vcvt.s32.f32 v43;
	v54 =	vld [tilespmem:s16+$0xB0]  }
0x7f: {  	v41 =	vmul.f32 v53, v21;
	v25 =	vadd.f32 v25, v19;
	v19 =	vld [tilespmem:s16+$0xE0];
	v21 =	vand.u32 v51, v15  }
0x80: {  	v35 =	vadd.s32 v43, v35;
	v31 =	vmul.f32 v31, v45;
	v51 =	vcvt.s32.f32 v15  }
.Ltmp0:
0x81: {  	v42 =	vmul.f32 v48, v29;
	v37 =	vmul.f32 v39, v37;
	v40 =	vadd.f32 v40, v25;
	(pc) =	sbr.rel @p0 .LBB2_2-.Ltmp0, $4  }
0x82: {  	v29 =	vadd.s32 v34, v35;
	v39 =	vadd.f32 v41, v38;
	v36 =	vadd.f32 v36, v27;
	v25 =	vld [tilespmem:s16+$0xF0]  }
0x83: {  	v43 =	vadd.f32 v37, v23;
	v37 =	vadd.f32 v26, v40;
	v34 =	vmul.f32 v50, v54;
	v27 =	vld [tilespmem:s16+$0xC0]  }
0x84: {  	v41 =	vadd.f32 v47, v36;
	v40 =	vmul.f32 v52, v45;
	v26 =	vld [tilespmem:s16+$0x80C0];
	v23 =	vmul.f32 v51, v19  }
0x85: {  	v36 =	vadd.s32 v49, v44;
	v35 =	vand.u32 v46, v24;
	v38 =	vmul.f32 v33, v54;
	v33 =	vld [tilespmem:s16+$0x80F0]  }
0x86: {  	p0 =	seq.s32 s14, $0x3  }
0x87: {  	s15 =	sadd.s32 @!p0 s15, s8  }
0x88: {  	s15 =	sshrl.u32 @!p0 s15, $0x3  }
0x89: {  	v44 =	vld [tilespmem:s16+$0xD0];
	s17 =	simm.s32 @!p0 $0x0;
	s16 =	sadd.s32 @!p0 s3, s15  }
0x8a: {  	[tilespmem:s17], [sflag:$0x1] =	stream.linear.gather @!p0 [hbm4b:s16+s17], $0x4000, $0x38;
	[tilespmem:$0x18080] =	vst v63  }
0x8b: {  	s18 =	simm.s32 @!p0 $0x4000;
	s16 =	sadd.s32 @!p0 s4, s15  }
0x8c: {  	[tilespmem:s18], [sflag:$0x1] =	stream.linear.gather @!p0 [hbm4b:s16+s17], $0x4000, $0x38;
	[tilespmem:$0x18080] =	vst v63  }
0x8d: {  	s15 =	sadd.s32 @!p0 s5, s15;
	s16 =	simm.s32 @!p0 $0x8000  }
0x8e: {  	[tilespmem:s16], [sflag:$0x1] =	stream.linear.gather @!p0 [hbm4b:s15+s17], $0x4000, $0x38;
	[tilespmem:$0x18080] =	vst v63  }
0x8f: {  	_ =	swait.ge [sflag:s13], $0x4000  }
0x90: {  	[sflag:s13] =	ssyncset.done $0x0  }
0x91: {  	[sflag:s13] =	ssyncadd.s32 $0xFFFFC000  }
0x92: {  	_ =	swait.ge [sflag:s13], $0x4000  }
0x93: {  	[sflag:s13] =	ssyncset.done $0x0  }
0x94: {  	v16 =	vmul.f32 v16, v0;
	[sflag:s13] =	ssyncadd.s32 $0xFFFFC000  }
0x95: {  	v0 =	vadd.s32 v18, v30;
	v18 =	vcvt.s32.f32 v24;
	v42 =	vadd.f32 v42, v43;
	_ =	swait.ge [sflag:s13], $0x4000  }
0x96: {  	v17 =	vadd.s32 v17, v22;
	v2 =	vadd.s32 v2, v36;
	v13 =	vadd.s32 v13, v0;
	[sflag:s13] =	ssyncset.done $0x0  }
0x97: {  	v10 =	vadd.s32 v10, v17;
	v2 =	vadd.s32 v24, v2;
	v11 =	vadd.s32 v11, v13;
	s15 =	simm.s32 $0x0;
	[sflag:s13] =	ssyncadd.s32 $0xFFFFC000  }
0x98: {  	v13 =	vcvt.s32.f32 v35;
	v3 =	vadd.s32 v3, v10;
	v10 =	vadd.f32 v31, v39;
	v30 =	vld [tilespmem:s15+$0xC0A0]  }
0x99: {  	v11 =	vadd.s32 v12, v11;
	v12 =	vadd.f32 v16, v42;
	v16 =	vadd.f32 v20, v41;
	v0 =	vld [tilespmem:s15+$0x140B0]  }
0x9a: {  	v17 =	vand.u32 v28, v26;
	v28 =	vadd.s32 v4, v3;
	v3 =	vadd.f32 v40, v37;
	v22 =	vld [tilespmem:s15+$0xC080]  }
0x9b: {  	v50 =	vcvt.s32.f32 v26;
	v32 =	vand.u32 v32, v33;
	v11 =	vadd.s32 v17, v11;
	v31 =	vld [tilespmem:s15+$0x14050]  }
0x9c: {  	v10 =	vadd.f32 v34, v10;
	v28 =	vadd.s32 v1, v28;
	v7 =	vadd.f32 v7, v12;
	v47 =	vld [tilespmem:s15+$0x10050]  }
0x9d: {  	v12 =	vcvt.s32.f32 v17;
	v38 =	vadd.f32 v38, v3;
	v17 =	vmul.f32 v18, v44;
	v49 =	vld [tilespmem:s15+$0xC060]  }
0x9e: {  	v51 =	vadd.s32 v33, v2;
	v48 =	vcvt.s32.f32 v32;
	v8 =	vadd.f32 v8, v16;
	v3 =	vld [tilespmem:s15+$0x140A0]  }
0x9f: {  	v13 =	vmul.f32 v13, v44;
	v16 =	vcvt.s32.f32 v33;
	v17 =	vadd.f32 v17, v38;
	v4 =	vld [tilespmem:s15+$0x14060]  }
0xa0: {  	v7 =	vadd.f32 v9, v7;
	v9 =	vmul.f32 v12, v27;
	v12 =	vadd.s32 v35, v29;
	v18 =	vld [tilespmem:s15+$0x10060]  }
0xa1: {  	v16 =	vmul.f32 v16, v25;
	v2 =	vadd.f32 v6, v8;
	v6 =	vmul.f32 v50, v27;
	v29 =	vld [tilespmem:s15+$0x10080]  }
0xa2: {  	v8 =	vadd.s32 v26, v28;
	v26 =	vadd.s32 v21, v11;
	v14 =	vadd.f32 v14, v7;
	v24 =	vld [tilespmem:s15+$0x100A0]  }
0xa3: {  	v11 =	vmul.f32 v48, v25;
	v10 =	vadd.f32 v13, v10;
	v2 =	vadd.f32 v5, v2;
	v1 =	vld [tilespmem:s15+$0x14080]  }
0xa4: {  	v27 =	vadd.f32 v16, v17;
	v5 =	vcvt.s32.f32 v21;
	v6 =	vadd.f32 v6, v14;
	v17 =	vld [tilespmem:s15+$0x10040]  }
0xa5: {  	v21 =	vadd.s32 v32, v12;
	v14 =	vadd.s32 v15, v8;
	v2 =	vadd.f32 v9, v2;
	v8 =	vld [tilespmem:s15+$0x14040]  }
0xa6: {  	v5 =	vmul.f32 v5, v19;
	v32 =	vadd.f32 v23, v6;
	v23 =	vadd.f32 v11, v10;
	v11 =	vld [tilespmem:s15+$0x14010]  }
0xa7: {  	v19 =	vld [tilespmem:s15+$0x10010]  }
0xa8: {  	v34 =	vadd.f32 v5, v2;
	v7 =	vld [tilespmem:s15+$0xC040];
	v6 =	vcvt.s32.f32 v4;
	v10 =	vand.u32 v29, v1  }
0xa9: {  	v16 =	vld [tilespmem:s15+$0xC010];
	v28 =	vcvt.s32.f32 v1;
	v13 =	vand.u32 v18, v4;
	v35 =	vcvt.s32.f32 v0  }
0xaa: {  	v5 =	vld [tilespmem:s15+$0x10030];
	v15 =	vcvt.s32.f32 v8;
	v12 =	vand.u32 v24, v3;
	v52 =	vcvt.s32.f32 v3  }
0xab: {  	v58 =	vld [tilespmem:s15+$0xC050];
	v53 =	vcvt.s32.f32 v11;
	v18 =	vand.u32 v17, v8;
	v46 =	vcvt.s32.f32 v31  }
0xac: {  	v48 =	vld [tilespmem:s15+$0x14090];
	v19 =	vand.u32 v19, v11;
	v2 =	vcvt.s32.f32 v10;
	v9 =	vcvt.s32.f32 v13  }
0xad: {  	v29 =	vld [tilespmem:s15+$0x14030];
	v37 =	vand.u32 v47, v31;
	v54 =	vcvt.s32.f32 v19;
	v55 =	vcvt.s32.f32 v12  }
0xae: {  	v24 =	vld [tilespmem:s15+$0x10020];
	v21 =	vadd.s32 v21, v19;
	v19 =	vcvt.s32.f32 v18;
	v61 =	vcvt.s32.f32 v37  }
0xaf: {  	v17 =	vld [tilespmem:s15+$0x14020];
	v33 =	vadd.s32 v51, v11;
	v6 =	vmul.f32 v6, v49;
	v11 =	vmul.f32 v28, v22  }
0xb0: {  	v39 =	vld [tilespmem:s15+$0x14000];
	v38 =	vmul.f32 v53, v16;
	v36 =	vmul.f32 v46, v58  }
0xb1: {  	v56 =	vld [tilespmem:s15+$0x10000];
	v9 =	vmul.f32 v9, v49;
	v2 =	vmul.f32 v2, v22  }
0xb2: {  	v20 =	vld [tilespmem:s15+$0x10070];
	v40 =	vmul.f32 v54, v16;
	v19 =	vmul.f32 v19, v7  }
0xb3: {  	v47 =	vld [tilespmem:s15+$0x10090];
	v43 =	vmul.f32 v61, v58;
	v58 =	vcvt.s32.f32 v48  }
0xb4: {  	v28 =	vld [tilespmem:s15+$0x14070];
	v22 =	vand.u32 v5, v29;
	v5 =	vmul.f32 v55, v30;
	v24 =	vand.u32 v24, v17  }
0xb5: {  	v25 =	vld [tilespmem:s15+$0xC030];
	v45 =	vcvt.s32.f32 v29;
	v16 =	vadd.f32 v40, v23;
	v23 =	vadd.s32 v29, v33  }
0xb6: {  	v59 =	vld [tilespmem:s15+$0x100B0];
	v29 =	vand.u32 v56, v39;
	v42 =	vcvt.s32.f32 v17;
	v57 =	vcvt.s32.f32 v22  }
0xb7: {  	v53 =	vld [tilespmem:s15+$0xC0B0];
	v21 =	vadd.s32 v22, v21;
	v22 =	vadd.s32 v14, v39;
	v14 =	vmul.f32 v52, v30  }
0xb8: {  	v51 =	vld [tilespmem:s15+$0x100D0];
	v63 =	vand.u32 v47, v48;
	v62 =	vcvt.s32.f32 v24;
	v49 =	vcvt.s32.f32 v29  }
0xb9: {  	v40 =	vld [tilespmem:s15+$0xC070];
	v26 =	vadd.s32 v26, v29;
	v20 =	vand.u32 v20, v28;
	v21 =	vadd.s32 v37, v21  }
0xba: {  	v30 =	vld [tilespmem:s15+$0xC020];
	v26 =	vadd.s32 v24, v26;
	v41 =	vmul.f32 v57, v25;
	v25 =	vmul.f32 v45, v25  }
0xbb: {  	v56 =	vld [tilespmem:s15+$0xC090];
	v57 =	vcvt.s32.f32 v20;
	v52 =	vadd.s32 v20, v21;
	v20 =	vadd.f32 v38, v27  }
0xbc: {  	v33 =	vld [tilespmem:s15+$0x100F0];
	v27 =	vcvt.s32.f32 v39;
	v38 =	vmul.f32 v35, v53;
	v61 =	vadd.s32 v63, v52  }
0xbd: {  	v60 =	vadd.f32 v41, v16;
	v16 =	vadd.s32 v31, v23;
	v23 =	vcvt.s32.f32 v28;
	v41 =	vld [tilespmem:s15+$0xC000]  }
0xbe: {  	v31 =	vand.u32 v59, v0;
	v37 =	vmul.f32 v57, v40;
	v45 =	vadd.s32 v28, v16;
	v28 =	vld [tilespmem:s15+$0x100E0]  }
0xbf: {  	v25 =	vadd.f32 v25, v20;
	v46 =	vcvt.s32.f32 v31;
	v16 =	vld [tilespmem:s15+$0x140E0];
	v50 =	vmul.f32 v62, v30  }
0xc0: {  	v20 =	vld [tilespmem:s15+$0xC0E0];
	v42 =	vmul.f32 v42, v30;
	v24 =	vmul.f32 v23, v40;
	v59 =	vadd.f32 v43, v60  }
0xc1: {  	v60 =	vcvt.s32.f32 v63;
	v23 =	vld [tilespmem:s15+$0x140D0];
	v30 =	vadd.f32 v36, v25;
	v25 =	vadd.s32 v31, v61  }
0xc2: {  	v29 =	vld [tilespmem:s15+$0x100C0];
	v40 =	vmul.f32 v58, v56;
	v36 =	vadd.s32 v48, v45;
	v49 =	vmul.f32 v49, v41  }
0xc3: {  	v31 =	vld [tilespmem:s15+$0xC0C0];
	v39 =	vadd.f32 v37, v59;
	v37 =	vadd.f32 v24, v30;
	v41 =	vmul.f32 v27, v41  }
0xc4: {  	v30 =	vld [tilespmem:s15+$0x140C0];
	v21 =	vand.u32 v28, v16;
	v62 =	vcvt.s32.f32 v16;
	v63 =	vadd.f32 v49, v34  }
0xc5: {  	v27 =	vld [tilespmem:s15+$0xC0F0];
	v28 =	vmul.f32 v60, v56;
	v43 =	vadd.f32 v41, v32;
	v34 =	vmul.f32 v46, v53  }
0xc6: {  	s16 =	simm.s32 $0x400;
	v35 =	vand.u32 v51, v23;
	v32 =	vld [tilespmem:s15+$0x140F0];
	v24 =	vmul.f32 v62, v20;
	v41 =	vadd.f32 v50, v63  }
.LBB2_4:
0xc7: {  	p0 =	sne.s32 s16, $0xFC00;
	v7 =	vmul.f32 v15, v7;
	v15 =	vadd.s32 v18, v26;
	v18 =	vld [tilespmem:s15+$0xC0D0];
	s15 =	sshra.s32 s16, $0x2;
	s16 =	sadd.s32 $0x400, s16;
	v44 =	vcvt.s32.f32 v23  }
0xc8: {  	v42 =	vadd.f32 v42, v43;
	v17 =	vadd.s32 v17, v22;
	v26 =	vld [tilespmem:s15+$0xC0A0];
	v13 =	vadd.s32 v13, v15  }
0xc9: {  	v8 =	vadd.s32 v8, v17;
	v15 =	vld [tilespmem:s15+$0x140B0];
	v10 =	vadd.s32 v10, v13;
	v13 =	vcvt.s32.f32 v35  }
0xca: {  	v4 =	vadd.s32 v4, v8;
	v8 =	vadd.f32 v28, v39;
	v22 =	vld [tilespmem:s15+$0xC080];
	v10 =	vadd.s32 v12, v10  }
0xcb: {  	v7 =	vadd.f32 v7, v42;
	v12 =	vadd.f32 v19, v41;
	v17 =	vand.u32 v29, v30;
	v28 =	vld [tilespmem:s15+$0x14050]  }
0xcc: {  	v1 =	vadd.s32 v1, v4;
	v4 =	vadd.f32 v40, v37;
	v19 =	vand.u32 v33, v32;
	v29 =	vld [tilespmem:s15+$0x10070]  }
0xcd: {  	v6 =	vadd.f32 v6, v7;
	v7 =	vcvt.s32.f32 v17;
	v37 =	vcvt.s32.f32 v19;
	v33 =	vld [tilespmem:s15+$0x10050]  }
0xce: {  	v10 =	vadd.s32 v17, v10;
	v38 =	vadd.f32 v38, v4;
	v17 =	vmul.f32 v44, v18;
	v39 =	vld [tilespmem:s15+$0xC060]  }
0xcf: {  	v9 =	vadd.f32 v9, v12;
	v12 =	vmul.f32 v13, v18;
	v13 =	vcvt.s32.f32 v32;
	v40 =	vld [tilespmem:s15+$0x140A0]  }
0xd0: {  	v8 =	vadd.f32 v34, v8;
	v18 =	vadd.s32 v0, v36;
	v17 =	vadd.f32 v17, v38;
	v0 =	vmovc v15;
	v4 =	vld [tilespmem:s15+$0x14060]  }
0xd1: {  	v34 =	vadd.s32 v35, v25;
	v6 =	vadd.f32 v11, v6;
	v11 =	vmul.f32 v7, v31;
	v15 =	vld [tilespmem:s15+$0x10060]  }
0xd2: {  	v7 =	vcvt.s32.f32 v30;
	v18 =	vadd.s32 v23, v18;
	v13 =	vmul.f32 v13, v27;
	v35 =	vld [tilespmem:s15+$0x10080]  }
0xd3: {  	v36 =	vadd.s32 v32, v18;
	v6 =	vadd.f32 v14, v6;
	v14 =	vadd.s32 v3, v1;
	v25 =	vld [tilespmem:s15+$0xC020]  }
0xd4: {  	v2 =	vadd.f32 v2, v9;
	v9 =	vmul.f32 v7, v31;
	v23 =	vadd.f32 v13, v17;
	v18 =	vld [tilespmem:s15+$0x100A0];
	v3 =	vmovc v40  }
0xd5: {  	v13 =	vadd.s32 v30, v14;
	v30 =	vadd.s32 v21, v10;
	v10 =	vmul.f32 v37, v27;
	v1 =	vld [tilespmem:s15+$0x14080]  }
0xd6: {  	v8 =	vadd.f32 v12, v8;
	v6 =	vadd.f32 v9, v6;
	v14 =	vadd.s32 v16, v13;
	v7 =	vld [tilespmem:s15+$0xC040]  }
0xd7: {  	v19 =	vadd.s32 v19, v34;
	v2 =	vadd.f32 v5, v2;
	v5 =	vcvt.s32.f32 v21;
	v16 =	vld [tilespmem:s15+$0xC010]  }
0xd8: {  	v21 =	vadd.f32 v10, v8;
	v24 =	vadd.f32 v24, v6;
	v9 =	vld [tilespmem:s15+$0x10040]  }
0xd9: {  	v2 =	vadd.f32 v11, v2;
	v5 =	vmul.f32 v5, v20;
	v6 =	vcvt.s32.f32 v4;
	v27 =	vld [tilespmem:s15+$0xC030]  }
0xda: {  	v8 =	vld [tilespmem:s15+$0x14040];
	v10 =	vand.u32 v35, v1;
	v11 =	vcvt.s32.f32 v1  }
0xdb: {  	v31 =	vadd.f32 v5, v2;
	v6 =	vmul.f32 v6, v39;
	v17 =	vld [tilespmem:s15+$0x14010]  }
0xdc: {  	v5 =	vcvt.s32.f32 v10;
	v2 =	vld [tilespmem:s15+$0x10010]  }
0xdd: {  	v13 =	vand.u32 v15, v4;
	v20 =	vld [tilespmem:s15+$0x10030]  }
0xde: {  	v32 =	vcvt.s32.f32 v0;
	v35 =	vcvt.s32.f32 v13;
	v34 =	vld [tilespmem:s15+$0x10020]  }
0xdf: {  	v38 =	vcvt.s32.f32 v3;
	v12 =	vand.u32 v18, v3;
	v37 =	vld [tilespmem:s15+$0x14030];
	v15 =	vcvt.s32.f32 v8  }
0xe0: {  	v18 =	vand.u32 v9, v8;
	v9 =	vmul.f32 v35, v39;
	v40 =	vld [tilespmem:s15+$0x10000];
	v41 =	vcvt.s32.f32 v17  }
0xe1: {  	v36 =	vadd.s32 v36, v17;
	v35 =	vand.u32 v2, v17;
	v17 =	vld [tilespmem:s15+$0x14020];
	v2 =	vmul.f32 v5, v22  }
0xe2: {  	v39 =	vld [tilespmem:s15+$0x14000];
	v5 =	vcvt.s32.f32 v35;
	v35 =	vadd.s32 v19, v35;
	v19 =	vcvt.s32.f32 v12  }
0xe3: {  	v11 =	vmul.f32 v11, v22;
	v42 =	vcvt.s32.f32 v18;
	v43 =	vld [tilespmem:s15+$0x14070]  }
0xe4: {  	v44 =	vmul.f32 v5, v16;
	v20 =	vand.u32 v20, v37;
	v5 =	vmul.f32 v19, v26;
	v45 =	vld [tilespmem:s15+$0x100B0]  }
0xe5: {  	v33 =	vand.u32 v33, v28;
	v19 =	vmul.f32 v42, v7;
	v46 =	vcvt.s32.f32 v20;
	v42 =	vld [tilespmem:s15+$0xC050]  }
0xe6: {  	v47 =	vcvt.s32.f32 v37;
	v20 =	vadd.s32 v20, v35;
	v34 =	vand.u32 v34, v17;
	v35 =	vld [tilespmem:s15+$0x10090]  }
0xe7: {  	v48 =	vcvt.s32.f32 v28;
	v22 =	vadd.s32 v14, v39;
	v46 =	vmul.f32 v46, v27;
	v49 =	vld [tilespmem:s15+$0x14090]  }
0xe8: {  	v41 =	vmul.f32 v41, v16;
	v16 =	vadd.f32 v44, v21;
	v21 =	vadd.s32 v37, v36;
	v36 =	vld [tilespmem:s15+$0xC070]  }
0xe9: {  	v27 =	vmul.f32 v47, v27;
	v14 =	vmul.f32 v38, v26;
	v37 =	vand.u32 v29, v43;
	v44 =	vld [tilespmem:s15+$0x100D0]  }
0xea: {  	v26 =	vand.u32 v40, v39;
	v40 =	vadd.f32 v46, v16;
	v38 =	vld [tilespmem:s15+$0xC000];
	v46 =	vmul.f32 v48, v42  }
0xeb: {  	v16 =	vadd.s32 v28, v21;
	v21 =	vcvt.s32.f32 v43;
	v45 =	vand.u32 v45, v0;
	v47 =	vld [tilespmem:s15+$0xC090]  }
0xec: {  	v20 =	vadd.s32 v33, v20;
	v28 =	vcvt.s32.f32 v33;
	v48 =	vcvt.s32.f32 v17;
	v29 =	vld [tilespmem:s15+$0x100C0]  }
0xed: {  	v33 =	vcvt.s32.f32 v34;
	v50 =	vadd.s32 v43, v16;
	v51 =	vcvt.s32.f32 v45;
	v43 =	vld [tilespmem:s15+$0x100E0]  }
0xee: {  	v52 =	vcvt.s32.f32 v26;
	v28 =	vmul.f32 v28, v42;
	v35 =	vand.u32 v35, v49;
	v16 =	vld [tilespmem:s15+$0x140E0]  }
0xef: {  	v26 =	vadd.s32 v30, v26;
	v30 =	vmul.f32 v33, v25;
	v42 =	vcvt.s32.f32 v37;
	v33 =	vld [tilespmem:s15+$0x100F0]  }
0xf0: {  	v26 =	vadd.s32 v34, v26;
	v37 =	vadd.s32 v37, v20;
	v34 =	vmul.f32 v21, v36  }
0xf1: {  	v20 =	vadd.f32 v41, v23;
	v53 =	vcvt.s32.f32 v49;
	v52 =	vmul.f32 v52, v38;
	v23 =	vld [tilespmem:s15+$0x140D0]  }
0xf2: {  	v39 =	vcvt.s32.f32 v39;
	v40 =	vadd.f32 v28, v40;
	v28 =	vcvt.s32.f32 v35;
	v54 =	vld [tilespmem:s15+$0xC0B0]  }
0xf3: {  	v27 =	vadd.f32 v27, v20;
	v36 =	vmul.f32 v42, v36;
	v20 =	vld [tilespmem:s15+$0xC0E0];
	v21 =	vand.u32 v43, v16  }
0xf4: {  	v35 =	vadd.s32 v35, v37;
	v28 =	vmul.f32 v28, v47;
	v55 =	vcvt.s32.f32 v16  }
.Ltmp1:
0xf5: {  	v42 =	vmul.f32 v48, v25;
	v37 =	vmul.f32 v39, v38;
	v38 =	vadd.f32 v46, v27;
	(pc) =	sbr.rel @p0 .LBB2_4-.Ltmp1, $4  }
0xf6: {  	v25 =	vadd.s32 v45, v35;
	v39 =	vadd.f32 v36, v40;
	v41 =	vadd.f32 v52, v31;
	v27 =	vld [tilespmem:s15+$0xC0F0]  }
0xf7: {  	v43 =	vadd.f32 v37, v24;
	v37 =	vadd.f32 v34, v38;
	v34 =	vmul.f32 v51, v54;
	v31 =	vld [tilespmem:s15+$0xC0C0]  }
0xf8: {  	v40 =	vmul.f32 v53, v47;
	v41 =	vadd.f32 v30, v41;
	v30 =	vld [tilespmem:s15+$0x140C0];
	v24 =	vmul.f32 v55, v20  }
0xf9: {  	v36 =	vadd.s32 v49, v50;
	v35 =	vand.u32 v44, v23;
	v38 =	vmul.f32 v32, v54;
	v32 =	vld [tilespmem:s15+$0x140F0]  }
0xfa: {  	v7 =	vmul.f32 v15, v7;
	v15 =	vadd.s32 v18, v26  }
0xfb: {  	v18 =	vcvt.s32.f32 v23;
	v17 =	vadd.s32 v17, v22;
	v0 =	vadd.s32 v0, v36  }
0xfc: {  	v13 =	vadd.s32 v13, v15;
	v15 =	vadd.f32 v42, v43;
	v8 =	vadd.s32 v8, v17  }
0xfd: {  	v17 =	vcvt.s32.f32 v35;
	v0 =	vadd.s32 v23, v0;
	v10 =	vadd.s32 v10, v13  }
0xfe: {  	v4 =	vadd.s32 v4, v8;
	v8 =	vadd.f32 v28, v39;
	v10 =	vadd.s32 v12, v10  }
0xff: {  	v13 =	vld [tilespmem:s15+$0xC0D0];
	v7 =	vadd.f32 v7, v15;
	v12 =	vadd.f32 v19, v41;
	v15 =	vand.u32 v29, v30  }
0x100: {  	v1 =	vadd.s32 v1, v4;
	v4 =	vadd.f32 v40, v37;
	v22 =	vand.u32 v33, v32  }
0x101: {  	v10 =	vadd.s32 v15, v10;
	v8 =	vadd.f32 v34, v8;
	v1 =	vadd.s32 v3, v1  }
0x102: {  	v3 =	vcvt.s32.f32 v21;
	v6 =	vadd.f32 v6, v7;
	v7 =	vcvt.s32.f32 v15  }
0x103: {  	v26 =	vcvt.s32.f32 v22;
	v4 =	vadd.f32 v38, v4;
	v9 =	vadd.f32 v9, v12  }
0x104: {  	v1 =	vadd.s32 v30, v1;
	v3 =	vmul.f32 v3, v20;
	v15 =	vmul.f32 v18, v13  }
0x105: {  	v12 =	vmul.f32 v17, v13;
	v13 =	vcvt.s32.f32 v32;
	v2 =	vadd.f32 v2, v9  }
0x106: {  	s14 =	sadd.s32 $0x1, s14;
	v6 =	vadd.f32 v11, v6;
	v4 =	vadd.f32 v15, v4;
	v15 =	vcvt.s32.f32 v30  }
0x107: {  	p0 =	sne.s32 s14, $0x4;
	v7 =	vmul.f32 v7, v31;
	v13 =	vmul.f32 v13, v27;
	v2 =	vadd.f32 v5, v2  }
.Ltmp2:
0x108: {  	v11 =	vadd.s32 v35, v25;
	v6 =	vadd.f32 v14, v6;
	v63 =	vmul.f32 v15, v31;
	(pc) =	sbr.rel @p0 .LBB2_1-.Ltmp2, $4  }
0x109: {  	v9 =	vadd.s32 v32, v0;
	v19 =	vadd.f32 v13, v4;
	v2 =	vadd.f32 v7, v2  }
0x10a: {  	v4 =	vmul.f32 v26, v27;
	v0 =	vadd.f32 v63, v6;
	v6 =	vadd.f32 v12, v8  }
0x10b: {  	v21 =	vadd.s32 v21, v10;
	v5 =	vadd.s32 v22, v11;
	v25 =	vadd.f32 v3, v2  }
0x10c: {  	v15 =	vadd.s32 v16, v1;
	v23 =	vadd.f32 v24, v0;
	v14 =	vadd.f32 v4, v6  }
0x10d: {  	_ = 	snop  }
0x10e: {  	v0 =	vadd.f32 v19, v23  }
0x10f: {  	v2 =	vadd.s32 v15, v9;
	v1 =	vadd.f32 v14, v25  }
0x110: {  	v3 =	vadd.s32 v21, v5;
	v2 =	vcvt.s32.f32 v2;
	[tilespmem:$0x18000] =	vst v0  }
0x111: {  	v63 =	vcvt.s32.f32 v3;
	[tilespmem:$0x18010] =	vst v1  }
0x112: {  	s3 =	sshll.u32 s1, $0x4;
	s30 =	simm.s32 $0x0;
	[tilespmem:$0x18020] =	vst v2  }
0x113: {  	s4 =	simm.s32 $0x18000;
	s31 =	simm.s32 $0x3;
	s2 =	sadd.s32 s2, s3;
	[tilespmem:$0x18030] =	vst v63  }
0x114: {  	[hbm4b:s2+s30] =	stream.linear.scatter [tilespmem:s4], [sflag:$0x3], $0x80, $0x38;
	[tilespmem:$0x18080] =	vst v63  }
0x115: {  	_ =	swait.ge [sflag:s31], $0x80  }
0x116: {  	[sflag:s31] =	ssyncset.done $0x0  }
0x117: {  	[sflag:s31] =	ssyncadd.s32 $0xFFFFFF80  }
0x118: {  	_ =	sfence.sel $0x180000  }
0x119: {  	[bflag:$0x0] =	sbarrier.arrive $0xFFFF  }
0x11a: {  	p0 =	sne.s32 s1, $0x0;
	_ =	strace $0x90000047  }
0x11b: {  	s0 =	sadd.s32 @!p0 $0x100000, s0;
	[bflag:$0x2] =	sbarrier.arrive $0xFFFF  }
0x11c: {  	[sflag:s0] =	ssyncadd.tile.s32 @!p0 $0x1;
	_ =	shalt  }
.Lfunc_end2:
_tile_overlayer_lowered:
.L_overlay_start_2:
0x11d: {  	(tag) =	ssettag $0x2  }
0x11e: {  	s0 =	rddreg [dreg:$0x0];
	s2 =	stileid.u32  }
0x11f: {  	s1 =	rddreg [dreg:$0x1];
	p0 =	sne.s32 s2, $0x0  }
0x120: {  	s3 =	rddreg [dreg:$0x2];
	[bflag:$0x3] =	sbarrier.arrive $0xFFFF;
	s2 =	simm.s32 @!p0 $0x1C03  }
0x121: {  	[timem:s3], [sflag:s2] =	dma.local @!p0 [hbm:s0], s1  }
0x122: {  	s0 =	simm.s32 @!p0 $0x3  }
0x123: {  	_ =	swait.ge @!p0 [sflag:s0], s1  }
0x124: {  	s1 =	ssub.s32 @!p0 $0x0, s1;
	[sflag:s0] =	ssyncset.done @!p0 $0x0  }
0x125: {  	[sflag:s0] =	ssyncadd.s32 @!p0 s1  }
0x126: {  	[bflag:$0x3] =	sbarrier.arrive $0xFFFF  }
0x127: {  	_ =	shalt  }

</sc_bundles>
